<compile_context>
chip_gen: v7x
topology: tpu7x:2x2x1
jax: 0.10.2.dev20260603
libtpu: 0.0.44.dev20260713+nightly
codegen_flags: <defaults>
</compile_context>

<pallas_src>
import jax
import jax.numpy as jnp
from jax import lax
from jax.experimental import pallas as pl
from jax.experimental.pallas import tpu as pltpu
from jax.experimental.pallas import tpu_sc as plsc

N_CORES = 2
N_SUBCORES = 16
N_WORKERS = N_CORES * N_SUBCORES
N_PAD = 100352
SLICE = N_PAD // N_SUBCORES
WROWS = N_PAD // N_WORKERS
BLK = 448
CH_A = 5000
CH_C = 1000
K = 8


def _rsqrt16(x):
    i = plsc.bitcast(x, jnp.int32)
    y = plsc.bitcast(jnp.full((16,), 0x5F3759DF, jnp.int32) - (i >> 1),
                     jnp.float32)
    for _ in range(3):
        y = y * (1.5 - 0.5 * x * y * y)
    return y


def _degrees_body(hi, w_hbm, z1_hbm, ones_hbm, dv_out, de_out,
                  in_a, ie_a, in_b, ie_b, wv_a, wv_b, ones_v,
                  w_sp, dv_sp, de_sp,
                  sem_la, sem_lb, sem_g, sem_sa, sem_sb):
    cid = lax.axis_index("c")
    sid = lax.axis_index("s")
    wid = cid * N_SUBCORES + sid
    soff = sid * SLICE
    pltpu.sync_copy(w_hbm.at[pl.ds(soff, SLICE)], w_sp.at[pl.ds(soff, SLICE)])
    pltpu.sync_copy(z1_hbm, dv_sp.at[pl.ds(soff, SLICE)])
    pltpu.sync_copy(z1_hbm, de_sp.at[pl.ds(soff, SLICE)])
    pltpu.sync_copy(ones_hbm, ones_v)
    plsc.subcore_barrier()

    n_pairs = hi.shape[0] // 2
    per_w = n_pairs // N_WORKERS
    assert per_w * N_WORKERS == n_pairs and per_w % (2 * CH_A) == 0
    nit2 = per_w // (2 * CH_A)
    base = wid * per_w

    def loads(i, idx_n, idx_e, sem):
        pltpu.async_copy(hi.at[pl.ds(base + i * CH_A, CH_A)], idx_n, sem)
        pltpu.async_copy(hi.at[pl.ds(n_pairs + base + i * CH_A, CH_A)],
                         idx_e, sem)

    def wait_loads(idx_n, idx_e, sem):
        pltpu.make_async_copy(hi.at[pl.ds(base, CH_A)], idx_n, sem).wait()
        pltpu.make_async_copy(hi.at[pl.ds(base, CH_A)], idx_e, sem).wait()

    def scatters(idx_n, idx_e, wv, sem):
        pltpu.async_copy(wv, dv_sp.at[idx_n], sem, add=True)
        pltpu.async_copy(ones_v, de_sp.at[idx_e], sem, add=True)

    def wait_scatters(idx_n, idx_e, wv, sem):
        pltpu.make_async_copy(wv, dv_sp.at[idx_n], sem).wait()
        pltpu.make_async_copy(ones_v, de_sp.at[idx_e], sem).wait()

    loads(0, in_a, ie_a, sem_la)

    def body(j, carry):
        @pl.when(j > 0)
        def _():
            wait_scatters(in_b, ie_b, wv_b, sem_sb)

        wait_loads(in_a, ie_a, sem_la)
        ga = pltpu.async_copy(w_sp.at[ie_a], wv_a, sem_g)
        loads(2 * j + 1, in_b, ie_b, sem_lb)
        ga.wait()
        scatters(in_a, ie_a, wv_a, sem_sa)
        wait_loads(in_b, ie_b, sem_lb)
        pltpu.async_copy(w_sp.at[ie_b], wv_b, sem_g).wait()
        wait_scatters(in_a, ie_a, wv_a, sem_sa)

        @pl.when(j < nit2 - 1)
        def _():
            loads(2 * j + 2, in_a, ie_a, sem_la)

        scatters(in_b, ie_b, wv_b, sem_sb)
        return carry

    lax.fori_loop(0, nit2, body, 0)
    wait_scatters(in_b, ie_b, wv_b, sem_sb)
    plsc.subcore_barrier()
    pltpu.sync_copy(dv_sp.at[pl.ds(soff, SLICE)],
                    dv_out.at[pl.ds(cid * N_PAD + soff, SLICE)])
    pltpu.sync_copy(de_sp.at[pl.ds(soff, SLICE)],
                    de_out.at[pl.ds(cid * N_PAD + soff, SLICE)])


def _edge_sums_body(hi, dv_hbm, z_hbm, z8_hbm, s_out,
                    dv0_v, dv1_v, rs_v, z_blk,
                    in_a, ie_a, in_b, ie_b, rows_a, rows_b,
                    nz_sp, s_sp,
                    sem_p, sem_la, sem_lb, sem_g, sem_sa, sem_sb):
    cid = lax.axis_index("c")
    sid = lax.axis_index("s")
    wid = cid * N_SUBCORES + sid
    soff = sid * SLICE
    n_pairs = hi.shape[0] // 2
    per_w = n_pairs // N_WORKERS
    assert per_w * N_WORKERS == n_pairs and per_w % (2 * CH_C) == 0
    nit2 = per_w // (2 * CH_C)
    base = wid * per_w

    def loads(i, idx_n, idx_e, sem):
        pltpu.async_copy(hi.at[pl.ds(base + i * CH_C, CH_C)], idx_n, sem)
        pltpu.async_copy(hi.at[pl.ds(n_pairs + base + i * CH_C, CH_C)],
                         idx_e, sem)

    def wait_loads(idx_n, idx_e, sem):
        pltpu.make_async_copy(hi.at[pl.ds(base, CH_C)], idx_n, sem).wait()
        pltpu.make_async_copy(hi.at[pl.ds(base, CH_C)], idx_e, sem).wait()

    loads(0, in_a, ie_a, sem_la)
    pltpu.sync_copy(z8_hbm, s_sp.at[pl.ds(soff, SLICE)])

    iota = lax.iota(jnp.int32, 16)
    sh3 = iota >> 3
    col = iota & 7

    def blk_body(b, carry):
        row = soff + b * BLK
        pltpu.async_copy(dv_hbm.at[pl.ds(row, BLK)], dv0_v, sem_p)
        pltpu.async_copy(dv_hbm.at[pl.ds(N_PAD + row, BLK)], dv1_v, sem_p)
        pltpu.async_copy(z_hbm.at[pl.ds(row, BLK)], z_blk, sem_p)
        pltpu.make_async_copy(dv_hbm.at[pl.ds(row, BLK)], dv0_v, sem_p).wait()
        pltpu.make_async_copy(dv_hbm.at[pl.ds(row, BLK)], dv1_v, sem_p).wait()
        pltpu.make_async_copy(z_hbm.at[pl.ds(row, BLK)], z_blk, sem_p).wait()

        def rv(r, c2):
            rr = r * 16
            x = dv0_v[pl.ds(rr, 16)] + dv1_v[pl.ds(rr, 16)]
            x = jnp.where(x == 0.0, 1.0, x)
            rs_v[pl.ds(rr, 16)] = _rsqrt16(x)
            return c2

        lax.fori_loop(0, BLK // 16, rv, 0)

        def zv(v, c2):
            for u in range(4):
                vv = (4 * v + u) * 16
                ridx = sh3 + (vv >> 3)
                r16 = plsc.load_gather(rs_v, [ridx])
                z16 = plsc.load_gather(z_blk, [ridx, col])
                plsc.store_scatter(z_blk, [ridx, col], r16 * z16)
            return c2

        lax.fori_loop(0, BLK * K // 64, zv, 0)
        pltpu.sync_copy(z_blk, nz_sp.at[pl.ds(row, BLK)])
        return carry

    lax.fori_loop(0, SLICE // BLK, blk_body, 0)
    plsc.subcore_barrier()

    def body(j, carry):
        @pl.when(j > 0)
        def _():
            pltpu.make_async_copy(rows_b, s_sp.at[ie_b], sem_sb).wait()

        wait_loads(in_a, ie_a, sem_la)
        ga = pltpu.async_copy(nz_sp.at[in_a], rows_a, sem_g)
        loads(2 * j + 1, in_b, ie_b, sem_lb)
        ga.wait()
        pltpu.async_copy(rows_a, s_sp.at[ie_a], sem_sa, add=True)
        wait_loads(in_b, ie_b, sem_lb)
        pltpu.async_copy(nz_sp.at[in_b], rows_b, sem_g).wait()
        pltpu.make_async_copy(rows_a, s_sp.at[ie_a], sem_sa).wait()

        @pl.when(j < nit2 - 1)
        def _():
            loads(2 * j + 2, in_a, ie_a, sem_la)

        pltpu.async_copy(rows_b, s_sp.at[ie_b], sem_sb, add=True)
        return carry

    lax.fori_loop(0, nit2, body, 0)
    pltpu.make_async_copy(rows_b, s_sp.at[ie_b], sem_sb).wait()
    plsc.subcore_barrier()
    pltpu.sync_copy(s_sp.at[pl.ds(soff, SLICE)],
                    s_out.at[cid, pl.ds(soff, SLICE)])


def _reduce_body(s_hbm, dv_hbm, de_hbm, w_hbm, z_hbm, th_out, f_out,
                 s0_blk, s1_blk, z_blk, dv0_v, dv1_v, de0_v, de1_v, wv_v,
                 wde_v, dvc_v, th_acc, f_acc, sem_p):
    cid = lax.axis_index("c")
    sid = lax.axis_index("s")
    wid = cid * N_SUBCORES + sid
    wbase = wid * WROWS

    iota = lax.iota(jnp.int32, 16)
    sh3 = iota >> 3
    col = iota & 7
    zero16 = jnp.zeros((16,), jnp.float32)
    th_acc[...] = zero16
    f_acc[...] = zero16

    def blk_body(b, carry):
        row = wbase + b * BLK
        pltpu.async_copy(s_hbm.at[0, pl.ds(row, BLK)], s0_blk, sem_p)
        pltpu.async_copy(s_hbm.at[1, pl.ds(row, BLK)], s1_blk, sem_p)
        pltpu.async_copy(z_hbm.at[pl.ds(row, BLK)], z_blk, sem_p)
        pltpu.async_copy(dv_hbm.at[pl.ds(row, BLK)], dv0_v, sem_p)
        pltpu.async_copy(dv_hbm.at[pl.ds(N_PAD + row, BLK)], dv1_v, sem_p)
        pltpu.async_copy(de_hbm.at[pl.ds(row, BLK)], de0_v, sem_p)
        pltpu.async_copy(de_hbm.at[pl.ds(N_PAD + row, BLK)], de1_v, sem_p)
        pltpu.async_copy(w_hbm.at[pl.ds(row, BLK)], wv_v, sem_p)
        pltpu.make_async_copy(s_hbm.at[0, pl.ds(row, BLK)], s0_blk, sem_p).wait()
        pltpu.make_async_copy(s_hbm.at[1, pl.ds(row, BLK)], s1_blk, sem_p).wait()
        pltpu.make_async_copy(z_hbm.at[pl.ds(row, BLK)], z_blk, sem_p).wait()
        pltpu.make_async_copy(dv_hbm.at[pl.ds(row, BLK)], dv0_v, sem_p).wait()
        pltpu.make_async_copy(dv_hbm.at[pl.ds(row, BLK)], dv1_v, sem_p).wait()
        pltpu.make_async_copy(de_hbm.at[pl.ds(row, BLK)], de0_v, sem_p).wait()
        pltpu.make_async_copy(de_hbm.at[pl.ds(row, BLK)], de1_v, sem_p).wait()
        pltpu.make_async_copy(w_hbm.at[pl.ds(row, BLK)], wv_v, sem_p).wait()

        def rv(r, c2):
            rr = r * 16
            de = de0_v[pl.ds(rr, 16)] + de1_v[pl.ds(rr, 16)]
            de = jnp.where(de == 0.0, 1.0, de)
            wde_v[pl.ds(rr, 16)] = wv_v[pl.ds(rr, 16)] / de
            dv = dv0_v[pl.ds(rr, 16)] + dv1_v[pl.ds(rr, 16)]
            dvc_v[pl.ds(rr, 16)] = jnp.where(dv == 0.0, 1.0, dv)
            return c2

        lax.fori_loop(0, BLK // 16, rv, 0)

        def zv(v, c2):
            th = th_acc[...]
            f = f_acc[...]
            for u in range(4):
                vv = (4 * v + u) * 16
                ridx = sh3 + (vv >> 3)
                s = (plsc.load_gather(s0_blk, [ridx, col])
                     + plsc.load_gather(s1_blk, [ridx, col]))
                zz = plsc.load_gather(z_blk, [ridx, col])
                wd = plsc.load_gather(wde_v, [ridx])
                dc = plsc.load_gather(dvc_v, [ridx])
                th = th + wd * s * s
                f = f + zz * zz * dc
            th_acc[...] = th
            f_acc[...] = f
            return c2

        lax.fori_loop(0, BLK * K // 64, zv, 0)
        return carry

    lax.fori_loop(0, WROWS // BLK, blk_body, 0)
    pltpu.sync_copy(th_acc, th_out.at[cid, pl.ds(sid * 16, 16)])
    pltpu.sync_copy(f_acc, f_out.at[cid, pl.ds(sid * 16, 16)])


def kernel(Z, hyperedge_index, num_nodes, hyperedge_weight):
    del num_nodes
    n = Z.shape[0]
    f32 = jnp.float32

    hi_flat = jnp.reshape(hyperedge_index, (-1,))
    z_pad = jnp.pad(Z.astype(f32), ((0, N_PAD - n), (0, 0)))
    w_pad = jnp.pad(hyperedge_weight.astype(f32), (0, N_PAD - n))
    zeros1 = jnp.zeros((SLICE,), f32)
    zeros8 = jnp.zeros((SLICE, K), f32)
    ones_ch = jnp.ones((CH_A,), f32)

    mesh = plsc.VectorSubcoreMesh(core_axis_name="c", subcore_axis_name="s")
    sc_params = pltpu.CompilerParams(use_tc_tiling_on_sc=False,
                                     needs_layout_passes=False)

    degrees = pl.kernel(
        _degrees_body,
        out_type=(
            jax.ShapeDtypeStruct((N_CORES * N_PAD,), f32),
            jax.ShapeDtypeStruct((N_CORES * N_PAD,), f32),
        ),
        mesh=mesh,
        scratch_types=(
            pltpu.VMEM((CH_A,), jnp.int32),
            pltpu.VMEM((CH_A,), jnp.int32),
            pltpu.VMEM((CH_A,), jnp.int32),
            pltpu.VMEM((CH_A,), jnp.int32),
            pltpu.VMEM((CH_A,), f32),
            pltpu.VMEM((CH_A,), f32),
            pltpu.VMEM((CH_A,), f32),
            pltpu.VMEM_SHARED((N_PAD,), f32),
            pltpu.VMEM_SHARED((N_PAD,), f32),
            pltpu.VMEM_SHARED((N_PAD,), f32),
            pltpu.SemaphoreType.DMA,
            pltpu.SemaphoreType.DMA,
            pltpu.SemaphoreType.DMA,
            pltpu.SemaphoreType.DMA,
            pltpu.SemaphoreType.DMA,
        ),
        compiler_params=sc_params,
        name="hg_degrees_sc",
    )
    dv_p, de_p = degrees(hi_flat, w_pad, zeros1, ones_ch)

    edge_sums = pl.kernel(
        _edge_sums_body,
        out_type=jax.ShapeDtypeStruct((N_CORES, N_PAD, K), f32),
        mesh=mesh,
        scratch_types=(
            pltpu.VMEM((BLK,), f32),
            pltpu.VMEM((BLK,), f32),
            pltpu.VMEM((BLK,), f32),
            pltpu.VMEM((BLK, K), f32),
            pltpu.VMEM((CH_C,), jnp.int32),
            pltpu.VMEM((CH_C,), jnp.int32),
            pltpu.VMEM((CH_C,), jnp.int32),
            pltpu.VMEM((CH_C,), jnp.int32),
            pltpu.VMEM((CH_C, K), f32),
            pltpu.VMEM((CH_C, K), f32),
            pltpu.VMEM_SHARED((N_PAD, K), f32),
            pltpu.VMEM_SHARED((N_PAD, K), f32),
            pltpu.SemaphoreType.DMA,
            pltpu.SemaphoreType.DMA,
            pltpu.SemaphoreType.DMA,
            pltpu.SemaphoreType.DMA,
            pltpu.SemaphoreType.DMA,
            pltpu.SemaphoreType.DMA,
        ),
        compiler_params=sc_params,
        name="hg_edge_sums_sc",
    )
    s_p = edge_sums(hi_flat, dv_p, z_pad, zeros8)

    reduce_k = pl.kernel(
        _reduce_body,
        out_type=(
            jax.ShapeDtypeStruct((N_CORES, N_SUBCORES * 16), f32),
            jax.ShapeDtypeStruct((N_CORES, N_SUBCORES * 16), f32),
        ),
        mesh=mesh,
        scratch_types=(
            pltpu.VMEM((BLK, K), f32),
            pltpu.VMEM((BLK, K), f32),
            pltpu.VMEM((BLK, K), f32),
            pltpu.VMEM((BLK,), f32),
            pltpu.VMEM((BLK,), f32),
            pltpu.VMEM((BLK,), f32),
            pltpu.VMEM((BLK,), f32),
            pltpu.VMEM((BLK,), f32),
            pltpu.VMEM((BLK,), f32),
            pltpu.VMEM((BLK,), f32),
            pltpu.VMEM((16,), f32),
            pltpu.VMEM((16,), f32),
            pltpu.SemaphoreType.DMA,
        ),
        compiler_params=sc_params,
        name="hg_reduce_sc",
    )
    th_p, f_p = reduce_k(s_p, dv_p, de_p, w_pad, z_pad)

    theta = jnp.sum(jnp.reshape(th_p, (-1, 2, K)), axis=(0, 1))
    f_dv_f = jnp.sum(jnp.reshape(f_p, (-1, 2, K)), axis=(0, 1))
    loss = jnp.mean(1.0 - theta / (f_dv_f + 1e-8))
    return loss.astype(f32)

# --- scband reference (transcript-rebuilt; emitter-appended) ---
"""Pipeline reference for scband-hypergraph-rayleigh-quotient-loss-direct-75651553952122 (READ-ONLY COPY).

The authoritative reference and input builder live on the scoring server;
editing this copy changes nothing except your own understanding.
"""

import jax, jax.numpy as jnp
import numpy as np

N_NODES = 100000
N_PAIRS = 6400000
K = 8

def setup_inputs(seed: int = 0) -> dict:
    key = jax.random.key(seed)
    k1, k2, k3 = jax.random.split(key, 3)
    Z = jax.random.normal(k1, (N_NODES, K), dtype=jnp.float32)
    hyperedge_index = jax.random.randint(k2, (2, N_PAIRS), 0, N_NODES, dtype=jnp.int32)
    hyperedge_weight = jax.random.uniform(k3, (N_NODES,), dtype=jnp.float32)
    return {
        'Z': Z,
        'hyperedge_index': hyperedge_index,
        'num_nodes': N_NODES,
        'hyperedge_weight': hyperedge_weight,
    }

def reference(Z, hyperedge_index, num_nodes, hyperedge_weight):
    node_idx = hyperedge_index[0]
    edge_idx = hyperedge_index[1]
    # Static upper bound on hyperedge count: indices are drawn in [0, N_NODES),
    # and hyperedge_weight has static length N_NODES. Padded slots beyond
    # max(edge_idx)+1 receive zero scatter contributions and contribute 0 below.
    n_nodes_static = Z.shape[0]
    num_hyperedges = hyperedge_weight.shape[0]
    # expanded edge weights per incidence pair
    ew_exp = hyperedge_weight[edge_idx]
    # vertex degrees Dv (weighted) via scatter-add; zeros * num_nodes keeps the
    # traced num_nodes argument folded in (identically zero) with static shape
    Dv = (jnp.zeros((n_nodes_static,), dtype=jnp.float32) * num_nodes).at[node_idx].add(ew_exp)
    # hyperedge degrees De via scatter-add of ones
    De = jnp.zeros((num_hyperedges,), dtype=jnp.float32).at[edge_idx].add(jnp.ones_like(edge_idx, dtype=jnp.float32))
    Dv = jnp.where(Dv == 0.0, 1.0, Dv)
    De = jnp.where(De == 0.0, 1.0, De)
    Dv_inv_sqrt = jnp.power(Dv, -0.5)
    # vectorized over the k columns (identical math to the per-column torch loop)
    normalized_Z = Dv_inv_sqrt[:, None] * Z                                   # (N, k)
    weighted_sum_per_edge = jnp.zeros((num_hyperedges, Z.shape[1]), dtype=jnp.float32)
    weighted_sum_per_edge = weighted_sum_per_edge.at[edge_idx].add(normalized_Z[node_idx])
    w = hyperedge_weight
    theta_quad = jnp.sum(w[:, None] * jnp.square(weighted_sum_per_edge) / De[:, None], axis=0)  # (k,)
    f_Dv_f = jnp.sum(jnp.square(Z) * Dv[:, None], axis=0)                     # (k,)
    epsilon = 1e-08
    rayleigh_quotients = 1.0 - theta_quad / (f_Dv_f + epsilon)
    loss = jnp.mean(rayleigh_quotients)
    return loss

if __name__ == "__main__":
    import jax
    _d = setup_inputs()
    print(jax.jit(kernel)(*tuple(_d.values())))

</pallas_src>

<mosaic_0001>
#map = affine_map<(d0, d1) -> (0)>
module attributes {stable_mosaic.version = 14 : i64} {
  func.func @hg_degrees_sc(%arg0: i32, %arg1: i32, %arg2: memref<12800000xi32, #tpu.memory_space<hbm>>, %arg3: memref<100352xf32, #tpu.memory_space<hbm>>, %arg4: memref<6272xf32, #tpu.memory_space<hbm>>, %arg5: memref<5000xf32, #tpu.memory_space<hbm>>, %arg6: memref<200704xf32, #tpu.memory_space<hbm>>, %arg7: memref<200704xf32, #tpu.memory_space<hbm>>, %arg8: memref<5000xi32, #tpu.memory_space<vmem>>, %arg9: memref<5000xi32, #tpu.memory_space<vmem>>, %arg10: memref<5000xi32, #tpu.memory_space<vmem>>, %arg11: memref<5000xi32, #tpu.memory_space<vmem>>, %arg12: memref<5000xf32, #tpu.memory_space<vmem>>, %arg13: memref<5000xf32, #tpu.memory_space<vmem>>, %arg14: memref<5000xf32, #tpu.memory_space<vmem>>, %arg15: memref<100352xf32, #tpu.memory_space<vmem_shared>>, %arg16: memref<100352xf32, #tpu.memory_space<vmem_shared>>, %arg17: memref<100352xf32, #tpu.memory_space<vmem_shared>>, %arg18: memref<!tpu.dma_semaphore, #tpu.memory_space<semaphore_mem>>, %arg19: memref<!tpu.dma_semaphore, #tpu.memory_space<semaphore_mem>>, %arg20: memref<!tpu.dma_semaphore, #tpu.memory_space<semaphore_mem>>, %arg21: memref<!tpu.dma_semaphore, #tpu.memory_space<semaphore_mem>>, %arg22: memref<!tpu.dma_semaphore, #tpu.memory_space<semaphore_mem>>) attributes {dimension_semantics = [#tpu.dimension_semantics<core_parallel>, #tpu.dimension_semantics<subcore_parallel>], iteration_bounds = array<i64: 2, 16>, scalar_prefetch = 0 : i64, scratch_operands = 15 : i64, tpu.core_type = #tpu.core_type<sc_vector_subcore>, window_params = [{transform_indices = #map}, {transform_indices = #map}, {transform_indices = #map}, {transform_indices = #map}, {transform_indices = #map}, {transform_indices = #map}]} {
    %mul3A = arith.constant 16 : i32
    %mul3A_0 = arith.muli %arg0, %mul3A : i32
    %add3A = arith.addi %mul3A_0, %arg1 : i32
    %mul3A_1 = arith.constant 6272 : i32
    %mul3A_2 = arith.muli %arg1, %mul3A_1 : i32
    "tpu.region"() ({
      %run_scoped3A = tpu.sem_alloc : memref<!tpu.dma_semaphore, #tpu.memory_space<semaphore_mem>>
      %dma_start3A_29 = tpu.memref_slice %arg15[%mul3A_2] : memref<100352xf32, #tpu.memory_space<vmem_shared>> -> memref<6272xf32, #tpu.memory_space<vmem_shared>>
      %dma_start3A_30 = tpu.memref_slice %arg3[%mul3A_2] : memref<100352xf32, #tpu.memory_space<hbm>> -> memref<6272xf32, #tpu.memory_space<hbm>>
      tpu.enqueue_dma source(%dma_start3A_30 : memref<6272xf32, #tpu.memory_space<hbm>>) target(%dma_start3A_29 : memref<6272xf32, #tpu.memory_space<vmem_shared>>) target_semaphore(%run_scoped3A : memref<!tpu.dma_semaphore, #tpu.memory_space<semaphore_mem>>)
      %dma_wait3A_31 = tpu.memref_slice %arg15[%mul3A_2] : memref<100352xf32, #tpu.memory_space<vmem_shared>> -> memref<6272xf32, #tpu.memory_space<vmem_shared>>
      %dma_wait3A_32 = tpu.memref_slice %arg3[%mul3A_2] : memref<100352xf32, #tpu.memory_space<hbm>> -> memref<6272xf32, #tpu.memory_space<hbm>>
      tpu.wait_dma2 semaphore(%run_scoped3A : memref<!tpu.dma_semaphore, #tpu.memory_space<semaphore_mem>>) src(%dma_wait3A_32 : memref<6272xf32, #tpu.memory_space<hbm>>) dst(%dma_wait3A_31 : memref<6272xf32, #tpu.memory_space<vmem_shared>>)
      tpu.yield
    }) : () -> ()
    "tpu.region"() ({
      %run_scoped3A = tpu.sem_alloc : memref<!tpu.dma_semaphore, #tpu.memory_space<semaphore_mem>>
      %dma_start3A_29 = tpu.memref_slice %arg16[%mul3A_2] : memref<100352xf32, #tpu.memory_space<vmem_shared>> -> memref<6272xf32, #tpu.memory_space<vmem_shared>>
      tpu.enqueue_dma source(%arg4 : memref<6272xf32, #tpu.memory_space<hbm>>) target(%dma_start3A_29 : memref<6272xf32, #tpu.memory_space<vmem_shared>>) target_semaphore(%run_scoped3A : memref<!tpu.dma_semaphore, #tpu.memory_space<semaphore_mem>>)
      %dma_wait3A_30 = tpu.memref_slice %arg16[%mul3A_2] : memref<100352xf32, #tpu.memory_space<vmem_shared>> -> memref<6272xf32, #tpu.memory_space<vmem_shared>>
      tpu.wait_dma2 semaphore(%run_scoped3A : memref<!tpu.dma_semaphore, #tpu.memory_space<semaphore_mem>>) src(%arg4 : memref<6272xf32, #tpu.memory_space<hbm>>) dst(%dma_wait3A_30 : memref<6272xf32, #tpu.memory_space<vmem_shared>>)
      tpu.yield
    }) : () -> ()
    "tpu.region"() ({
      %run_scoped3A = tpu.sem_alloc : memref<!tpu.dma_semaphore, #tpu.memory_space<semaphore_mem>>
      %dma_start3A_29 = tpu.memref_slice %arg17[%mul3A_2] : memref<100352xf32, #tpu.memory_space<vmem_shared>> -> memref<6272xf32, #tpu.memory_space<vmem_shared>>
      tpu.enqueue_dma source(%arg4 : memref<6272xf32, #tpu.memory_space<hbm>>) target(%dma_start3A_29 : memref<6272xf32, #tpu.memory_space<vmem_shared>>) target_semaphore(%run_scoped3A : memref<!tpu.dma_semaphore, #tpu.memory_space<semaphore_mem>>)
      %dma_wait3A_30 = tpu.memref_slice %arg17[%mul3A_2] : memref<100352xf32, #tpu.memory_space<vmem_shared>> -> memref<6272xf32, #tpu.memory_space<vmem_shared>>
      tpu.wait_dma2 semaphore(%run_scoped3A : memref<!tpu.dma_semaphore, #tpu.memory_space<semaphore_mem>>) src(%arg4 : memref<6272xf32, #tpu.memory_space<hbm>>) dst(%dma_wait3A_30 : memref<6272xf32, #tpu.memory_space<vmem_shared>>)
      tpu.yield
    }) : () -> ()
    "tpu.region"() ({
      %run_scoped3A = tpu.sem_alloc : memref<!tpu.dma_semaphore, #tpu.memory_space<semaphore_mem>>
      tpu.enqueue_dma source(%arg5 : memref<5000xf32, #tpu.memory_space<hbm>>) target(%arg14 : memref<5000xf32, #tpu.memory_space<vmem>>) target_semaphore(%run_scoped3A : memref<!tpu.dma_semaphore, #tpu.memory_space<semaphore_mem>>)
      tpu.wait_dma2 semaphore(%run_scoped3A : memref<!tpu.dma_semaphore, #tpu.memory_space<semaphore_mem>>) src(%arg5 : memref<5000xf32, #tpu.memory_space<hbm>>) dst(%arg14 : memref<5000xf32, #tpu.memory_space<vmem>>)
      tpu.yield
    }) : () -> ()
    %barrier3A = arith.constant 0 : index
    tpu.barrier barrier_id(%barrier3A)
    %mul3A_3 = arith.constant 200000 : i32
    %mul3A_4 = arith.muli %add3A, %mul3A_3 : i32
    %add3A_5 = arith.constant 0 : i32
    %add3A_6 = arith.addi %mul3A_4, %add3A_5 : i32
    %dma_start3A = tpu.memref_slice %arg2[%add3A_6] : memref<12800000xi32, #tpu.memory_space<hbm>> -> memref<5000xi32, #tpu.memory_space<hbm>>
    %dma_start3A_7 = tpu.memref_slice %arg2[%add3A_6] : memref<12800000xi32, #tpu.memory_space<hbm>> -> memref<5000xi32, #tpu.memory_space<hbm>>
    tpu.enqueue_dma source(%dma_start3A_7 : memref<5000xi32, #tpu.memory_space<hbm>>) target(%arg8 : memref<5000xi32, #tpu.memory_space<vmem>>) target_semaphore(%arg18 : memref<!tpu.dma_semaphore, #tpu.memory_space<semaphore_mem>>)
    %add3A_8 = arith.constant 6400000 : i32
    %add3A_9 = arith.addi %add3A_8, %mul3A_4 : i32
    %add3A_10 = arith.constant 0 : i32
    %add3A_11 = arith.addi %add3A_9, %add3A_10 : i32
    %dma_start3A_12 = tpu.memref_slice %arg2[%add3A_11] : memref<12800000xi32, #tpu.memory_space<hbm>> -> memref<5000xi32, #tpu.memory_space<hbm>>
    %dma_start3A_13 = tpu.memref_slice %arg2[%add3A_11] : memref<12800000xi32, #tpu.memory_space<hbm>> -> memref<5000xi32, #tpu.memory_space<hbm>>
    tpu.enqueue_dma source(%dma_start3A_13 : memref<5000xi32, #tpu.memory_space<hbm>>) target(%arg9 : memref<5000xi32, #tpu.memory_space<vmem>>) target_semaphore(%arg18 : memref<!tpu.dma_semaphore, #tpu.memory_space<semaphore_mem>>)
    %scan3A = arith.constant 0 : i32
    %scan3A_14 = arith.constant 0 : i32
    %scan3A_15 = arith.constant 20 : i32
    %scan3A_16 = arith.addi %scan3A_14, %scan3A_15 : i32
    %scan3A_17 = arith.constant 1 : i32
    scf.for %scan3A_29 = %scan3A_14 to %scan3A_16 step %scan3A_17  : i32 {
      %gt3A = arith.constant 0 : i32
      %gt3A_30 = arith.cmpi sgt, %scan3A_29, %gt3A : i32
      %convert_element_type3A = arith.extui %gt3A_30 : i1 to i32
      %cond3A = arith.constant 0 : i32
      %cond3A_31 = arith.cmpi ne, %convert_element_type3A, %cond3A : i32
      scf.if %cond3A_31 {
        %dma_wait3A_80 = arith.constant 0 : i32
        %dma_wait3A_81 = tpu.memref_slice %arg16[%dma_wait3A_80] : memref<100352xf32, #tpu.memory_space<vmem_shared>> -> memref<100352xf32, #tpu.memory_space<vmem_shared>>
        tpu.wait_indirect_dma semaphore(%arg22 : memref<!tpu.dma_semaphore, #tpu.memory_space<semaphore_mem>>) src(%arg13 : memref<5000xf32, #tpu.memory_space<vmem>>) dst(%dma_wait3A_81 : memref<100352xf32, #tpu.memory_space<vmem_shared>>)
        %dma_wait3A_82 = arith.constant 0 : i32
        %dma_wait3A_83 = tpu.memref_slice %arg17[%dma_wait3A_82] : memref<100352xf32, #tpu.memory_space<vmem_shared>> -> memref<100352xf32, #tpu.memory_space<vmem_shared>>
        tpu.wait_indirect_dma semaphore(%arg22 : memref<!tpu.dma_semaphore, #tpu.memory_space<semaphore_mem>>) src(%arg14 : memref<5000xf32, #tpu.memory_space<vmem>>) dst(%dma_wait3A_83 : memref<100352xf32, #tpu.memory_space<vmem_shared>>)
      } else {
      }
      %dma_wait3A_32 = tpu.memref_slice %arg2[%mul3A_4] : memref<12800000xi32, #tpu.memory_space<hbm>> -> memref<5000xi32, #tpu.memory_space<hbm>>
      %dma_wait3A_33 = tpu.memref_slice %arg2[%mul3A_4] : memref<12800000xi32, #tpu.memory_space<hbm>> -> memref<5000xi32, #tpu.memory_space<hbm>>
      tpu.wait_dma2 semaphore(%arg18 : memref<!tpu.dma_semaphore, #tpu.memory_space<semaphore_mem>>) src(%dma_wait3A_33 : memref<5000xi32, #tpu.memory_space<hbm>>) dst(%arg8 : memref<5000xi32, #tpu.memory_space<vmem>>)
      %dma_wait3A_34 = tpu.memref_slice %arg2[%mul3A_4] : memref<12800000xi32, #tpu.memory_space<hbm>> -> memref<5000xi32, #tpu.memory_space<hbm>>
      %dma_wait3A_35 = tpu.memref_slice %arg2[%mul3A_4] : memref<12800000xi32, #tpu.memory_space<hbm>> -> memref<5000xi32, #tpu.memory_space<hbm>>
      tpu.wait_dma2 semaphore(%arg18 : memref<!tpu.dma_semaphore, #tpu.memory_space<semaphore_mem>>) src(%dma_wait3A_35 : memref<5000xi32, #tpu.memory_space<hbm>>) dst(%arg9 : memref<5000xi32, #tpu.memory_space<vmem>>)
      %dma_start3A_36 = arith.constant 0 : i32
      %dma_start3A_37 = tpu.memref_slice %arg15[%dma_start3A_36] : memref<100352xf32, #tpu.memory_space<vmem_shared>> -> memref<100352xf32, #tpu.memory_space<vmem_shared>>
      tpu.enqueue_indirect_dma source(%dma_start3A_37 : memref<100352xf32, #tpu.memory_space<vmem_shared>>) target(%arg12 : memref<5000xf32, #tpu.memory_space<vmem>>) offsets(%arg9 : memref<5000xi32, #tpu.memory_space<vmem>>) semaphore(%arg20 : memref<!tpu.dma_semaphore, #tpu.memory_space<semaphore_mem>>)
      %mul3A_38 = arith.constant 2 : i32
      %mul3A_39 = arith.muli %mul3A_38, %scan3A_29 : i32
      %add3A_40 = arith.constant 1 : i32
      %add3A_41 = arith.addi %mul3A_39, %add3A_40 : i32
      %mul3A_42 = arith.constant 5000 : i32
      %mul3A_43 = arith.muli %add3A_41, %mul3A_42 : i32
      %add3A_44 = arith.addi %mul3A_4, %mul3A_43 : i32
      %dma_start3A_45 = tpu.memref_slice %arg2[%add3A_44] : memref<12800000xi32, #tpu.memory_space<hbm>> -> memref<5000xi32, #tpu.memory_space<hbm>>
      %dma_start3A_46 = tpu.memref_slice %arg2[%add3A_44] : memref<12800000xi32, #tpu.memory_space<hbm>> -> memref<5000xi32, #tpu.memory_space<hbm>>
      tpu.enqueue_dma source(%dma_start3A_46 : memref<5000xi32, #tpu.memory_space<hbm>>) target(%arg10 : memref<5000xi32, #tpu.memory_space<vmem>>) target_semaphore(%arg19 : memref<!tpu.dma_semaphore, #tpu.memory_space<semaphore_mem>>)
      %add3A_47 = arith.constant 6400000 : i32
      %add3A_48 = arith.addi %add3A_47, %mul3A_4 : i32
      %mul3A_49 = arith.constant 5000 : i32
      %mul3A_50 = arith.muli %add3A_41, %mul3A_49 : i32
      %add3A_51 = arith.addi %add3A_48, %mul3A_50 : i32
      %dma_start3A_52 = tpu.memref_slice %arg2[%add3A_51] : memref<12800000xi32, #tpu.memory_space<hbm>> -> memref<5000xi32, #tpu.memory_space<hbm>>
      %dma_start3A_53 = tpu.memref_slice %arg2[%add3A_51] : memref<12800000xi32, #tpu.memory_space<hbm>> -> memref<5000xi32, #tpu.memory_space<hbm>>
      tpu.enqueue_dma source(%dma_start3A_53 : memref<5000xi32, #tpu.memory_space<hbm>>) target(%arg11 : memref<5000xi32, #tpu.memory_space<vmem>>) target_semaphore(%arg19 : memref<!tpu.dma_semaphore, #tpu.memory_space<semaphore_mem>>)
      %dma_wait3A_54 = arith.constant 0 : i32
      %dma_wait3A_55 = tpu.memref_slice %arg15[%dma_wait3A_54] : memref<100352xf32, #tpu.memory_space<vmem_shared>> -> memref<100352xf32, #tpu.memory_space<vmem_shared>>
      tpu.wait_indirect_dma semaphore(%arg20 : memref<!tpu.dma_semaphore, #tpu.memory_space<semaphore_mem>>) src(%dma_wait3A_55 : memref<100352xf32, #tpu.memory_space<vmem_shared>>) dst(%arg12 : memref<5000xf32, #tpu.memory_space<vmem>>)
      %dma_start3A_56 = arith.constant 0 : i32
      %dma_start3A_57 = tpu.memref_slice %arg16[%dma_start3A_56] : memref<100352xf32, #tpu.memory_space<vmem_shared>> -> memref<100352xf32, #tpu.memory_space<vmem_shared>>
      tpu.enqueue_indirect_dma source(%arg12 : memref<5000xf32, #tpu.memory_space<vmem>>) target(%dma_start3A_57 : memref<100352xf32, #tpu.memory_space<vmem_shared>>) offsets(%arg8 : memref<5000xi32, #tpu.memory_space<vmem>>) semaphore(%arg21 : memref<!tpu.dma_semaphore, #tpu.memory_space<semaphore_mem>>) {add = true}
      %dma_start3A_58 = arith.constant 0 : i32
      %dma_start3A_59 = tpu.memref_slice %arg17[%dma_start3A_58] : memref<100352xf32, #tpu.memory_space<vmem_shared>> -> memref<100352xf32, #tpu.memory_space<vmem_shared>>
      tpu.enqueue_indirect_dma source(%arg14 : memref<5000xf32, #tpu.memory_space<vmem>>) target(%dma_start3A_59 : memref<100352xf32, #tpu.memory_space<vmem_shared>>) offsets(%arg9 : memref<5000xi32, #tpu.memory_space<vmem>>) semaphore(%arg21 : memref<!tpu.dma_semaphore, #tpu.memory_space<semaphore_mem>>) {add = true}
      %dma_wait3A_60 = tpu.memref_slice %arg2[%mul3A_4] : memref<12800000xi32, #tpu.memory_space<hbm>> -> memref<5000xi32, #tpu.memory_space<hbm>>
      %dma_wait3A_61 = tpu.memref_slice %arg2[%mul3A_4] : memref<12800000xi32, #tpu.memory_space<hbm>> -> memref<5000xi32, #tpu.memory_space<hbm>>
      tpu.wait_dma2 semaphore(%arg19 : memref<!tpu.dma_semaphore, #tpu.memory_space<semaphore_mem>>) src(%dma_wait3A_61 : memref<5000xi32, #tpu.memory_space<hbm>>) dst(%arg10 : memref<5000xi32, #tpu.memory_space<vmem>>)
      %dma_wait3A_62 = tpu.memref_slice %arg2[%mul3A_4] : memref<12800000xi32, #tpu.memory_space<hbm>> -> memref<5000xi32, #tpu.memory_space<hbm>>
      %dma_wait3A_63 = tpu.memref_slice %arg2[%mul3A_4] : memref<12800000xi32, #tpu.memory_space<hbm>> -> memref<5000xi32, #tpu.memory_space<hbm>>
      tpu.wait_dma2 semaphore(%arg19 : memref<!tpu.dma_semaphore, #tpu.memory_space<semaphore_mem>>) src(%dma_wait3A_63 : memref<5000xi32, #tpu.memory_space<hbm>>) dst(%arg11 : memref<5000xi32, #tpu.memory_space<vmem>>)
      %dma_start3A_64 = arith.constant 0 : i32
      %dma_start3A_65 = tpu.memref_slice %arg15[%dma_start3A_64] : memref<100352xf32, #tpu.memory_space<vmem_shared>> -> memref<100352xf32, #tpu.memory_space<vmem_shared>>
      tpu.enqueue_indirect_dma source(%dma_start3A_65 : memref<100352xf32, #tpu.memory_space<vmem_shared>>) target(%arg13 : memref<5000xf32, #tpu.memory_space<vmem>>) offsets(%arg11 : memref<5000xi32, #tpu.memory_space<vmem>>) semaphore(%arg20 : memref<!tpu.dma_semaphore, #tpu.memory_space<semaphore_mem>>)
      %dma_wait3A_66 = arith.constant 0 : i32
      %dma_wait3A_67 = tpu.memref_slice %arg15[%dma_wait3A_66] : memref<100352xf32, #tpu.memory_space<vmem_shared>> -> memref<100352xf32, #tpu.memory_space<vmem_shared>>
      tpu.wait_indirect_dma semaphore(%arg20 : memref<!tpu.dma_semaphore, #tpu.memory_space<semaphore_mem>>) src(%dma_wait3A_67 : memref<100352xf32, #tpu.memory_space<vmem_shared>>) dst(%arg13 : memref<5000xf32, #tpu.memory_space<vmem>>)
      %dma_wait3A_68 = arith.constant 0 : i32
      %dma_wait3A_69 = tpu.memref_slice %arg16[%dma_wait3A_68] : memref<100352xf32, #tpu.memory_space<vmem_shared>> -> memref<100352xf32, #tpu.memory_space<vmem_shared>>
      tpu.wait_indirect_dma semaphore(%arg21 : memref<!tpu.dma_semaphore, #tpu.memory_space<semaphore_mem>>) src(%arg12 : memref<5000xf32, #tpu.memory_space<vmem>>) dst(%dma_wait3A_69 : memref<100352xf32, #tpu.memory_space<vmem_shared>>)
      %dma_wait3A_70 = arith.constant 0 : i32
      %dma_wait3A_71 = tpu.memref_slice %arg17[%dma_wait3A_70] : memref<100352xf32, #tpu.memory_space<vmem_shared>> -> memref<100352xf32, #tpu.memory_space<vmem_shared>>
      tpu.wait_indirect_dma semaphore(%arg21 : memref<!tpu.dma_semaphore, #tpu.memory_space<semaphore_mem>>) src(%arg14 : memref<5000xf32, #tpu.memory_space<vmem>>) dst(%dma_wait3A_71 : memref<100352xf32, #tpu.memory_space<vmem_shared>>)
      %lt3A = arith.constant 19 : i32
      %lt3A_72 = arith.cmpi slt, %scan3A_29, %lt3A : i32
      %convert_element_type3A_73 = arith.extui %lt3A_72 : i1 to i32
      %cond3A_74 = arith.constant 0 : i32
      %cond3A_75 = arith.cmpi ne, %convert_element_type3A_73, %cond3A_74 : i32
      scf.if %cond3A_75 {
        %mul3A_80 = arith.constant 2 : i32
        %mul3A_81 = arith.muli %mul3A_80, %scan3A_29 : i32
        %add3A_82 = arith.constant 2 : i32
        %add3A_83 = arith.addi %mul3A_81, %add3A_82 : i32
        %mul3A_84 = arith.constant 5000 : i32
        %mul3A_85 = arith.muli %add3A_83, %mul3A_84 : i32
        %add3A_86 = arith.addi %mul3A_4, %mul3A_85 : i32
        %dma_start3A_87 = tpu.memref_slice %arg2[%add3A_86] : memref<12800000xi32, #tpu.memory_space<hbm>> -> memref<5000xi32, #tpu.memory_space<hbm>>
        %dma_start3A_88 = tpu.memref_slice %arg2[%add3A_86] : memref<12800000xi32, #tpu.memory_space<hbm>> -> memref<5000xi32, #tpu.memory_space<hbm>>
        tpu.enqueue_dma source(%dma_start3A_88 : memref<5000xi32, #tpu.memory_space<hbm>>) target(%arg8 : memref<5000xi32, #tpu.memory_space<vmem>>) target_semaphore(%arg18 : memref<!tpu.dma_semaphore, #tpu.memory_space<semaphore_mem>>)
        %add3A_89 = arith.constant 6400000 : i32
        %add3A_90 = arith.addi %add3A_89, %mul3A_4 : i32
        %mul3A_91 = arith.constant 5000 : i32
        %mul3A_92 = arith.muli %add3A_83, %mul3A_91 : i32
        %add3A_93 = arith.addi %add3A_90, %mul3A_92 : i32
        %dma_start3A_94 = tpu.memref_slice %arg2[%add3A_93] : memref<12800000xi32, #tpu.memory_space<hbm>> -> memref<5000xi32, #tpu.memory_space<hbm>>
        %dma_start3A_95 = tpu.memref_slice %arg2[%add3A_93] : memref<12800000xi32, #tpu.memory_space<hbm>> -> memref<5000xi32, #tpu.memory_space<hbm>>
        tpu.enqueue_dma source(%dma_start3A_95 : memref<5000xi32, #tpu.memory_space<hbm>>) target(%arg9 : memref<5000xi32, #tpu.memory_space<vmem>>) target_semaphore(%arg18 : memref<!tpu.dma_semaphore, #tpu.memory_space<semaphore_mem>>)
      } else {
      }
      %dma_start3A_76 = arith.constant 0 : i32
      %dma_start3A_77 = tpu.memref_slice %arg16[%dma_start3A_76] : memref<100352xf32, #tpu.memory_space<vmem_shared>> -> memref<100352xf32, #tpu.memory_space<vmem_shared>>
      tpu.enqueue_indirect_dma source(%arg13 : memref<5000xf32, #tpu.memory_space<vmem>>) target(%dma_start3A_77 : memref<100352xf32, #tpu.memory_space<vmem_shared>>) offsets(%arg10 : memref<5000xi32, #tpu.memory_space<vmem>>) semaphore(%arg22 : memref<!tpu.dma_semaphore, #tpu.memory_space<semaphore_mem>>) {add = true}
      %dma_start3A_78 = arith.constant 0 : i32
      %dma_start3A_79 = tpu.memref_slice %arg17[%dma_start3A_78] : memref<100352xf32, #tpu.memory_space<vmem_shared>> -> memref<100352xf32, #tpu.memory_space<vmem_shared>>
      tpu.enqueue_indirect_dma source(%arg14 : memref<5000xf32, #tpu.memory_space<vmem>>) target(%dma_start3A_79 : memref<100352xf32, #tpu.memory_space<vmem_shared>>) offsets(%arg11 : memref<5000xi32, #tpu.memory_space<vmem>>) semaphore(%arg22 : memref<!tpu.dma_semaphore, #tpu.memory_space<semaphore_mem>>) {add = true}
    }
    %scan3A_18 = arith.constant 20 : i32
    %dma_wait3A = arith.constant 0 : i32
    %dma_wait3A_19 = tpu.memref_slice %arg16[%dma_wait3A] : memref<100352xf32, #tpu.memory_space<vmem_shared>> -> memref<100352xf32, #tpu.memory_space<vmem_shared>>
    tpu.wait_indirect_dma semaphore(%arg22 : memref<!tpu.dma_semaphore, #tpu.memory_space<semaphore_mem>>) src(%arg13 : memref<5000xf32, #tpu.memory_space<vmem>>) dst(%dma_wait3A_19 : memref<100352xf32, #tpu.memory_space<vmem_shared>>)
    %dma_wait3A_20 = arith.constant 0 : i32
    %dma_wait3A_21 = tpu.memref_slice %arg17[%dma_wait3A_20] : memref<100352xf32, #tpu.memory_space<vmem_shared>> -> memref<100352xf32, #tpu.memory_space<vmem_shared>>
    tpu.wait_indirect_dma semaphore(%arg22 : memref<!tpu.dma_semaphore, #tpu.memory_space<semaphore_mem>>) src(%arg14 : memref<5000xf32, #tpu.memory_space<vmem>>) dst(%dma_wait3A_21 : memref<100352xf32, #tpu.memory_space<vmem_shared>>)
    %barrier3A_22 = arith.constant 0 : index
    tpu.barrier barrier_id(%barrier3A_22)
    %mul3A_23 = arith.constant 100352 : i32
    %mul3A_24 = arith.muli %arg0, %mul3A_23 : i32
    %add3A_25 = arith.addi %mul3A_24, %mul3A_2 : i32
    "tpu.region"() ({
      %run_scoped3A = tpu.sem_alloc : memref<!tpu.dma_semaphore, #tpu.memory_space<semaphore_mem>>
      %dma_start3A_29 = tpu.memref_slice %arg6[%add3A_25] : memref<200704xf32, #tpu.memory_space<hbm>> -> memref<6272xf32, #tpu.memory_space<hbm>>
      %dma_start3A_30 = tpu.memref_slice %arg16[%mul3A_2] : memref<100352xf32, #tpu.memory_space<vmem_shared>> -> memref<6272xf32, #tpu.memory_space<vmem_shared>>
      tpu.enqueue_dma source(%dma_start3A_30 : memref<6272xf32, #tpu.memory_space<vmem_shared>>) target(%dma_start3A_29 : memref<6272xf32, #tpu.memory_space<hbm>>) target_semaphore(%run_scoped3A : memref<!tpu.dma_semaphore, #tpu.memory_space<semaphore_mem>>)
      %dma_wait3A_31 = tpu.memref_slice %arg6[%add3A_25] : memref<200704xf32, #tpu.memory_space<hbm>> -> memref<6272xf32, #tpu.memory_space<hbm>>
      %dma_wait3A_32 = tpu.memref_slice %arg16[%mul3A_2] : memref<100352xf32, #tpu.memory_space<vmem_shared>> -> memref<6272xf32, #tpu.memory_space<vmem_shared>>
      tpu.wait_dma2 semaphore(%run_scoped3A : memref<!tpu.dma_semaphore, #tpu.memory_space<semaphore_mem>>) src(%dma_wait3A_32 : memref<6272xf32, #tpu.memory_space<vmem_shared>>) dst(%dma_wait3A_31 : memref<6272xf32, #tpu.memory_space<hbm>>)
      tpu.yield
    }) : () -> ()
    %mul3A_26 = arith.constant 100352 : i32
    %mul3A_27 = arith.muli %arg0, %mul3A_26 : i32
    %add3A_28 = arith.addi %mul3A_27, %mul3A_2 : i32
    "tpu.region"() ({
      %run_scoped3A = tpu.sem_alloc : memref<!tpu.dma_semaphore, #tpu.memory_space<semaphore_mem>>
      %dma_start3A_29 = tpu.memref_slice %arg7[%add3A_28] : memref<200704xf32, #tpu.memory_space<hbm>> -> memref<6272xf32, #tpu.memory_space<hbm>>
      %dma_start3A_30 = tpu.memref_slice %arg17[%mul3A_2] : memref<100352xf32, #tpu.memory_space<vmem_shared>> -> memref<6272xf32, #tpu.memory_space<vmem_shared>>
      tpu.enqueue_dma source(%dma_start3A_30 : memref<6272xf32, #tpu.memory_space<vmem_shared>>) target(%dma_start3A_29 : memref<6272xf32, #tpu.memory_space<hbm>>) target_semaphore(%run_scoped3A : memref<!tpu.dma_semaphore, #tpu.memory_space<semaphore_mem>>)
      %dma_wait3A_31 = tpu.memref_slice %arg7[%add3A_28] : memref<200704xf32, #tpu.memory_space<hbm>> -> memref<6272xf32, #tpu.memory_space<hbm>>
      %dma_wait3A_32 = tpu.memref_slice %arg17[%mul3A_2] : memref<100352xf32, #tpu.memory_space<vmem_shared>> -> memref<6272xf32, #tpu.memory_space<vmem_shared>>
      tpu.wait_dma2 semaphore(%run_scoped3A : memref<!tpu.dma_semaphore, #tpu.memory_space<semaphore_mem>>) src(%dma_wait3A_32 : memref<6272xf32, #tpu.memory_space<vmem_shared>>) dst(%dma_wait3A_31 : memref<6272xf32, #tpu.memory_space<hbm>>)
      tpu.yield
    }) : () -> ()
    return
  }
}

#map = affine_map<(d0, d1) -> (0, 0, 0)>
#map1 = affine_map<(d0, d1) -> (0)>
#map2 = affine_map<(d0, d1) -> (0, 0)>
module attributes {stable_mosaic.version = 14 : i64} {
  func.func @hg_reduce_sc(%arg0: i32, %arg1: i32, %arg2: memref<2x100352x8xf32, #tpu.memory_space<hbm>>, %arg3: memref<200704xf32, #tpu.memory_space<hbm>>, %arg4: memref<200704xf32, #tpu.memory_space<hbm>>, %arg5: memref<100352xf32, #tpu.memory_space<hbm>>, %arg6: memref<100352x8xf32, #tpu.memory_space<hbm>>, %arg7: memref<2x256xf32, #tpu.memory_space<hbm>>, %arg8: memref<2x256xf32, #tpu.memory_space<hbm>>, %arg9: memref<448x8xf32, #tpu.memory_space<vmem>>, %arg10: memref<448x8xf32, #tpu.memory_space<vmem>>, %arg11: memref<448x8xf32, #tpu.memory_space<vmem>>, %arg12: memref<448xf32, #tpu.memory_space<vmem>>, %arg13: memref<448xf32, #tpu.memory_space<vmem>>, %arg14: memref<448xf32, #tpu.memory_space<vmem>>, %arg15: memref<448xf32, #tpu.memory_space<vmem>>, %arg16: memref<448xf32, #tpu.memory_space<vmem>>, %arg17: memref<448xf32, #tpu.memory_space<vmem>>, %arg18: memref<448xf32, #tpu.memory_space<vmem>>, %arg19: memref<16xf32, #tpu.memory_space<vmem>>, %arg20: memref<16xf32, #tpu.memory_space<vmem>>, %arg21: memref<!tpu.dma_semaphore, #tpu.memory_space<semaphore_mem>>) attributes {dimension_semantics = [#tpu.dimension_semantics<core_parallel>, #tpu.dimension_semantics<subcore_parallel>], iteration_bounds = array<i64: 2, 16>, scalar_prefetch = 0 : i64, scratch_operands = 13 : i64, tpu.core_type = #tpu.core_type<sc_vector_subcore>, window_params = [{transform_indices = #map}, {transform_indices = #map1}, {transform_indices = #map1}, {transform_indices = #map1}, {transform_indices = #map2}, {transform_indices = #map2}, {transform_indices = #map2}]} {
    %mul3A = arith.constant 16 : i32
    %mul3A_0 = arith.muli %arg0, %mul3A : i32
    %add3A = arith.addi %mul3A_0, %arg1 : i32
    %mul3A_1 = arith.constant 3136 : i32
    %mul3A_2 = arith.muli %add3A, %mul3A_1 : i32
    %iota3A = tpu.iota {dimensions = array<i32: 0>} : vector<16xi32>
    %shift_right_arithmetic3A = arith.constant 3 : i32
    %shift_right_arithmetic3A_3 = vector.broadcast %shift_right_arithmetic3A : i32 to vector<16xi32>
    %shift_right_arithmetic3A_4 = arith.shrsi %iota3A, %shift_right_arithmetic3A_3 : vector<16xi32>
    %and3A = arith.constant 7 : i32
    %and3A_5 = vector.broadcast %and3A : i32 to vector<16xi32>
    %and3A_6 = arith.andi %iota3A, %and3A_5 : vector<16xi32>
    %broadcast_in_dim3A = arith.constant 0.000000e+00 : f32
    %broadcast_in_dim3A_7 = vector.broadcast %broadcast_in_dim3A : f32 to vector<16xf32>
    %swap3A = arith.constant 0 : index
    %swap3A_8 = tpu.vector_load %arg19[%swap3A] {strides = array<i32>} : memref<16xf32, #tpu.memory_space<vmem>>, vector<16xf32>,
    tpu.vector_store %arg19[%swap3A], %broadcast_in_dim3A_7 {strides = array<i32>} : memref<16xf32, #tpu.memory_space<vmem>>, vector<16xf32>,
    %swap3A_9 = arith.constant 0 : index
    %swap3A_10 = tpu.vector_load %arg20[%swap3A_9] {strides = array<i32>} : memref<16xf32, #tpu.memory_space<vmem>>, vector<16xf32>,
    tpu.vector_store %arg20[%swap3A_9], %broadcast_in_dim3A_7 {strides = array<i32>} : memref<16xf32, #tpu.memory_space<vmem>>, vector<16xf32>,
    %scan3A = arith.constant 0 : i32
    %scan3A_11 = arith.constant 0 : i32
    %scan3A_12 = arith.constant 7 : i32
    %scan3A_13 = arith.addi %scan3A_11, %scan3A_12 : i32
    %scan3A_14 = arith.constant 1 : i32
    scf.for %scan3A_20 = %scan3A_11 to %scan3A_13 step %scan3A_14  : i32 {
      %mul3A_21 = arith.constant 448 : i32
      %mul3A_22 = arith.muli %scan3A_20, %mul3A_21 : i32
      %add3A_23 = arith.addi %mul3A_2, %mul3A_22 : i32
      %dma_start3A = arith.constant 0 : i32
      %dma_start3A_24 = arith.constant 0 : i32
      %dma_start3A_25 = tpu.memref_slice %arg2[%dma_start3A, %add3A_23, %dma_start3A_24] : memref<2x100352x8xf32, #tpu.memory_space<hbm>> -> memref<1x448x8xf32, #tpu.memory_space<hbm>>
      %dma_start3A_26 = tpu.memref_squeeze %dma_start3A_25 : memref<1x448x8xf32, #tpu.memory_space<hbm>> -> memref<448x8xf32, #tpu.memory_space<hbm>>
      %dma_start3A_27 = arith.constant 0 : i32
      %dma_start3A_28 = tpu.memref_slice %arg2[%dma_start3A, %add3A_23, %dma_start3A_27] : memref<2x100352x8xf32, #tpu.memory_space<hbm>> -> memref<1x448x8xf32, #tpu.memory_space<hbm>>
      %dma_start3A_29 = tpu.memref_squeeze %dma_start3A_28 : memref<1x448x8xf32, #tpu.memory_space<hbm>> -> memref<448x8xf32, #tpu.memory_space<hbm>>
      tpu.enqueue_dma source(%dma_start3A_29 : memref<448x8xf32, #tpu.memory_space<hbm>>) target(%arg9 : memref<448x8xf32, #tpu.memory_space<vmem>>) target_semaphore(%arg21 : memref<!tpu.dma_semaphore, #tpu.memory_space<semaphore_mem>>)
      %dma_start3A_30 = arith.constant 1 : i32
      %dma_start3A_31 = arith.constant 0 : i32
      %dma_start3A_32 = tpu.memref_slice %arg2[%dma_start3A_30, %add3A_23, %dma_start3A_31] : memref<2x100352x8xf32, #tpu.memory_space<hbm>> -> memref<1x448x8xf32, #tpu.memory_space<hbm>>
      %dma_start3A_33 = tpu.memref_squeeze %dma_start3A_32 : memref<1x448x8xf32, #tpu.memory_space<hbm>> -> memref<448x8xf32, #tpu.memory_space<hbm>>
      %dma_start3A_34 = arith.constant 0 : i32
      %dma_start3A_35 = tpu.memref_slice %arg2[%dma_start3A_30, %add3A_23, %dma_start3A_34] : memref<2x100352x8xf32, #tpu.memory_space<hbm>> -> memref<1x448x8xf32, #tpu.memory_space<hbm>>
      %dma_start3A_36 = tpu.memref_squeeze %dma_start3A_35 : memref<1x448x8xf32, #tpu.memory_space<hbm>> -> memref<448x8xf32, #tpu.memory_space<hbm>>
      tpu.enqueue_dma source(%dma_start3A_36 : memref<448x8xf32, #tpu.memory_space<hbm>>) target(%arg10 : memref<448x8xf32, #tpu.memory_space<vmem>>) target_semaphore(%arg21 : memref<!tpu.dma_semaphore, #tpu.memory_space<semaphore_mem>>)
      %dma_start3A_37 = arith.constant 0 : i32
      %dma_start3A_38 = tpu.memref_slice %arg6[%add3A_23, %dma_start3A_37] : memref<100352x8xf32, #tpu.memory_space<hbm>> -> memref<448x8xf32, #tpu.memory_space<hbm>>
      %dma_start3A_39 = arith.constant 0 : i32
      %dma_start3A_40 = tpu.memref_slice %arg6[%add3A_23, %dma_start3A_39] : memref<100352x8xf32, #tpu.memory_space<hbm>> -> memref<448x8xf32, #tpu.memory_space<hbm>>
      tpu.enqueue_dma source(%dma_start3A_40 : memref<448x8xf32, #tpu.memory_space<hbm>>) target(%arg11 : memref<448x8xf32, #tpu.memory_space<vmem>>) target_semaphore(%arg21 : memref<!tpu.dma_semaphore, #tpu.memory_space<semaphore_mem>>)
      %dma_start3A_41 = tpu.memref_slice %arg3[%add3A_23] : memref<200704xf32, #tpu.memory_space<hbm>> -> memref<448xf32, #tpu.memory_space<hbm>>
      %dma_start3A_42 = tpu.memref_slice %arg3[%add3A_23] : memref<200704xf32, #tpu.memory_space<hbm>> -> memref<448xf32, #tpu.memory_space<hbm>>
      tpu.enqueue_dma source(%dma_start3A_42 : memref<448xf32, #tpu.memory_space<hbm>>) target(%arg12 : memref<448xf32, #tpu.memory_space<vmem>>) target_semaphore(%arg21 : memref<!tpu.dma_semaphore, #tpu.memory_space<semaphore_mem>>)
      %add3A_43 = arith.constant 100352 : i32
      %add3A_44 = arith.addi %add3A_43, %add3A_23 : i32
      %dma_start3A_45 = tpu.memref_slice %arg3[%add3A_44] : memref<200704xf32, #tpu.memory_space<hbm>> -> memref<448xf32, #tpu.memory_space<hbm>>
      %dma_start3A_46 = tpu.memref_slice %arg3[%add3A_44] : memref<200704xf32, #tpu.memory_space<hbm>> -> memref<448xf32, #tpu.memory_space<hbm>>
      tpu.enqueue_dma source(%dma_start3A_46 : memref<448xf32, #tpu.memory_space<hbm>>) target(%arg13 : memref<448xf32, #tpu.memory_space<vmem>>) target_semaphore(%arg21 : memref<!tpu.dma_semaphore, #tpu.memory_space<semaphore_mem>>)
      %dma_start3A_47 = tpu.memref_slice %arg4[%add3A_23] : memref<200704xf32, #tpu.memory_space<hbm>> -> memref<448xf32, #tpu.memory_space<hbm>>
      %dma_start3A_48 = tpu.memref_slice %arg4[%add3A_23] : memref<200704xf32, #tpu.memory_space<hbm>> -> memref<448xf32, #tpu.memory_space<hbm>>
      tpu.enqueue_dma source(%dma_start3A_48 : memref<448xf32, #tpu.memory_space<hbm>>) target(%arg14 : memref<448xf32, #tpu.memory_space<vmem>>) target_semaphore(%arg21 : memref<!tpu.dma_semaphore, #tpu.memory_space<semaphore_mem>>)
      %add3A_49 = arith.constant 100352 : i32
      %add3A_50 = arith.addi %add3A_49, %add3A_23 : i32
      %dma_start3A_51 = tpu.memref_slice %arg4[%add3A_50] : memref<200704xf32, #tpu.memory_space<hbm>> -> memref<448xf32, #tpu.memory_space<hbm>>
      %dma_start3A_52 = tpu.memref_slice %arg4[%add3A_50] : memref<200704xf32, #tpu.memory_space<hbm>> -> memref<448xf32, #tpu.memory_space<hbm>>
      tpu.enqueue_dma source(%dma_start3A_52 : memref<448xf32, #tpu.memory_space<hbm>>) target(%arg15 : memref<448xf32, #tpu.memory_space<vmem>>) target_semaphore(%arg21 : memref<!tpu.dma_semaphore, #tpu.memory_space<semaphore_mem>>)
      %dma_start3A_53 = tpu.memref_slice %arg5[%add3A_23] : memref<100352xf32, #tpu.memory_space<hbm>> -> memref<448xf32, #tpu.memory_space<hbm>>
      %dma_start3A_54 = tpu.memref_slice %arg5[%add3A_23] : memref<100352xf32, #tpu.memory_space<hbm>> -> memref<448xf32, #tpu.memory_space<hbm>>
      tpu.enqueue_dma source(%dma_start3A_54 : memref<448xf32, #tpu.memory_space<hbm>>) target(%arg16 : memref<448xf32, #tpu.memory_space<vmem>>) target_semaphore(%arg21 : memref<!tpu.dma_semaphore, #tpu.memory_space<semaphore_mem>>)
      %dma_wait3A = arith.constant 0 : i32
      %dma_wait3A_55 = arith.constant 0 : i32
      %dma_wait3A_56 = tpu.memref_slice %arg2[%dma_wait3A, %add3A_23, %dma_wait3A_55] : memref<2x100352x8xf32, #tpu.memory_space<hbm>> -> memref<1x448x8xf32, #tpu.memory_space<hbm>>
      %dma_wait3A_57 = tpu.memref_squeeze %dma_wait3A_56 : memref<1x448x8xf32, #tpu.memory_space<hbm>> -> memref<448x8xf32, #tpu.memory_space<hbm>>
      %dma_wait3A_58 = arith.constant 0 : i32
      %dma_wait3A_59 = tpu.memref_slice %arg2[%dma_wait3A, %add3A_23, %dma_wait3A_58] : memref<2x100352x8xf32, #tpu.memory_space<hbm>> -> memref<1x448x8xf32, #tpu.memory_space<hbm>>
      %dma_wait3A_60 = tpu.memref_squeeze %dma_wait3A_59 : memref<1x448x8xf32, #tpu.memory_space<hbm>> -> memref<448x8xf32, #tpu.memory_space<hbm>>
      tpu.wait_dma2 semaphore(%arg21 : memref<!tpu.dma_semaphore, #tpu.memory_space<semaphore_mem>>) src(%dma_wait3A_60 : memref<448x8xf32, #tpu.memory_space<hbm>>) dst(%arg9 : memref<448x8xf32, #tpu.memory_space<vmem>>)
      %dma_wait3A_61 = arith.constant 1 : i32
      %dma_wait3A_62 = arith.constant 0 : i32
      %dma_wait3A_63 = tpu.memref_slice %arg2[%dma_wait3A_61, %add3A_23, %dma_wait3A_62] : memref<2x100352x8xf32, #tpu.memory_space<hbm>> -> memref<1x448x8xf32, #tpu.memory_space<hbm>>
      %dma_wait3A_64 = tpu.memref_squeeze %dma_wait3A_63 : memref<1x448x8xf32, #tpu.memory_space<hbm>> -> memref<448x8xf32, #tpu.memory_space<hbm>>
      %dma_wait3A_65 = arith.constant 0 : i32
      %dma_wait3A_66 = tpu.memref_slice %arg2[%dma_wait3A_61, %add3A_23, %dma_wait3A_65] : memref<2x100352x8xf32, #tpu.memory_space<hbm>> -> memref<1x448x8xf32, #tpu.memory_space<hbm>>
      %dma_wait3A_67 = tpu.memref_squeeze %dma_wait3A_66 : memref<1x448x8xf32, #tpu.memory_space<hbm>> -> memref<448x8xf32, #tpu.memory_space<hbm>>
      tpu.wait_dma2 semaphore(%arg21 : memref<!tpu.dma_semaphore, #tpu.memory_space<semaphore_mem>>) src(%dma_wait3A_67 : memref<448x8xf32, #tpu.memory_space<hbm>>) dst(%arg10 : memref<448x8xf32, #tpu.memory_space<vmem>>)
      %dma_wait3A_68 = arith.constant 0 : i32
      %dma_wait3A_69 = tpu.memref_slice %arg6[%add3A_23, %dma_wait3A_68] : memref<100352x8xf32, #tpu.memory_space<hbm>> -> memref<448x8xf32, #tpu.memory_space<hbm>>
      %dma_wait3A_70 = arith.constant 0 : i32
      %dma_wait3A_71 = tpu.memref_slice %arg6[%add3A_23, %dma_wait3A_70] : memref<100352x8xf32, #tpu.memory_space<hbm>> -> memref<448x8xf32, #tpu.memory_space<hbm>>
      tpu.wait_dma2 semaphore(%arg21 : memref<!tpu.dma_semaphore, #tpu.memory_space<semaphore_mem>>) src(%dma_wait3A_71 : memref<448x8xf32, #tpu.memory_space<hbm>>) dst(%arg11 : memref<448x8xf32, #tpu.memory_space<vmem>>)
      %dma_wait3A_72 = tpu.memref_slice %arg3[%add3A_23] : memref<200704xf32, #tpu.memory_space<hbm>> -> memref<448xf32, #tpu.memory_space<hbm>>
      %dma_wait3A_73 = tpu.memref_slice %arg3[%add3A_23] : memref<200704xf32, #tpu.memory_space<hbm>> -> memref<448xf32, #tpu.memory_space<hbm>>
      tpu.wait_dma2 semaphore(%arg21 : memref<!tpu.dma_semaphore, #tpu.memory_space<semaphore_mem>>) src(%dma_wait3A_73 : memref<448xf32, #tpu.memory_space<hbm>>) dst(%arg12 : memref<448xf32, #tpu.memory_space<vmem>>)
      %dma_wait3A_74 = tpu.memref_slice %arg3[%add3A_23] : memref<200704xf32, #tpu.memory_space<hbm>> -> memref<448xf32, #tpu.memory_space<hbm>>
      %dma_wait3A_75 = tpu.memref_slice %arg3[%add3A_23] : memref<200704xf32, #tpu.memory_space<hbm>> -> memref<448xf32, #tpu.memory_space<hbm>>
      tpu.wait_dma2 semaphore(%arg21 : memref<!tpu.dma_semaphore, #tpu.memory_space<semaphore_mem>>) src(%dma_wait3A_75 : memref<448xf32, #tpu.memory_space<hbm>>) dst(%arg13 : memref<448xf32, #tpu.memory_space<vmem>>)
      %dma_wait3A_76 = tpu.memref_slice %arg4[%add3A_23] : memref<200704xf32, #tpu.memory_space<hbm>> -> memref<448xf32, #tpu.memory_space<hbm>>
      %dma_wait3A_77 = tpu.memref_slice %arg4[%add3A_23] : memref<200704xf32, #tpu.memory_space<hbm>> -> memref<448xf32, #tpu.memory_space<hbm>>
      tpu.wait_dma2 semaphore(%arg21 : memref<!tpu.dma_semaphore, #tpu.memory_space<semaphore_mem>>) src(%dma_wait3A_77 : memref<448xf32, #tpu.memory_space<hbm>>) dst(%arg14 : memref<448xf32, #tpu.memory_space<vmem>>)
      %dma_wait3A_78 = tpu.memref_slice %arg4[%add3A_23] : memref<200704xf32, #tpu.memory_space<hbm>> -> memref<448xf32, #tpu.memory_space<hbm>>
      %dma_wait3A_79 = tpu.memref_slice %arg4[%add3A_23] : memref<200704xf32, #tpu.memory_space<hbm>> -> memref<448xf32, #tpu.memory_space<hbm>>
      tpu.wait_dma2 semaphore(%arg21 : memref<!tpu.dma_semaphore, #tpu.memory_space<semaphore_mem>>) src(%dma_wait3A_79 : memref<448xf32, #tpu.memory_space<hbm>>) dst(%arg15 : memref<448xf32, #tpu.memory_space<vmem>>)
      %dma_wait3A_80 = tpu.memref_slice %arg5[%add3A_23] : memref<100352xf32, #tpu.memory_space<hbm>> -> memref<448xf32, #tpu.memory_space<hbm>>
      %dma_wait3A_81 = tpu.memref_slice %arg5[%add3A_23] : memref<100352xf32, #tpu.memory_space<hbm>> -> memref<448xf32, #tpu.memory_space<hbm>>
      tpu.wait_dma2 semaphore(%arg21 : memref<!tpu.dma_semaphore, #tpu.memory_space<semaphore_mem>>) src(%dma_wait3A_81 : memref<448xf32, #tpu.memory_space<hbm>>) dst(%arg16 : memref<448xf32, #tpu.memory_space<vmem>>)
      %scan3A_82 = arith.constant 0 : i32
      %scan3A_83 = arith.constant 0 : i32
      %scan3A_84 = arith.constant 28 : i32
      %scan3A_85 = arith.addi %scan3A_83, %scan3A_84 : i32
      %scan3A_86 = arith.constant 1 : i32
      scf.for %scan3A_94 = %scan3A_83 to %scan3A_85 step %scan3A_86  : i32 {
        %mul3A_95 = arith.constant 16 : i32
        %mul3A_96 = arith.muli %scan3A_94, %mul3A_95 : i32
        %get3A = arith.index_cast %mul3A_96 : i32 to index
        %get3A_97 = tpu.vector_load %arg14[%get3A] {strides = array<i32>} : memref<448xf32, #tpu.memory_space<vmem>>, vector<16xf32>,
        %get3A_98 = arith.index_cast %mul3A_96 : i32 to index
        %get3A_99 = tpu.vector_load %arg15[%get3A_98] {strides = array<i32>} : memref<448xf32, #tpu.memory_space<vmem>>, vector<16xf32>,
        %add3A_100 = arith.addf %get3A_97, %get3A_99 : vector<16xf32>
        %eq3A = arith.constant 0.000000e+00 : f32
        %eq3A_101 = vector.broadcast %eq3A : f32 to vector<16xf32>
        %eq3A_102 = arith.cmpf oeq, %add3A_100, %eq3A_101 : vector<16xf32>
        %jit3A = arith.constant 1.000000e+00 : f32
        %broadcast_in_dim3A_103 = vector.broadcast %jit3A : f32 to vector<16xf32>
        %select_n3A = arith.select %eq3A_102, %broadcast_in_dim3A_103, %add3A_100 : vector<16xi1>, vector<16xf32>
        %get3A_104 = arith.index_cast %mul3A_96 : i32 to index
        %get3A_105 = tpu.vector_load %arg16[%get3A_104] {strides = array<i32>} : memref<448xf32, #tpu.memory_space<vmem>>, vector<16xf32>,
        %div3A = arith.divf %get3A_105, %select_n3A : vector<16xf32>
        %swap3A_106 = arith.index_cast %mul3A_96 : i32 to index
        %swap3A_107 = tpu.vector_load %arg17[%swap3A_106] {strides = array<i32>} : memref<448xf32, #tpu.memory_space<vmem>>, vector<16xf32>,
        tpu.vector_store %arg17[%swap3A_106], %div3A {strides = array<i32>} : memref<448xf32, #tpu.memory_space<vmem>>, vector<16xf32>,
        %get3A_108 = arith.index_cast %mul3A_96 : i32 to index
        %get3A_109 = tpu.vector_load %arg12[%get3A_108] {strides = array<i32>} : memref<448xf32, #tpu.memory_space<vmem>>, vector<16xf32>,
        %get3A_110 = arith.index_cast %mul3A_96 : i32 to index
        %get3A_111 = tpu.vector_load %arg13[%get3A_110] {strides = array<i32>} : memref<448xf32, #tpu.memory_space<vmem>>, vector<16xf32>,
        %add3A_112 = arith.addf %get3A_109, %get3A_111 : vector<16xf32>
        %eq3A_113 = arith.constant 0.000000e+00 : f32
        %eq3A_114 = vector.broadcast %eq3A_113 : f32 to vector<16xf32>
        %eq3A_115 = arith.cmpf oeq, %add3A_112, %eq3A_114 : vector<16xf32>
        %jit3A_116 = arith.constant 1.000000e+00 : f32
        %broadcast_in_dim3A_117 = vector.broadcast %jit3A_116 : f32 to vector<16xf32>
        %select_n3A_118 = arith.select %eq3A_115, %broadcast_in_dim3A_117, %add3A_112 : vector<16xi1>, vector<16xf32>
        %swap3A_119 = arith.index_cast %mul3A_96 : i32 to index
        %swap3A_120 = tpu.vector_load %arg18[%swap3A_119] {strides = array<i32>} : memref<448xf32, #tpu.memory_space<vmem>>, vector<16xf32>,
        tpu.vector_store %arg18[%swap3A_119], %select_n3A_118 {strides = array<i32>} : memref<448xf32, #tpu.memory_space<vmem>>, vector<16xf32>,
      }
      %scan3A_87 = arith.constant 28 : i32
      %scan3A_88 = arith.constant 0 : i32
      %scan3A_89 = arith.constant 0 : i32
      %scan3A_90 = arith.constant 56 : i32
      %scan3A_91 = arith.addi %scan3A_89, %scan3A_90 : i32
      %scan3A_92 = arith.constant 1 : i32
      scf.for %scan3A_94 = %scan3A_89 to %scan3A_91 step %scan3A_92  : i32 {
        %get3A = arith.constant 0 : index
        %get3A_95 = tpu.vector_load %arg19[%get3A] {strides = array<i32>} : memref<16xf32, #tpu.memory_space<vmem>>, vector<16xf32>,
        %get3A_96 = arith.constant 0 : index
        %get3A_97 = tpu.vector_load %arg20[%get3A_96] {strides = array<i32>} : memref<16xf32, #tpu.memory_space<vmem>>, vector<16xf32>,
        %mul3A_98 = arith.constant 4 : i32
        %mul3A_99 = arith.muli %mul3A_98, %scan3A_94 : i32
        %add3A_100 = arith.constant 0 : i32
        %add3A_101 = arith.addi %mul3A_99, %add3A_100 : i32
        %mul3A_102 = arith.constant 16 : i32
        %mul3A_103 = arith.muli %add3A_101, %mul3A_102 : i32
        %shift_right_arithmetic3A_104 = arith.constant 3 : i32
        %shift_right_arithmetic3A_105 = arith.shrsi %mul3A_103, %shift_right_arithmetic3A_104 : i32
        %add3A_106 = vector.broadcast %shift_right_arithmetic3A_105 : i32 to vector<16xi32>
        %add3A_107 = arith.addi %shift_right_arithmetic3A_4, %add3A_106 : vector<16xi32>
        %gather3A = tpu.vector_load_idx %arg9[%add3A_107, %and3A_6] : memref<448x8xf32, #tpu.memory_space<vmem>>[vector<16xi32>, vector<16xi32>], vector<16xf32>,
        %gather3A_108 = tpu.vector_load_idx %arg10[%add3A_107, %and3A_6] : memref<448x8xf32, #tpu.memory_space<vmem>>[vector<16xi32>, vector<16xi32>], vector<16xf32>,
        %add3A_109 = arith.addf %gather3A, %gather3A_108 : vector<16xf32>
        %gather3A_110 = tpu.vector_load_idx %arg11[%add3A_107, %and3A_6] : memref<448x8xf32, #tpu.memory_space<vmem>>[vector<16xi32>, vector<16xi32>], vector<16xf32>,
        %gather3A_111 = tpu.vector_load_idx %arg17[%add3A_107] : memref<448xf32, #tpu.memory_space<vmem>>[vector<16xi32>], vector<16xf32>,
        %gather3A_112 = tpu.vector_load_idx %arg18[%add3A_107] : memref<448xf32, #tpu.memory_space<vmem>>[vector<16xi32>], vector<16xf32>,
        %mul3A_113 = arith.mulf %gather3A_111, %add3A_109 : vector<16xf32>
        %mul3A_114 = arith.mulf %mul3A_113, %add3A_109 : vector<16xf32>
        %add3A_115 = arith.addf %get3A_95, %mul3A_114 : vector<16xf32>
        %mul3A_116 = arith.mulf %gather3A_110, %gather3A_110 : vector<16xf32>
        %mul3A_117 = arith.mulf %mul3A_116, %gather3A_112 : vector<16xf32>
        %add3A_118 = arith.addf %get3A_97, %mul3A_117 : vector<16xf32>
        %mul3A_119 = arith.constant 4 : i32
        %mul3A_120 = arith.muli %mul3A_119, %scan3A_94 : i32
        %add3A_121 = arith.constant 1 : i32
        %add3A_122 = arith.addi %mul3A_120, %add3A_121 : i32
        %mul3A_123 = arith.constant 16 : i32
        %mul3A_124 = arith.muli %add3A_122, %mul3A_123 : i32
        %shift_right_arithmetic3A_125 = arith.constant 3 : i32
        %shift_right_arithmetic3A_126 = arith.shrsi %mul3A_124, %shift_right_arithmetic3A_125 : i32
        %add3A_127 = vector.broadcast %shift_right_arithmetic3A_126 : i32 to vector<16xi32>
        %add3A_128 = arith.addi %shift_right_arithmetic3A_4, %add3A_127 : vector<16xi32>
        %gather3A_129 = tpu.vector_load_idx %arg9[%add3A_128, %and3A_6] : memref<448x8xf32, #tpu.memory_space<vmem>>[vector<16xi32>, vector<16xi32>], vector<16xf32>,
        %gather3A_130 = tpu.vector_load_idx %arg10[%add3A_128, %and3A_6] : memref<448x8xf32, #tpu.memory_space<vmem>>[vector<16xi32>, vector<16xi32>], vector<16xf32>,
        %add3A_131 = arith.addf %gather3A_129, %gather3A_130 : vector<16xf32>
        %gather3A_132 = tpu.vector_load_idx %arg11[%add3A_128, %and3A_6] : memref<448x8xf32, #tpu.memory_space<vmem>>[vector<16xi32>, vector<16xi32>], vector<16xf32>,
        %gather3A_133 = tpu.vector_load_idx %arg17[%add3A_128] : memref<448xf32, #tpu.memory_space<vmem>>[vector<16xi32>], vector<16xf32>,
        %gather3A_134 = tpu.vector_load_idx %arg18[%add3A_128] : memref<448xf32, #tpu.memory_space<vmem>>[vector<16xi32>], vector<16xf32>,
        %mul3A_135 = arith.mulf %gather3A_133, %add3A_131 : vector<16xf32>
        %mul3A_136 = arith.mulf %mul3A_135, %add3A_131 : vector<16xf32>
        %add3A_137 = arith.addf %add3A_115, %mul3A_136 : vector<16xf32>
        %mul3A_138 = arith.mulf %gather3A_132, %gather3A_132 : vector<16xf32>
        %mul3A_139 = arith.mulf %mul3A_138, %gather3A_134 : vector<16xf32>
        %add3A_140 = arith.addf %add3A_118, %mul3A_139 : vector<16xf32>
        %mul3A_141 = arith.constant 4 : i32
        %mul3A_142 = arith.muli %mul3A_141, %scan3A_94 : i32
        %add3A_143 = arith.constant 2 : i32
        %add3A_144 = arith.addi %mul3A_142, %add3A_143 : i32
        %mul3A_145 = arith.constant 16 : i32
        %mul3A_146 = arith.muli %add3A_144, %mul3A_145 : i32
        %shift_right_arithmetic3A_147 = arith.constant 3 : i32
        %shift_right_arithmetic3A_148 = arith.shrsi %mul3A_146, %shift_right_arithmetic3A_147 : i32
        %add3A_149 = vector.broadcast %shift_right_arithmetic3A_148 : i32 to vector<16xi32>
        %add3A_150 = arith.addi %shift_right_arithmetic3A_4, %add3A_149 : vector<16xi32>
        %gather3A_151 = tpu.vector_load_idx %arg9[%add3A_150, %and3A_6] : memref<448x8xf32, #tpu.memory_space<vmem>>[vector<16xi32>, vector<16xi32>], vector<16xf32>,
        %gather3A_152 = tpu.vector_load_idx %arg10[%add3A_150, %and3A_6] : memref<448x8xf32, #tpu.memory_space<vmem>>[vector<16xi32>, vector<16xi32>], vector<16xf32>,
        %add3A_153 = arith.addf %gather3A_151, %gather3A_152 : vector<16xf32>
        %gather3A_154 = tpu.vector_load_idx %arg11[%add3A_150, %and3A_6] : memref<448x8xf32, #tpu.memory_space<vmem>>[vector<16xi32>, vector<16xi32>], vector<16xf32>,
        %gather3A_155 = tpu.vector_load_idx %arg17[%add3A_150] : memref<448xf32, #tpu.memory_space<vmem>>[vector<16xi32>], vector<16xf32>,
        %gather3A_156 = tpu.vector_load_idx %arg18[%add3A_150] : memref<448xf32, #tpu.memory_space<vmem>>[vector<16xi32>], vector<16xf32>,
        %mul3A_157 = arith.mulf %gather3A_155, %add3A_153 : vector<16xf32>
        %mul3A_158 = arith.mulf %mul3A_157, %add3A_153 : vector<16xf32>
        %add3A_159 = arith.addf %add3A_137, %mul3A_158 : vector<16xf32>
        %mul3A_160 = arith.mulf %gather3A_154, %gather3A_154 : vector<16xf32>
        %mul3A_161 = arith.mulf %mul3A_160, %gather3A_156 : vector<16xf32>
        %add3A_162 = arith.addf %add3A_140, %mul3A_161 : vector<16xf32>
        %mul3A_163 = arith.constant 4 : i32
        %mul3A_164 = arith.muli %mul3A_163, %scan3A_94 : i32
        %add3A_165 = arith.constant 3 : i32
        %add3A_166 = arith.addi %mul3A_164, %add3A_165 : i32
        %mul3A_167 = arith.constant 16 : i32
        %mul3A_168 = arith.muli %add3A_166, %mul3A_167 : i32
        %shift_right_arithmetic3A_169 = arith.constant 3 : i32
        %shift_right_arithmetic3A_170 = arith.shrsi %mul3A_168, %shift_right_arithmetic3A_169 : i32
        %add3A_171 = vector.broadcast %shift_right_arithmetic3A_170 : i32 to vector<16xi32>
        %add3A_172 = arith.addi %shift_right_arithmetic3A_4, %add3A_171 : vector<16xi32>
        %gather3A_173 = tpu.vector_load_idx %arg9[%add3A_172, %and3A_6] : memref<448x8xf32, #tpu.memory_space<vmem>>[vector<16xi32>, vector<16xi32>], vector<16xf32>,
        %gather3A_174 = tpu.vector_load_idx %arg10[%add3A_172, %and3A_6] : memref<448x8xf32, #tpu.memory_space<vmem>>[vector<16xi32>, vector<16xi32>], vector<16xf32>,
        %add3A_175 = arith.addf %gather3A_173, %gather3A_174 : vector<16xf32>
        %gather3A_176 = tpu.vector_load_idx %arg11[%add3A_172, %and3A_6] : memref<448x8xf32, #tpu.memory_space<vmem>>[vector<16xi32>, vector<16xi32>], vector<16xf32>,
        %gather3A_177 = tpu.vector_load_idx %arg17[%add3A_172] : memref<448xf32, #tpu.memory_space<vmem>>[vector<16xi32>], vector<16xf32>,
        %gather3A_178 = tpu.vector_load_idx %arg18[%add3A_172] : memref<448xf32, #tpu.memory_space<vmem>>[vector<16xi32>], vector<16xf32>,
        %mul3A_179 = arith.mulf %gather3A_177, %add3A_175 : vector<16xf32>
        %mul3A_180 = arith.mulf %mul3A_179, %add3A_175 : vector<16xf32>
        %add3A_181 = arith.addf %add3A_159, %mul3A_180 : vector<16xf32>
        %mul3A_182 = arith.mulf %gather3A_176, %gather3A_176 : vector<16xf32>
        %mul3A_183 = arith.mulf %mul3A_182, %gather3A_178 : vector<16xf32>
        %add3A_184 = arith.addf %add3A_162, %mul3A_183 : vector<16xf32>
        %swap3A_185 = arith.constant 0 : index
        %swap3A_186 = tpu.vector_load %arg19[%swap3A_185] {strides = array<i32>} : memref<16xf32, #tpu.memory_space<vmem>>, vector<16xf32>,
        tpu.vector_store %arg19[%swap3A_185], %add3A_181 {strides = array<i32>} : memref<16xf32, #tpu.memory_space<vmem>>, vector<16xf32>,
        %swap3A_187 = arith.constant 0 : index
        %swap3A_188 = tpu.vector_load %arg20[%swap3A_187] {strides = array<i32>} : memref<16xf32, #tpu.memory_space<vmem>>, vector<16xf32>,
        tpu.vector_store %arg20[%swap3A_187], %add3A_184 {strides = array<i32>} : memref<16xf32, #tpu.memory_space<vmem>>, vector<16xf32>,
      }
      %scan3A_93 = arith.constant 56 : i32
    }
    %scan3A_15 = arith.constant 7 : i32
    %mul3A_16 = arith.constant 16 : i32
    %mul3A_17 = arith.muli %arg1, %mul3A_16 : i32
    "tpu.region"() ({
      %run_scoped3A = tpu.sem_alloc : memref<!tpu.dma_semaphore, #tpu.memory_space<semaphore_mem>>
      %dma_start3A = tpu.memref_slice %arg7[%arg0, %mul3A_17] : memref<2x256xf32, #tpu.memory_space<hbm>> -> memref<1x16xf32, #tpu.memory_space<hbm>>
      %dma_start3A_20 = tpu.memref_squeeze %dma_start3A : memref<1x16xf32, #tpu.memory_space<hbm>> -> memref<16xf32, #tpu.memory_space<hbm>>
      %dma_start3A_21 = tpu.memref_slice %arg7[%arg0, %mul3A_17] : memref<2x256xf32, #tpu.memory_space<hbm>> -> memref<1x16xf32, #tpu.memory_space<hbm>>
      %dma_start3A_22 = tpu.memref_squeeze %dma_start3A_21 : memref<1x16xf32, #tpu.memory_space<hbm>> -> memref<16xf32, #tpu.memory_space<hbm>>
      tpu.enqueue_dma source(%arg19 : memref<16xf32, #tpu.memory_space<vmem>>) target(%dma_start3A_22 : memref<16xf32, #tpu.memory_space<hbm>>) target_semaphore(%run_scoped3A : memref<!tpu.dma_semaphore, #tpu.memory_space<semaphore_mem>>)
      %dma_wait3A = tpu.memref_slice %arg7[%arg0, %mul3A_17] : memref<2x256xf32, #tpu.memory_space<hbm>> -> memref<1x16xf32, #tpu.memory_space<hbm>>
      %dma_wait3A_23 = tpu.memref_squeeze %dma_wait3A : memref<1x16xf32, #tpu.memory_space<hbm>> -> memref<16xf32, #tpu.memory_space<hbm>>
      %dma_wait3A_24 = tpu.memref_slice %arg7[%arg0, %mul3A_17] : memref<2x256xf32, #tpu.memory_space<hbm>> -> memref<1x16xf32, #tpu.memory_space<hbm>>
      %dma_wait3A_25 = tpu.memref_squeeze %dma_wait3A_24 : memref<1x16xf32, #tpu.memory_space<hbm>> -> memref<16xf32, #tpu.memory_space<hbm>>
      tpu.wait_dma2 semaphore(%run_scoped3A : memref<!tpu.dma_semaphore, #tpu.memory_space<semaphore_mem>>) src(%arg19 : memref<16xf32, #tpu.memory_space<vmem>>) dst(%dma_wait3A_25 : memref<16xf32, #tpu.memory_space<hbm>>)
      tpu.yield
    }) : () -> ()
    %mul3A_18 = arith.constant 16 : i32
    %mul3A_19 = arith.muli %arg1, %mul3A_18 : i32
    "tpu.region"() ({
      %run_scoped3A = tpu.sem_alloc : memref<!tpu.dma_semaphore, #tpu.memory_space<semaphore_mem>>
      %dma_start3A = tpu.memref_slice %arg8[%arg0, %mul3A_19] : memref<2x256xf32, #tpu.memory_space<hbm>> -> memref<1x16xf32, #tpu.memory_space<hbm>>
      %dma_start3A_20 = tpu.memref_squeeze %dma_start3A : memref<1x16xf32, #tpu.memory_space<hbm>> -> memref<16xf32, #tpu.memory_space<hbm>>
      %dma_start3A_21 = tpu.memref_slice %arg8[%arg0, %mul3A_19] : memref<2x256xf32, #tpu.memory_space<hbm>> -> memref<1x16xf32, #tpu.memory_space<hbm>>
      %dma_start3A_22 = tpu.memref_squeeze %dma_start3A_21 : memref<1x16xf32, #tpu.memory_space<hbm>> -> memref<16xf32, #tpu.memory_space<hbm>>
      tpu.enqueue_dma source(%arg20 : memref<16xf32, #tpu.memory_space<vmem>>) target(%dma_start3A_22 : memref<16xf32, #tpu.memory_space<hbm>>) target_semaphore(%run_scoped3A : memref<!tpu.dma_semaphore, #tpu.memory_space<semaphore_mem>>)
      %dma_wait3A = tpu.memref_slice %arg8[%arg0, %mul3A_19] : memref<2x256xf32, #tpu.memory_space<hbm>> -> memref<1x16xf32, #tpu.memory_space<hbm>>
      %dma_wait3A_23 = tpu.memref_squeeze %dma_wait3A : memref<1x16xf32, #tpu.memory_space<hbm>> -> memref<16xf32, #tpu.memory_space<hbm>>
      %dma_wait3A_24 = tpu.memref_slice %arg8[%arg0, %mul3A_19] : memref<2x256xf32, #tpu.memory_space<hbm>> -> memref<1x16xf32, #tpu.memory_space<hbm>>
      %dma_wait3A_25 = tpu.memref_squeeze %dma_wait3A_24 : memref<1x16xf32, #tpu.memory_space<hbm>> -> memref<16xf32, #tpu.memory_space<hbm>>
      tpu.wait_dma2 semaphore(%run_scoped3A : memref<!tpu.dma_semaphore, #tpu.memory_space<semaphore_mem>>) src(%arg20 : memref<16xf32, #tpu.memory_space<vmem>>) dst(%dma_wait3A_25 : memref<16xf32, #tpu.memory_space<hbm>>)
      tpu.yield
    }) : () -> ()
    return
  }
}

#map = affine_map<(d0, d1) -> (0)>
#map1 = affine_map<(d0, d1) -> (0, 0)>
#map2 = affine_map<(d0, d1) -> (0, 0, 0)>
module attributes {stable_mosaic.version = 14 : i64} {
  func.func @hg_edge_sums_sc(%arg0: i32, %arg1: i32, %arg2: memref<12800000xi32, #tpu.memory_space<hbm>>, %arg3: memref<200704xf32, #tpu.memory_space<hbm>>, %arg4: memref<100352x8xf32, #tpu.memory_space<hbm>>, %arg5: memref<6272x8xf32, #tpu.memory_space<hbm>>, %arg6: memref<2x100352x8xf32, #tpu.memory_space<hbm>>, %arg7: memref<448xf32, #tpu.memory_space<vmem>>, %arg8: memref<448xf32, #tpu.memory_space<vmem>>, %arg9: memref<448xf32, #tpu.memory_space<vmem>>, %arg10: memref<448x8xf32, #tpu.memory_space<vmem>>, %arg11: memref<1000xi32, #tpu.memory_space<vmem>>, %arg12: memref<1000xi32, #tpu.memory_space<vmem>>, %arg13: memref<1000xi32, #tpu.memory_space<vmem>>, %arg14: memref<1000xi32, #tpu.memory_space<vmem>>, %arg15: memref<1000x8xf32, #tpu.memory_space<vmem>>, %arg16: memref<1000x8xf32, #tpu.memory_space<vmem>>, %arg17: memref<100352x8xf32, #tpu.memory_space<vmem_shared>>, %arg18: memref<100352x8xf32, #tpu.memory_space<vmem_shared>>, %arg19: memref<!tpu.dma_semaphore, #tpu.memory_space<semaphore_mem>>, %arg20: memref<!tpu.dma_semaphore, #tpu.memory_space<semaphore_mem>>, %arg21: memref<!tpu.dma_semaphore, #tpu.memory_space<semaphore_mem>>, %arg22: memref<!tpu.dma_semaphore, #tpu.memory_space<semaphore_mem>>, %arg23: memref<!tpu.dma_semaphore, #tpu.memory_space<semaphore_mem>>, %arg24: memref<!tpu.dma_semaphore, #tpu.memory_space<semaphore_mem>>) attributes {dimension_semantics = [#tpu.dimension_semantics<core_parallel>, #tpu.dimension_semantics<subcore_parallel>], iteration_bounds = array<i64: 2, 16>, scalar_prefetch = 0 : i64, scratch_operands = 18 : i64, tpu.core_type = #tpu.core_type<sc_vector_subcore>, window_params = [{transform_indices = #map}, {transform_indices = #map}, {transform_indices = #map1}, {transform_indices = #map1}, {transform_indices = #map2}]} {
    %mul3A = arith.constant 16 : i32
    %mul3A_0 = arith.muli %arg0, %mul3A : i32
    %add3A = arith.addi %mul3A_0, %arg1 : i32
    %mul3A_1 = arith.constant 6272 : i32
    %mul3A_2 = arith.muli %arg1, %mul3A_1 : i32
    %mul3A_3 = arith.constant 200000 : i32
    %mul3A_4 = arith.muli %add3A, %mul3A_3 : i32
    %add3A_5 = arith.constant 0 : i32
    %add3A_6 = arith.addi %mul3A_4, %add3A_5 : i32
    %dma_start3A = tpu.memref_slice %arg2[%add3A_6] : memref<12800000xi32, #tpu.memory_space<hbm>> -> memref<1000xi32, #tpu.memory_space<hbm>>
    %dma_start3A_7 = tpu.memref_slice %arg2[%add3A_6] : memref<12800000xi32, #tpu.memory_space<hbm>> -> memref<1000xi32, #tpu.memory_space<hbm>>
    tpu.enqueue_dma source(%dma_start3A_7 : memref<1000xi32, #tpu.memory_space<hbm>>) target(%arg11 : memref<1000xi32, #tpu.memory_space<vmem>>) target_semaphore(%arg20 : memref<!tpu.dma_semaphore, #tpu.memory_space<semaphore_mem>>)
    %add3A_8 = arith.constant 6400000 : i32
    %add3A_9 = arith.addi %add3A_8, %mul3A_4 : i32
    %add3A_10 = arith.constant 0 : i32
    %add3A_11 = arith.addi %add3A_9, %add3A_10 : i32
    %dma_start3A_12 = tpu.memref_slice %arg2[%add3A_11] : memref<12800000xi32, #tpu.memory_space<hbm>> -> memref<1000xi32, #tpu.memory_space<hbm>>
    %dma_start3A_13 = tpu.memref_slice %arg2[%add3A_11] : memref<12800000xi32, #tpu.memory_space<hbm>> -> memref<1000xi32, #tpu.memory_space<hbm>>
    tpu.enqueue_dma source(%dma_start3A_13 : memref<1000xi32, #tpu.memory_space<hbm>>) target(%arg12 : memref<1000xi32, #tpu.memory_space<vmem>>) target_semaphore(%arg20 : memref<!tpu.dma_semaphore, #tpu.memory_space<semaphore_mem>>)
    "tpu.region"() ({
      %run_scoped3A = tpu.sem_alloc : memref<!tpu.dma_semaphore, #tpu.memory_space<semaphore_mem>>
      %dma_start3A_32 = arith.constant 0 : i32
      %dma_start3A_33 = tpu.memref_slice %arg18[%mul3A_2, %dma_start3A_32] : memref<100352x8xf32, #tpu.memory_space<vmem_shared>> -> memref<6272x8xf32, #tpu.memory_space<vmem_shared>>
      tpu.enqueue_dma source(%arg5 : memref<6272x8xf32, #tpu.memory_space<hbm>>) target(%dma_start3A_33 : memref<6272x8xf32, #tpu.memory_space<vmem_shared>>) target_semaphore(%run_scoped3A : memref<!tpu.dma_semaphore, #tpu.memory_space<semaphore_mem>>)
      %dma_wait3A_34 = arith.constant 0 : i32
      %dma_wait3A_35 = tpu.memref_slice %arg18[%mul3A_2, %dma_wait3A_34] : memref<100352x8xf32, #tpu.memory_space<vmem_shared>> -> memref<6272x8xf32, #tpu.memory_space<vmem_shared>>
      tpu.wait_dma2 semaphore(%run_scoped3A : memref<!tpu.dma_semaphore, #tpu.memory_space<semaphore_mem>>) src(%arg5 : memref<6272x8xf32, #tpu.memory_space<hbm>>) dst(%dma_wait3A_35 : memref<6272x8xf32, #tpu.memory_space<vmem_shared>>)
      tpu.yield
    }) : () -> ()
    %iota3A = tpu.iota {dimensions = array<i32: 0>} : vector<16xi32>
    %shift_right_arithmetic3A = arith.constant 3 : i32
    %shift_right_arithmetic3A_14 = vector.broadcast %shift_right_arithmetic3A : i32 to vector<16xi32>
    %shift_right_arithmetic3A_15 = arith.shrsi %iota3A, %shift_right_arithmetic3A_14 : vector<16xi32>
    %and3A = arith.constant 7 : i32
    %and3A_16 = vector.broadcast %and3A : i32 to vector<16xi32>
    %and3A_17 = arith.andi %iota3A, %and3A_16 : vector<16xi32>
    %scan3A = arith.constant 0 : i32
    %scan3A_18 = arith.constant 0 : i32
    %scan3A_19 = arith.constant 14 : i32
    %scan3A_20 = arith.addi %scan3A_18, %scan3A_19 : i32
    %scan3A_21 = arith.constant 1 : i32
    scf.for %scan3A_32 = %scan3A_18 to %scan3A_20 step %scan3A_21  : i32 {
      %mul3A_33 = arith.constant 448 : i32
      %mul3A_34 = arith.muli %scan3A_32, %mul3A_33 : i32
      %add3A_35 = arith.addi %mul3A_2, %mul3A_34 : i32
      %dma_start3A_36 = tpu.memref_slice %arg3[%add3A_35] : memref<200704xf32, #tpu.memory_space<hbm>> -> memref<448xf32, #tpu.memory_space<hbm>>
      %dma_start3A_37 = tpu.memref_slice %arg3[%add3A_35] : memref<200704xf32, #tpu.memory_space<hbm>> -> memref<448xf32, #tpu.memory_space<hbm>>
      tpu.enqueue_dma source(%dma_start3A_37 : memref<448xf32, #tpu.memory_space<hbm>>) target(%arg7 : memref<448xf32, #tpu.memory_space<vmem>>) target_semaphore(%arg19 : memref<!tpu.dma_semaphore, #tpu.memory_space<semaphore_mem>>)
      %add3A_38 = arith.constant 100352 : i32
      %add3A_39 = arith.addi %add3A_38, %add3A_35 : i32
      %dma_start3A_40 = tpu.memref_slice %arg3[%add3A_39] : memref<200704xf32, #tpu.memory_space<hbm>> -> memref<448xf32, #tpu.memory_space<hbm>>
      %dma_start3A_41 = tpu.memref_slice %arg3[%add3A_39] : memref<200704xf32, #tpu.memory_space<hbm>> -> memref<448xf32, #tpu.memory_space<hbm>>
      tpu.enqueue_dma source(%dma_start3A_41 : memref<448xf32, #tpu.memory_space<hbm>>) target(%arg8 : memref<448xf32, #tpu.memory_space<vmem>>) target_semaphore(%arg19 : memref<!tpu.dma_semaphore, #tpu.memory_space<semaphore_mem>>)
      %dma_start3A_42 = arith.constant 0 : i32
      %dma_start3A_43 = tpu.memref_slice %arg4[%add3A_35, %dma_start3A_42] : memref<100352x8xf32, #tpu.memory_space<hbm>> -> memref<448x8xf32, #tpu.memory_space<hbm>>
      %dma_start3A_44 = arith.constant 0 : i32
      %dma_start3A_45 = tpu.memref_slice %arg4[%add3A_35, %dma_start3A_44] : memref<100352x8xf32, #tpu.memory_space<hbm>> -> memref<448x8xf32, #tpu.memory_space<hbm>>
      tpu.enqueue_dma source(%dma_start3A_45 : memref<448x8xf32, #tpu.memory_space<hbm>>) target(%arg10 : memref<448x8xf32, #tpu.memory_space<vmem>>) target_semaphore(%arg19 : memref<!tpu.dma_semaphore, #tpu.memory_space<semaphore_mem>>)
      %dma_wait3A_46 = tpu.memref_slice %arg3[%add3A_35] : memref<200704xf32, #tpu.memory_space<hbm>> -> memref<448xf32, #tpu.memory_space<hbm>>
      %dma_wait3A_47 = tpu.memref_slice %arg3[%add3A_35] : memref<200704xf32, #tpu.memory_space<hbm>> -> memref<448xf32, #tpu.memory_space<hbm>>
      tpu.wait_dma2 semaphore(%arg19 : memref<!tpu.dma_semaphore, #tpu.memory_space<semaphore_mem>>) src(%dma_wait3A_47 : memref<448xf32, #tpu.memory_space<hbm>>) dst(%arg7 : memref<448xf32, #tpu.memory_space<vmem>>)
      %dma_wait3A_48 = tpu.memref_slice %arg3[%add3A_35] : memref<200704xf32, #tpu.memory_space<hbm>> -> memref<448xf32, #tpu.memory_space<hbm>>
      %dma_wait3A_49 = tpu.memref_slice %arg3[%add3A_35] : memref<200704xf32, #tpu.memory_space<hbm>> -> memref<448xf32, #tpu.memory_space<hbm>>
      tpu.wait_dma2 semaphore(%arg19 : memref<!tpu.dma_semaphore, #tpu.memory_space<semaphore_mem>>) src(%dma_wait3A_49 : memref<448xf32, #tpu.memory_space<hbm>>) dst(%arg8 : memref<448xf32, #tpu.memory_space<vmem>>)
      %dma_wait3A_50 = arith.constant 0 : i32
      %dma_wait3A_51 = tpu.memref_slice %arg4[%add3A_35, %dma_wait3A_50] : memref<100352x8xf32, #tpu.memory_space<hbm>> -> memref<448x8xf32, #tpu.memory_space<hbm>>
      %dma_wait3A_52 = arith.constant 0 : i32
      %dma_wait3A_53 = tpu.memref_slice %arg4[%add3A_35, %dma_wait3A_52] : memref<100352x8xf32, #tpu.memory_space<hbm>> -> memref<448x8xf32, #tpu.memory_space<hbm>>
      tpu.wait_dma2 semaphore(%arg19 : memref<!tpu.dma_semaphore, #tpu.memory_space<semaphore_mem>>) src(%dma_wait3A_53 : memref<448x8xf32, #tpu.memory_space<hbm>>) dst(%arg10 : memref<448x8xf32, #tpu.memory_space<vmem>>)
      %scan3A_54 = arith.constant 0 : i32
      %scan3A_55 = arith.constant 0 : i32
      %scan3A_56 = arith.constant 28 : i32
      %scan3A_57 = arith.addi %scan3A_55, %scan3A_56 : i32
      %scan3A_58 = arith.constant 1 : i32
      scf.for %scan3A_66 = %scan3A_55 to %scan3A_57 step %scan3A_58  : i32 {
        %mul3A_67 = arith.constant 16 : i32
        %mul3A_68 = arith.muli %scan3A_66, %mul3A_67 : i32
        %get3A = arith.index_cast %mul3A_68 : i32 to index
        %get3A_69 = tpu.vector_load %arg7[%get3A] {strides = array<i32>} : memref<448xf32, #tpu.memory_space<vmem>>, vector<16xf32>,
        %get3A_70 = arith.index_cast %mul3A_68 : i32 to index
        %get3A_71 = tpu.vector_load %arg8[%get3A_70] {strides = array<i32>} : memref<448xf32, #tpu.memory_space<vmem>>, vector<16xf32>,
        %add3A_72 = arith.addf %get3A_69, %get3A_71 : vector<16xf32>
        %eq3A = arith.constant 0.000000e+00 : f32
        %eq3A_73 = vector.broadcast %eq3A : f32 to vector<16xf32>
        %eq3A_74 = arith.cmpf oeq, %add3A_72, %eq3A_73 : vector<16xf32>
        %jit3A = arith.constant 1.000000e+00 : f32
        %broadcast_in_dim3A = vector.broadcast %jit3A : f32 to vector<16xf32>
        %select_n3A = arith.select %eq3A_74, %broadcast_in_dim3A, %add3A_72 : vector<16xi1>, vector<16xf32>
        %bitcast3A = vector.bitcast %select_n3A : vector<16xf32> to vector<16xi32>
        %broadcast_in_dim3A_75 = arith.constant 1597463007 : i32
        %broadcast_in_dim3A_76 = vector.broadcast %broadcast_in_dim3A_75 : i32 to vector<16xi32>
        %shift_right_arithmetic3A_77 = arith.constant 1 : i32
        %shift_right_arithmetic3A_78 = vector.broadcast %shift_right_arithmetic3A_77 : i32 to vector<16xi32>
        %shift_right_arithmetic3A_79 = arith.shrsi %bitcast3A, %shift_right_arithmetic3A_78 : vector<16xi32>
        %sub3A = arith.subi %broadcast_in_dim3A_76, %shift_right_arithmetic3A_79 : vector<16xi32>
        %bitcast3A_80 = vector.bitcast %sub3A : vector<16xi32> to vector<16xf32>
        %mul3A_81 = arith.constant 5.000000e-01 : f32
        %mul3A_82 = vector.broadcast %mul3A_81 : f32 to vector<16xf32>
        %mul3A_83 = arith.mulf %mul3A_82, %select_n3A : vector<16xf32>
        %mul3A_84 = arith.mulf %mul3A_83, %bitcast3A_80 : vector<16xf32>
        %mul3A_85 = arith.mulf %mul3A_84, %bitcast3A_80 : vector<16xf32>
        %sub3A_86 = arith.constant 1.500000e+00 : f32
        %sub3A_87 = vector.broadcast %sub3A_86 : f32 to vector<16xf32>
        %sub3A_88 = arith.subf %sub3A_87, %mul3A_85 : vector<16xf32>
        %mul3A_89 = arith.mulf %bitcast3A_80, %sub3A_88 : vector<16xf32>
        %mul3A_90 = arith.constant 5.000000e-01 : f32
        %mul3A_91 = vector.broadcast %mul3A_90 : f32 to vector<16xf32>
        %mul3A_92 = arith.mulf %mul3A_91, %select_n3A : vector<16xf32>
        %mul3A_93 = arith.mulf %mul3A_92, %mul3A_89 : vector<16xf32>
        %mul3A_94 = arith.mulf %mul3A_93, %mul3A_89 : vector<16xf32>
        %sub3A_95 = arith.constant 1.500000e+00 : f32
        %sub3A_96 = vector.broadcast %sub3A_95 : f32 to vector<16xf32>
        %sub3A_97 = arith.subf %sub3A_96, %mul3A_94 : vector<16xf32>
        %mul3A_98 = arith.mulf %mul3A_89, %sub3A_97 : vector<16xf32>
        %mul3A_99 = arith.constant 5.000000e-01 : f32
        %mul3A_100 = vector.broadcast %mul3A_99 : f32 to vector<16xf32>
        %mul3A_101 = arith.mulf %mul3A_100, %select_n3A : vector<16xf32>
        %mul3A_102 = arith.mulf %mul3A_101, %mul3A_98 : vector<16xf32>
        %mul3A_103 = arith.mulf %mul3A_102, %mul3A_98 : vector<16xf32>
        %sub3A_104 = arith.constant 1.500000e+00 : f32
        %sub3A_105 = vector.broadcast %sub3A_104 : f32 to vector<16xf32>
        %sub3A_106 = arith.subf %sub3A_105, %mul3A_103 : vector<16xf32>
        %mul3A_107 = arith.mulf %mul3A_98, %sub3A_106 : vector<16xf32>
        %swap3A = arith.index_cast %mul3A_68 : i32 to index
        %swap3A_108 = tpu.vector_load %arg9[%swap3A] {strides = array<i32>} : memref<448xf32, #tpu.memory_space<vmem>>, vector<16xf32>,
        tpu.vector_store %arg9[%swap3A], %mul3A_107 {strides = array<i32>} : memref<448xf32, #tpu.memory_space<vmem>>, vector<16xf32>,
      }
      %scan3A_59 = arith.constant 28 : i32
      %scan3A_60 = arith.constant 0 : i32
      %scan3A_61 = arith.constant 0 : i32
      %scan3A_62 = arith.constant 56 : i32
      %scan3A_63 = arith.addi %scan3A_61, %scan3A_62 : i32
      %scan3A_64 = arith.constant 1 : i32
      scf.for %scan3A_66 = %scan3A_61 to %scan3A_63 step %scan3A_64  : i32 {
        %mul3A_67 = arith.constant 4 : i32
        %mul3A_68 = arith.muli %mul3A_67, %scan3A_66 : i32
        %add3A_69 = arith.constant 0 : i32
        %add3A_70 = arith.addi %mul3A_68, %add3A_69 : i32
        %mul3A_71 = arith.constant 16 : i32
        %mul3A_72 = arith.muli %add3A_70, %mul3A_71 : i32
        %shift_right_arithmetic3A_73 = arith.constant 3 : i32
        %shift_right_arithmetic3A_74 = arith.shrsi %mul3A_72, %shift_right_arithmetic3A_73 : i32
        %add3A_75 = vector.broadcast %shift_right_arithmetic3A_74 : i32 to vector<16xi32>
        %add3A_76 = arith.addi %shift_right_arithmetic3A_15, %add3A_75 : vector<16xi32>
        %gather3A = tpu.vector_load_idx %arg9[%add3A_76] : memref<448xf32, #tpu.memory_space<vmem>>[vector<16xi32>], vector<16xf32>,
        %gather3A_77 = tpu.vector_load_idx %arg10[%add3A_76, %and3A_17] : memref<448x8xf32, #tpu.memory_space<vmem>>[vector<16xi32>, vector<16xi32>], vector<16xf32>,
        %mul3A_78 = arith.mulf %gather3A, %gather3A_77 : vector<16xf32>
        tpu.vector_store_idx %arg10[%add3A_76, %and3A_17], %mul3A_78 : memref<448x8xf32, #tpu.memory_space<vmem>>[vector<16xi32>, vector<16xi32>], vector<16xf32>,
        %mul3A_79 = arith.constant 4 : i32
        %mul3A_80 = arith.muli %mul3A_79, %scan3A_66 : i32
        %add3A_81 = arith.constant 1 : i32
        %add3A_82 = arith.addi %mul3A_80, %add3A_81 : i32
        %mul3A_83 = arith.constant 16 : i32
        %mul3A_84 = arith.muli %add3A_82, %mul3A_83 : i32
        %shift_right_arithmetic3A_85 = arith.constant 3 : i32
        %shift_right_arithmetic3A_86 = arith.shrsi %mul3A_84, %shift_right_arithmetic3A_85 : i32
        %add3A_87 = vector.broadcast %shift_right_arithmetic3A_86 : i32 to vector<16xi32>
        %add3A_88 = arith.addi %shift_right_arithmetic3A_15, %add3A_87 : vector<16xi32>
        %gather3A_89 = tpu.vector_load_idx %arg9[%add3A_88] : memref<448xf32, #tpu.memory_space<vmem>>[vector<16xi32>], vector<16xf32>,
        %gather3A_90 = tpu.vector_load_idx %arg10[%add3A_88, %and3A_17] : memref<448x8xf32, #tpu.memory_space<vmem>>[vector<16xi32>, vector<16xi32>], vector<16xf32>,
        %mul3A_91 = arith.mulf %gather3A_89, %gather3A_90 : vector<16xf32>
        tpu.vector_store_idx %arg10[%add3A_88, %and3A_17], %mul3A_91 : memref<448x8xf32, #tpu.memory_space<vmem>>[vector<16xi32>, vector<16xi32>], vector<16xf32>,
        %mul3A_92 = arith.constant 4 : i32
        %mul3A_93 = arith.muli %mul3A_92, %scan3A_66 : i32
        %add3A_94 = arith.constant 2 : i32
        %add3A_95 = arith.addi %mul3A_93, %add3A_94 : i32
        %mul3A_96 = arith.constant 16 : i32
        %mul3A_97 = arith.muli %add3A_95, %mul3A_96 : i32
        %shift_right_arithmetic3A_98 = arith.constant 3 : i32
        %shift_right_arithmetic3A_99 = arith.shrsi %mul3A_97, %shift_right_arithmetic3A_98 : i32
        %add3A_100 = vector.broadcast %shift_right_arithmetic3A_99 : i32 to vector<16xi32>
        %add3A_101 = arith.addi %shift_right_arithmetic3A_15, %add3A_100 : vector<16xi32>
        %gather3A_102 = tpu.vector_load_idx %arg9[%add3A_101] : memref<448xf32, #tpu.memory_space<vmem>>[vector<16xi32>], vector<16xf32>,
        %gather3A_103 = tpu.vector_load_idx %arg10[%add3A_101, %and3A_17] : memref<448x8xf32, #tpu.memory_space<vmem>>[vector<16xi32>, vector<16xi32>], vector<16xf32>,
        %mul3A_104 = arith.mulf %gather3A_102, %gather3A_103 : vector<16xf32>
        tpu.vector_store_idx %arg10[%add3A_101, %and3A_17], %mul3A_104 : memref<448x8xf32, #tpu.memory_space<vmem>>[vector<16xi32>, vector<16xi32>], vector<16xf32>,
        %mul3A_105 = arith.constant 4 : i32
        %mul3A_106 = arith.muli %mul3A_105, %scan3A_66 : i32
        %add3A_107 = arith.constant 3 : i32
        %add3A_108 = arith.addi %mul3A_106, %add3A_107 : i32
        %mul3A_109 = arith.constant 16 : i32
        %mul3A_110 = arith.muli %add3A_108, %mul3A_109 : i32
        %shift_right_arithmetic3A_111 = arith.constant 3 : i32
        %shift_right_arithmetic3A_112 = arith.shrsi %mul3A_110, %shift_right_arithmetic3A_111 : i32
        %add3A_113 = vector.broadcast %shift_right_arithmetic3A_112 : i32 to vector<16xi32>
        %add3A_114 = arith.addi %shift_right_arithmetic3A_15, %add3A_113 : vector<16xi32>
        %gather3A_115 = tpu.vector_load_idx %arg9[%add3A_114] : memref<448xf32, #tpu.memory_space<vmem>>[vector<16xi32>], vector<16xf32>,
        %gather3A_116 = tpu.vector_load_idx %arg10[%add3A_114, %and3A_17] : memref<448x8xf32, #tpu.memory_space<vmem>>[vector<16xi32>, vector<16xi32>], vector<16xf32>,
        %mul3A_117 = arith.mulf %gather3A_115, %gather3A_116 : vector<16xf32>
        tpu.vector_store_idx %arg10[%add3A_114, %and3A_17], %mul3A_117 : memref<448x8xf32, #tpu.memory_space<vmem>>[vector<16xi32>, vector<16xi32>], vector<16xf32>,
      }
      %scan3A_65 = arith.constant 56 : i32
      "tpu.region"() ({
        %run_scoped3A = tpu.sem_alloc : memref<!tpu.dma_semaphore, #tpu.memory_space<semaphore_mem>>
        %dma_start3A_66 = arith.constant 0 : i32
        %dma_start3A_67 = tpu.memref_slice %arg17[%add3A_35, %dma_start3A_66] : memref<100352x8xf32, #tpu.memory_space<vmem_shared>> -> memref<448x8xf32, #tpu.memory_space<vmem_shared>>
        %dma_start3A_68 = arith.constant 0 : i32
        %dma_start3A_69 = tpu.memref_slice %arg17[%add3A_35, %dma_start3A_68] : memref<100352x8xf32, #tpu.memory_space<vmem_shared>> -> memref<448x8xf32, #tpu.memory_space<vmem_shared>>
        tpu.enqueue_dma source(%arg10 : memref<448x8xf32, #tpu.memory_space<vmem>>) target(%dma_start3A_69 : memref<448x8xf32, #tpu.memory_space<vmem_shared>>) target_semaphore(%run_scoped3A : memref<!tpu.dma_semaphore, #tpu.memory_space<semaphore_mem>>)
        %dma_wait3A_70 = arith.constant 0 : i32
        %dma_wait3A_71 = tpu.memref_slice %arg17[%add3A_35, %dma_wait3A_70] : memref<100352x8xf32, #tpu.memory_space<vmem_shared>> -> memref<448x8xf32, #tpu.memory_space<vmem_shared>>
        %dma_wait3A_72 = arith.constant 0 : i32
        %dma_wait3A_73 = tpu.memref_slice %arg17[%add3A_35, %dma_wait3A_72] : memref<100352x8xf32, #tpu.memory_space<vmem_shared>> -> memref<448x8xf32, #tpu.memory_space<vmem_shared>>
        tpu.wait_dma2 semaphore(%run_scoped3A : memref<!tpu.dma_semaphore, #tpu.memory_space<semaphore_mem>>) src(%arg10 : memref<448x8xf32, #tpu.memory_space<vmem>>) dst(%dma_wait3A_73 : memref<448x8xf32, #tpu.memory_space<vmem_shared>>)
        tpu.yield
      }) : () -> ()
    }
    %scan3A_22 = arith.constant 14 : i32
    %barrier3A = arith.constant 0 : index
    tpu.barrier barrier_id(%barrier3A)
    %scan3A_23 = arith.constant 0 : i32
    %scan3A_24 = arith.constant 0 : i32
    %scan3A_25 = arith.constant 100 : i32
    %scan3A_26 = arith.addi %scan3A_24, %scan3A_25 : i32
    %scan3A_27 = arith.constant 1 : i32
    scf.for %scan3A_32 = %scan3A_24 to %scan3A_26 step %scan3A_27  : i32 {
      %gt3A = arith.constant 0 : i32
      %gt3A_33 = arith.cmpi sgt, %scan3A_32, %gt3A : i32
      %convert_element_type3A = arith.extui %gt3A_33 : i1 to i32
      %cond3A = arith.constant 0 : i32
      %cond3A_34 = arith.cmpi ne, %convert_element_type3A, %cond3A : i32
      scf.if %cond3A_34 {
        %dma_wait3A_84 = arith.constant 0 : i32
        %dma_wait3A_85 = arith.constant 0 : i32
        %dma_wait3A_86 = tpu.memref_slice %arg18[%dma_wait3A_84, %dma_wait3A_85] : memref<100352x8xf32, #tpu.memory_space<vmem_shared>> -> memref<100352x8xf32, #tpu.memory_space<vmem_shared>>
        tpu.wait_indirect_dma semaphore(%arg24 : memref<!tpu.dma_semaphore, #tpu.memory_space<semaphore_mem>>) src(%arg16 : memref<1000x8xf32, #tpu.memory_space<vmem>>) dst(%dma_wait3A_86 : memref<100352x8xf32, #tpu.memory_space<vmem_shared>>)
      } else {
      }
      %dma_wait3A_35 = tpu.memref_slice %arg2[%mul3A_4] : memref<12800000xi32, #tpu.memory_space<hbm>> -> memref<1000xi32, #tpu.memory_space<hbm>>
      %dma_wait3A_36 = tpu.memref_slice %arg2[%mul3A_4] : memref<12800000xi32, #tpu.memory_space<hbm>> -> memref<1000xi32, #tpu.memory_space<hbm>>
      tpu.wait_dma2 semaphore(%arg20 : memref<!tpu.dma_semaphore, #tpu.memory_space<semaphore_mem>>) src(%dma_wait3A_36 : memref<1000xi32, #tpu.memory_space<hbm>>) dst(%arg11 : memref<1000xi32, #tpu.memory_space<vmem>>)
      %dma_wait3A_37 = tpu.memref_slice %arg2[%mul3A_4] : memref<12800000xi32, #tpu.memory_space<hbm>> -> memref<1000xi32, #tpu.memory_space<hbm>>
      %dma_wait3A_38 = tpu.memref_slice %arg2[%mul3A_4] : memref<12800000xi32, #tpu.memory_space<hbm>> -> memref<1000xi32, #tpu.memory_space<hbm>>
      tpu.wait_dma2 semaphore(%arg20 : memref<!tpu.dma_semaphore, #tpu.memory_space<semaphore_mem>>) src(%dma_wait3A_38 : memref<1000xi32, #tpu.memory_space<hbm>>) dst(%arg12 : memref<1000xi32, #tpu.memory_space<vmem>>)
      %dma_start3A_39 = arith.constant 0 : i32
      %dma_start3A_40 = arith.constant 0 : i32
      %dma_start3A_41 = tpu.memref_slice %arg17[%dma_start3A_39, %dma_start3A_40] : memref<100352x8xf32, #tpu.memory_space<vmem_shared>> -> memref<100352x8xf32, #tpu.memory_space<vmem_shared>>
      tpu.enqueue_indirect_dma source(%dma_start3A_41 : memref<100352x8xf32, #tpu.memory_space<vmem_shared>>) target(%arg15 : memref<1000x8xf32, #tpu.memory_space<vmem>>) offsets(%arg11 : memref<1000xi32, #tpu.memory_space<vmem>>) semaphore(%arg22 : memref<!tpu.dma_semaphore, #tpu.memory_space<semaphore_mem>>)
      %mul3A_42 = arith.constant 2 : i32
      %mul3A_43 = arith.muli %mul3A_42, %scan3A_32 : i32
      %add3A_44 = arith.constant 1 : i32
      %add3A_45 = arith.addi %mul3A_43, %add3A_44 : i32
      %mul3A_46 = arith.constant 1000 : i32
      %mul3A_47 = arith.muli %add3A_45, %mul3A_46 : i32
      %add3A_48 = arith.addi %mul3A_4, %mul3A_47 : i32
      %dma_start3A_49 = tpu.memref_slice %arg2[%add3A_48] : memref<12800000xi32, #tpu.memory_space<hbm>> -> memref<1000xi32, #tpu.memory_space<hbm>>
      %dma_start3A_50 = tpu.memref_slice %arg2[%add3A_48] : memref<12800000xi32, #tpu.memory_space<hbm>> -> memref<1000xi32, #tpu.memory_space<hbm>>
      tpu.enqueue_dma source(%dma_start3A_50 : memref<1000xi32, #tpu.memory_space<hbm>>) target(%arg13 : memref<1000xi32, #tpu.memory_space<vmem>>) target_semaphore(%arg21 : memref<!tpu.dma_semaphore, #tpu.memory_space<semaphore_mem>>)
      %add3A_51 = arith.constant 6400000 : i32
      %add3A_52 = arith.addi %add3A_51, %mul3A_4 : i32
      %mul3A_53 = arith.constant 1000 : i32
      %mul3A_54 = arith.muli %add3A_45, %mul3A_53 : i32
      %add3A_55 = arith.addi %add3A_52, %mul3A_54 : i32
      %dma_start3A_56 = tpu.memref_slice %arg2[%add3A_55] : memref<12800000xi32, #tpu.memory_space<hbm>> -> memref<1000xi32, #tpu.memory_space<hbm>>
      %dma_start3A_57 = tpu.memref_slice %arg2[%add3A_55] : memref<12800000xi32, #tpu.memory_space<hbm>> -> memref<1000xi32, #tpu.memory_space<hbm>>
      tpu.enqueue_dma source(%dma_start3A_57 : memref<1000xi32, #tpu.memory_space<hbm>>) target(%arg14 : memref<1000xi32, #tpu.memory_space<vmem>>) target_semaphore(%arg21 : memref<!tpu.dma_semaphore, #tpu.memory_space<semaphore_mem>>)
      %dma_wait3A_58 = arith.constant 0 : i32
      %dma_wait3A_59 = arith.constant 0 : i32
      %dma_wait3A_60 = tpu.memref_slice %arg17[%dma_wait3A_58, %dma_wait3A_59] : memref<100352x8xf32, #tpu.memory_space<vmem_shared>> -> memref<100352x8xf32, #tpu.memory_space<vmem_shared>>
      tpu.wait_indirect_dma semaphore(%arg22 : memref<!tpu.dma_semaphore, #tpu.memory_space<semaphore_mem>>) src(%dma_wait3A_60 : memref<100352x8xf32, #tpu.memory_space<vmem_shared>>) dst(%arg15 : memref<1000x8xf32, #tpu.memory_space<vmem>>)
      %dma_start3A_61 = arith.constant 0 : i32
      %dma_start3A_62 = arith.constant 0 : i32
      %dma_start3A_63 = tpu.memref_slice %arg18[%dma_start3A_61, %dma_start3A_62] : memref<100352x8xf32, #tpu.memory_space<vmem_shared>> -> memref<100352x8xf32, #tpu.memory_space<vmem_shared>>
      tpu.enqueue_indirect_dma source(%arg15 : memref<1000x8xf32, #tpu.memory_space<vmem>>) target(%dma_start3A_63 : memref<100352x8xf32, #tpu.memory_space<vmem_shared>>) offsets(%arg12 : memref<1000xi32, #tpu.memory_space<vmem>>) semaphore(%arg23 : memref<!tpu.dma_semaphore, #tpu.memory_space<semaphore_mem>>) {add = true}
      %dma_wait3A_64 = tpu.memref_slice %arg2[%mul3A_4] : memref<12800000xi32, #tpu.memory_space<hbm>> -> memref<1000xi32, #tpu.memory_space<hbm>>
      %dma_wait3A_65 = tpu.memref_slice %arg2[%mul3A_4] : memref<12800000xi32, #tpu.memory_space<hbm>> -> memref<1000xi32, #tpu.memory_space<hbm>>
      tpu.wait_dma2 semaphore(%arg21 : memref<!tpu.dma_semaphore, #tpu.memory_space<semaphore_mem>>) src(%dma_wait3A_65 : memref<1000xi32, #tpu.memory_space<hbm>>) dst(%arg13 : memref<1000xi32, #tpu.memory_space<vmem>>)
      %dma_wait3A_66 = tpu.memref_slice %arg2[%mul3A_4] : memref<12800000xi32, #tpu.memory_space<hbm>> -> memref<1000xi32, #tpu.memory_space<hbm>>
      %dma_wait3A_67 = tpu.memref_slice %arg2[%mul3A_4] : memref<12800000xi32, #tpu.memory_space<hbm>> -> memref<1000xi32, #tpu.memory_space<hbm>>
      tpu.wait_dma2 semaphore(%arg21 : memref<!tpu.dma_semaphore, #tpu.memory_space<semaphore_mem>>) src(%dma_wait3A_67 : memref<1000xi32, #tpu.memory_space<hbm>>) dst(%arg14 : memref<1000xi32, #tpu.memory_space<vmem>>)
      %dma_start3A_68 = arith.constant 0 : i32
      %dma_start3A_69 = arith.constant 0 : i32
      %dma_start3A_70 = tpu.memref_slice %arg17[%dma_start3A_68, %dma_start3A_69] : memref<100352x8xf32, #tpu.memory_space<vmem_shared>> -> memref<100352x8xf32, #tpu.memory_space<vmem_shared>>
      tpu.enqueue_indirect_dma source(%dma_start3A_70 : memref<100352x8xf32, #tpu.memory_space<vmem_shared>>) target(%arg16 : memref<1000x8xf32, #tpu.memory_space<vmem>>) offsets(%arg13 : memref<1000xi32, #tpu.memory_space<vmem>>) semaphore(%arg22 : memref<!tpu.dma_semaphore, #tpu.memory_space<semaphore_mem>>)
      %dma_wait3A_71 = arith.constant 0 : i32
      %dma_wait3A_72 = arith.constant 0 : i32
      %dma_wait3A_73 = tpu.memref_slice %arg17[%dma_wait3A_71, %dma_wait3A_72] : memref<100352x8xf32, #tpu.memory_space<vmem_shared>> -> memref<100352x8xf32, #tpu.memory_space<vmem_shared>>
      tpu.wait_indirect_dma semaphore(%arg22 : memref<!tpu.dma_semaphore, #tpu.memory_space<semaphore_mem>>) src(%dma_wait3A_73 : memref<100352x8xf32, #tpu.memory_space<vmem_shared>>) dst(%arg16 : memref<1000x8xf32, #tpu.memory_space<vmem>>)
      %dma_wait3A_74 = arith.constant 0 : i32
      %dma_wait3A_75 = arith.constant 0 : i32
      %dma_wait3A_76 = tpu.memref_slice %arg18[%dma_wait3A_74, %dma_wait3A_75] : memref<100352x8xf32, #tpu.memory_space<vmem_shared>> -> memref<100352x8xf32, #tpu.memory_space<vmem_shared>>
      tpu.wait_indirect_dma semaphore(%arg23 : memref<!tpu.dma_semaphore, #tpu.memory_space<semaphore_mem>>) src(%arg15 : memref<1000x8xf32, #tpu.memory_space<vmem>>) dst(%dma_wait3A_76 : memref<100352x8xf32, #tpu.memory_space<vmem_shared>>)
      %lt3A = arith.constant 99 : i32
      %lt3A_77 = arith.cmpi slt, %scan3A_32, %lt3A : i32
      %convert_element_type3A_78 = arith.extui %lt3A_77 : i1 to i32
      %cond3A_79 = arith.constant 0 : i32
      %cond3A_80 = arith.cmpi ne, %convert_element_type3A_78, %cond3A_79 : i32
      scf.if %cond3A_80 {
        %mul3A_84 = arith.constant 2 : i32
        %mul3A_85 = arith.muli %mul3A_84, %scan3A_32 : i32
        %add3A_86 = arith.constant 2 : i32
        %add3A_87 = arith.addi %mul3A_85, %add3A_86 : i32
        %mul3A_88 = arith.constant 1000 : i32
        %mul3A_89 = arith.muli %add3A_87, %mul3A_88 : i32
        %add3A_90 = arith.addi %mul3A_4, %mul3A_89 : i32
        %dma_start3A_91 = tpu.memref_slice %arg2[%add3A_90] : memref<12800000xi32, #tpu.memory_space<hbm>> -> memref<1000xi32, #tpu.memory_space<hbm>>
        %dma_start3A_92 = tpu.memref_slice %arg2[%add3A_90] : memref<12800000xi32, #tpu.memory_space<hbm>> -> memref<1000xi32, #tpu.memory_space<hbm>>
        tpu.enqueue_dma source(%dma_start3A_92 : memref<1000xi32, #tpu.memory_space<hbm>>) target(%arg11 : memref<1000xi32, #tpu.memory_space<vmem>>) target_semaphore(%arg20 : memref<!tpu.dma_semaphore, #tpu.memory_space<semaphore_mem>>)
        %add3A_93 = arith.constant 6400000 : i32
        %add3A_94 = arith.addi %add3A_93, %mul3A_4 : i32
        %mul3A_95 = arith.constant 1000 : i32
        %mul3A_96 = arith.muli %add3A_87, %mul3A_95 : i32
        %add3A_97 = arith.addi %add3A_94, %mul3A_96 : i32
        %dma_start3A_98 = tpu.memref_slice %arg2[%add3A_97] : memref<12800000xi32, #tpu.memory_space<hbm>> -> memref<1000xi32, #tpu.memory_space<hbm>>
        %dma_start3A_99 = tpu.memref_slice %arg2[%add3A_97] : memref<12800000xi32, #tpu.memory_space<hbm>> -> memref<1000xi32, #tpu.memory_space<hbm>>
        tpu.enqueue_dma source(%dma_start3A_99 : memref<1000xi32, #tpu.memory_space<hbm>>) target(%arg12 : memref<1000xi32, #tpu.memory_space<vmem>>) target_semaphore(%arg20 : memref<!tpu.dma_semaphore, #tpu.memory_space<semaphore_mem>>)
      } else {
      }
      %dma_start3A_81 = arith.constant 0 : i32
      %dma_start3A_82 = arith.constant 0 : i32
      %dma_start3A_83 = tpu.memref_slice %arg18[%dma_start3A_81, %dma_start3A_82] : memref<100352x8xf32, #tpu.memory_space<vmem_shared>> -> memref<100352x8xf32, #tpu.memory_space<vmem_shared>>
      tpu.enqueue_indirect_dma source(%arg16 : memref<1000x8xf32, #tpu.memory_space<vmem>>) target(%dma_start3A_83 : memref<100352x8xf32, #tpu.memory_space<vmem_shared>>) offsets(%arg14 : memref<1000xi32, #tpu.memory_space<vmem>>) semaphore(%arg24 : memref<!tpu.dma_semaphore, #tpu.memory_space<semaphore_mem>>) {add = true}
    }
    %scan3A_28 = arith.constant 100 : i32
    %dma_wait3A = arith.constant 0 : i32
    %dma_wait3A_29 = arith.constant 0 : i32
    %dma_wait3A_30 = tpu.memref_slice %arg18[%dma_wait3A, %dma_wait3A_29] : memref<100352x8xf32, #tpu.memory_space<vmem_shared>> -> memref<100352x8xf32, #tpu.memory_space<vmem_shared>>
    tpu.wait_indirect_dma semaphore(%arg24 : memref<!tpu.dma_semaphore, #tpu.memory_space<semaphore_mem>>) src(%arg16 : memref<1000x8xf32, #tpu.memory_space<vmem>>) dst(%dma_wait3A_30 : memref<100352x8xf32, #tpu.memory_space<vmem_shared>>)
    %barrier3A_31 = arith.constant 0 : index
    tpu.barrier barrier_id(%barrier3A_31)
    "tpu.region"() ({
      %run_scoped3A = tpu.sem_alloc : memref<!tpu.dma_semaphore, #tpu.memory_space<semaphore_mem>>
      %dma_start3A_32 = arith.constant 0 : i32
      %dma_start3A_33 = tpu.memref_slice %arg6[%arg0, %mul3A_2, %dma_start3A_32] : memref<2x100352x8xf32, #tpu.memory_space<hbm>> -> memref<1x6272x8xf32, #tpu.memory_space<hbm>>
      %dma_start3A_34 = tpu.memref_squeeze %dma_start3A_33 : memref<1x6272x8xf32, #tpu.memory_space<hbm>> -> memref<6272x8xf32, #tpu.memory_space<hbm>>
      %dma_start3A_35 = arith.constant 0 : i32
      %dma_start3A_36 = tpu.memref_slice %arg18[%mul3A_2, %dma_start3A_35] : memref<100352x8xf32, #tpu.memory_space<vmem_shared>> -> memref<6272x8xf32, #tpu.memory_space<vmem_shared>>
      tpu.enqueue_dma source(%dma_start3A_36 : memref<6272x8xf32, #tpu.memory_space<vmem_shared>>) target(%dma_start3A_34 : memref<6272x8xf32, #tpu.memory_space<hbm>>) target_semaphore(%run_scoped3A : memref<!tpu.dma_semaphore, #tpu.memory_space<semaphore_mem>>)
      %dma_wait3A_37 = arith.constant 0 : i32
      %dma_wait3A_38 = tpu.memref_slice %arg6[%arg0, %mul3A_2, %dma_wait3A_37] : memref<2x100352x8xf32, #tpu.memory_space<hbm>> -> memref<1x6272x8xf32, #tpu.memory_space<hbm>>
      %dma_wait3A_39 = tpu.memref_squeeze %dma_wait3A_38 : memref<1x6272x8xf32, #tpu.memory_space<hbm>> -> memref<6272x8xf32, #tpu.memory_space<hbm>>
      %dma_wait3A_40 = arith.constant 0 : i32
      %dma_wait3A_41 = tpu.memref_slice %arg18[%mul3A_2, %dma_wait3A_40] : memref<100352x8xf32, #tpu.memory_space<vmem_shared>> -> memref<6272x8xf32, #tpu.memory_space<vmem_shared>>
      tpu.wait_dma2 semaphore(%run_scoped3A : memref<!tpu.dma_semaphore, #tpu.memory_space<semaphore_mem>>) src(%dma_wait3A_41 : memref<6272x8xf32, #tpu.memory_space<vmem_shared>>) dst(%dma_wait3A_39 : memref<6272x8xf32, #tpu.memory_space<hbm>>)
      tpu.yield
    }) : () -> ()
    return
  }
}

</mosaic_0001>

<sc_bundles>
// kernel: hg_degrees_sc.3.cloned.1.call-start
scs
__scs_entry_jumppad:
0x0: {  	(pc) =	sbr.rel $0x88, $3  }
0x1: {  	(tag) =	ssettag $0x0;
	lr =	simm.s32 $0x1  }
0x2: {  	[smem:$0x3F9E] =	sst lr;
	_ =	strace $0xD0000000  }
0x3: {  	_ = 	snop  }
0x4: {  	_ = 	snop  }
0x5: {  	_ = 	snop  }
0x6: {  	_ = 	snop  }
0x7: {  	_ = 	snop  }
__scs_overlays_trampoline_lowered:
0x8: {  	[smem:$0x3FAD] =	sst s0  }
0x9: {  	[smem:$0x3FAE] =	sst s1  }
0xa: {  	[smem:$0x3FAF] =	sst s2  }
0xb: {  	[smem:$0x3FB0] =	sst s3  }
0xc: {  	[smem:$0x3FB1] =	sst s4  }
0xd: {  	[smem:$0x3FB2] =	sst s5  }
0xe: {  	[smem:$0x3FB3] =	sst s6  }
0xf: {  	[smem:$0x3FB4] =	sst s7  }
0x10: {  	[smem:$0x3FB5] =	sst s8  }
0x11: {  	[smem:$0x3FB6] =	sst s9;
	s0 =	simm.s32 @!p0 $0x0  }
0x12: {  	s1 =	sld [smem:$0x3F9C];
	s0 =	simm.s32 @p0 $0x1  }
0x13: {  	[smem:$0x3FB7] =	sst s0;
	s0 =	simm.s32 @!p1 $0x0  }
0x14: {  	s2 =	sld [smem:$0x3F9B];
	s0 =	simm.s32 @p1 $0x1  }
0x15: {  	[smem:$0x3FB8] =	sst s0;
	s0 =	simm.s32 @!p2 $0x0  }
0x16: {  	s3 =	sld [smem:$0x3FDB];
	s0 =	simm.s32 @p2 $0x1  }
0x17: {  	s4 =	simm.s32 $0x1BF5;
	[smem:$0x3FBA] =	sst s0  }
0x18: {  	s0 =	sld [smem:$0x3F9D];
	_ =	swait.ge [sflag:s4], $0x0  }
0x19: {  	s7 =	sld [smem:$0x3F9E]  }
0x1a: {  	s8 =	sadd.s32 $0xFFFFE003, lr  }
0x1b: {  	s9 =	sadd.s32 $0xFFFFFEF7, lr;
	s5 =	simm.s32 $0xFFFFFFFF;
	p2 =	slt.u32 s8, $0xFFFFF086  }
0x1c: {  	p1 =	slt.u32 s9, $0xF7A;
	s5 =	simm.s32 @!p2 $0x0  }
0x1d: {  	s5 =	simm.s32 @p1 $0x1;
	p0 =	seq.s32 s7, s2  }
0x1e: {  	s7 =	smul.u32 @!p0 $0xF7A, s2;
	p2 =	seq.s32 @!p0 s5, $0x0  }
0x1f: {  	s9 =	smul.u32 $0xF7A, s1;
	s8 =	simm.s32 @!p0 $0x1BF5;
	p2 =	por !p2, p0  }
0x20: {  	[sflag:s8] =	ssyncset.s32 @!p0 $0xFFFFF086;
	s6 =	sadd.s32 @!p0 s3, s7;
	s7 =	simm.s32 @!p0 $0x108  }
0x21: {  	s3 =	sadd.s32 s3, s9;
	s6 =	sadd.s32 @!p0 $0x88, s6;
	s7 =	simm.s32 @p2 $0x1082  }
0x22: {  	[simem:s7], [sflag:s8] =	dma.local @!p0 [hbm:s6], $0xF7A  }
0x23: {  	s9 =	sor.u32 $0xD0000000, s2;
	s6 =	simm.s32 $0x108;
	_ =	swait.ge @!p0 [sflag:s8], $0x0  }
0x24: {  	s3 =	sadd.s32 $0x88, s3;
	s6 =	simm.s32 @!p1 $0x1082;
	[sflag:s4] =	ssyncset.s32 $0xFFFFF086  }
0x25: {  	[simem:s6], [sflag:s4] =	dma.local [hbm:s3], $0xF7A  }
0x26: {  	[smem:$0x3F9E] =	sst s1;
	(tag) =	ssettag s2;
	_ =	strace s9  }
0x27: {  	s1 =	sld [smem:$0x3FAE]  }
0x28: {  	s2 =	sld [smem:$0x3FAF]  }
0x29: {  	s4 =	sld [smem:$0x3FB1]  }
0x2a: {  	p0 =	seq.s32 s5, $0x0;
	s5 =	sld [smem:$0x3FB2]  }
0x2b: {  	s6 =	sld [smem:$0x3FB3]  }
0x2c: {  	s7 =	sld [smem:$0x3FB4]  }
0x2d: {  	s3 =	simm.s32 $0x108;
	s8 =	sld [smem:$0x3FB5]  }
0x2e: {  	s3 =	simm.s32 @!p0 $0x1082;
	s9 =	sld [smem:$0x3FB6]  }
0x2f: {  	lr =	sadd.s32 s0, s3;
	s0 =	sld [smem:$0x3FAD]  }
0x30: {  	s3 =	sld [smem:$0x3FB0]  }
0x31: {  	[smem:$0x3FB9] =	sst s10  }
0x32: {  	s10 =	sld [smem:$0x3FB7];
	_ =	sdelay $0x3  }
0x33: {  	p0 =	seq.s32 s10, $0x1;
	s10 =	sld [smem:$0x3FB9];
	_ =	sdelay $0x3  }
0x34: {  	[smem:$0x3FB9] =	sst s10  }
0x35: {  	s10 =	sld [smem:$0x3FB8];
	_ =	sdelay $0x3  }
0x36: {  	p1 =	seq.s32 s10, $0x1;
	s10 =	sld [smem:$0x3FB9];
	_ =	sdelay $0x3  }
0x37: {  	[smem:$0x3FB9] =	sst s10  }
0x38: {  	s10 =	sld [smem:$0x3FBA]  }
0x39: {  	_ = 	snop;
	(pc) =	sbr.ind lr, $3  }
0x3a: {  	_ = 	snop  }
0x3b: {  	_ = 	snop  }
0x3c: {  	p2 =	seq.s32 s10, $0x1;
	s10 =	sld [smem:$0x3FB9]  }
0x3d: {  	_ =	shalt  }
0x3e: {  	_ =	shalt  }
0x3f: {  	_ =	shalt  }
0x40: {  	_ =	shalt  }
0x41: {  	_ =	shalt  }
0x42: {  	_ =	shalt  }
0x43: {  	_ =	shalt  }
0x44: {  	_ =	shalt  }
0x45: {  	_ =	shalt  }
0x46: {  	_ =	shalt  }
0x47: {  	_ =	shalt  }
0x48: {  	_ =	shalt  }
0x49: {  	_ =	shalt  }
0x4a: {  	_ =	shalt  }
0x4b: {  	_ =	shalt  }
0x4c: {  	_ =	shalt  }
0x4d: {  	_ =	shalt  }
0x4e: {  	_ =	shalt  }
0x4f: {  	_ =	shalt  }
0x50: {  	_ =	shalt  }
0x51: {  	_ =	shalt  }
0x52: {  	_ =	shalt  }
0x53: {  	_ =	shalt  }
0x54: {  	_ =	shalt  }
0x55: {  	_ =	shalt  }
0x56: {  	_ =	shalt  }
0x57: {  	_ =	shalt  }
0x58: {  	_ =	shalt  }
0x59: {  	_ =	shalt  }
0x5a: {  	_ =	shalt  }
0x5b: {  	_ =	shalt  }
0x5c: {  	_ =	shalt  }
0x5d: {  	_ =	shalt  }
0x5e: {  	_ =	shalt  }
0x5f: {  	_ =	shalt  }
0x60: {  	_ =	shalt  }
0x61: {  	_ =	shalt  }
0x62: {  	_ =	shalt  }
0x63: {  	_ =	shalt  }
0x64: {  	_ =	shalt  }
0x65: {  	_ =	shalt  }
0x66: {  	_ =	shalt  }
0x67: {  	_ =	shalt  }
0x68: {  	_ =	shalt  }
0x69: {  	_ =	shalt  }
0x6a: {  	_ =	shalt  }
0x6b: {  	_ =	shalt  }
0x6c: {  	_ =	shalt  }
0x6d: {  	_ =	shalt  }
0x6e: {  	_ =	shalt  }
0x6f: {  	_ =	shalt  }
0x70: {  	_ =	shalt  }
0x71: {  	_ =	shalt  }
0x72: {  	_ =	shalt  }
0x73: {  	_ =	shalt  }
0x74: {  	_ =	shalt  }
0x75: {  	_ =	shalt  }
0x76: {  	_ =	shalt  }
0x77: {  	_ =	shalt  }
0x78: {  	_ =	shalt  }
0x79: {  	_ =	shalt  }
0x7a: {  	_ =	shalt  }
0x7b: {  	_ =	shalt  }
0x7c: {  	_ =	shalt  }
0x7d: {  	_ =	shalt  }
0x7e: {  	_ =	shalt  }
0x7f: {  	_ =	shalt  }
0x80: {  	_ =	shalt  }
0x81: {  	_ =	shalt  }
0x82: {  	_ =	shalt  }
0x83: {  	_ =	shalt  }
0x84: {  	_ =	shalt  }
0x85: {  	_ =	shalt  }
0x86: {  	_ =	shalt  }
0x87: {  	_ =	shalt  }
.Lfunc_end0:
.L_simem_size_0:
called_computation.1_lowered:
.L_overlay_start_0:
0x88: {  	s2 =	sld [smem:$0x3FD9]  }
0x89: {  	s3 =	sld [smem:$0x3FFE];
	_ =	sdelay $0x1  }
0x8a: {  	s1 =	srdreg.scid  }
0x8b: {  	s0 =	sand.u32 $0x1, s1  }
0x8c: {  	s16 =	sshll.u32 s0, $0xA;
	s2 =	sadd.s32 s3, s2  }
0x8d: {  	s2 =	sadd.s32 s2, s16  }
0x8e: {  	[smem:$0x3FC5] =	sst s2  }
0x8f: {  	_ = 	snop  }
0x90: {  	(tm) =	ssettm $0x1  }
0x91: {  	s17 =	sld [smem:$0x3FFB];
	_ =	sdelay $0x3  }
0x92: {  	_ =	strace s17  }
0x93: {  	s2 =	sld [smem:$0x3FFC];
	_ =	sdelay $0x3  }
0x94: {  	_ =	strace s2  }
0x95: {  	s2 =	sld [smem:$0x3FFD];
	_ =	sdelay $0x3  }
0x96: {  	_ =	strace s2  }
0x97: {  	_ =	strace $0x8FFFFFFF  }
0x98: {  	s18 =	sld [smem:$0x3FDB];
	_ =	sdelay $0x1  }
0x99: {  	s19 =	simm.s32 $_scs_section_size  }
0x9a: {  	s4 =	simm.s32 $_size__tile_overlayer_lowered;
	s5 =	simm.s32 $_tile_overlayer_lowered  }
0x9b: {  	s22 =	simm.s32 $0x1BFF;
	s21 =	sshll.u32 s5, $0x1;
	s2 =	sadd.s32 s19, s18  }
0x9c: {  	s6 =	simm.s32 $0x0;
	s20 =	sshll.u32 s4, $0x1;
	s4 =	sadd.s32 s21, s2  }
0x9d: {  	[timem:s6], [sflag:s22] =	dma.local [hbm:s4], s20  }
0x9e: {  	_ =	swait.ge [sflag:s22], s20  }
0x9f: {  	s3 =	ssub.s32 $0x0, s20;
	[sflag:s22] =	ssyncset.done $0x0  }
0xa0: {  	[sflag:s22] =	ssyncadd.s32 s3;
	_ =	sdelay $0x1  }
0xa1: {  	s23 =	simm.s32 $0x1B8B  }
0xa2: {  	_ =	swait.ge [sflag:s23], $0x1  }
0xa3: {  	[sflag:s23] =	ssyncset.done $0x0  }
0xa4: {  	s25 =	simm.s32 $0x1B8E;
	s24 =	sld [smem:$0x3FFE];
	[sflag:s23] =	ssyncadd.s32 $0xFFFFFFFF  }
0xa5: {  	s26 =	simm.s32 $execute0_lowered;
	[smem:$0x3FD2] =	sst s25  }
0xa6: {  	s4 =	sshll.u32 s26, $0x1;
	_ =	strace $0x80000049;
	[dreg:$0x1] =	wrdreg $0xFFFFFFFF  }
0xa7: {  	s28 =	simm.s32 $_size_execute0_lowered;
	s2 =	sadd.s32 s2, s4;
	[dreg:$0x0] =	wrdreg $0x0  }
0xa8: {  	s4 =	sshll.u32 s28, $0x1;
	[dreg:$0x2] =	wrdreg s2  }
0xa9: {  	[dreg:$0x3] =	wrdreg s4  }
0xaa: {  	[dreg:$0x4] =	wrdreg $0xC0  }
0xab: {  	_ =	task [dreg:s6], $0x5FFFF  }
0xac: {  	[dreg:$0x1] =	wrdreg $0xFFFFFFFF  }
0xad: {  	[dreg:$0x0] =	wrdreg $0x60  }
0xae: {  	[dreg:$0x2] =	wrdreg s24  }
0xaf: {  	[dreg:$0x3] =	wrdreg $0x88B80  }
0xb0: {  	[dreg:$0x4] =	wrdreg $0xA1380  }
0xb1: {  	[dreg:$0x5] =	wrdreg $0xB9B80  }
0xb2: {  	[dreg:$0x6] =	wrdreg $0x9  }
0xb3: {  	_ =	task.clear_ibuf [dreg:s6], $0x7FFFF;
	_ =	strace $0x90000049  }
0xb4: {  	s29 =	simm.s32 $0x9;
	_ =	strace $0x8000004B  }
0xb5: {  	_ =	swait.ge [sflag:s29], $0x1  }
0xb6: {  	[sflag:s29] =	ssyncadd.s32 $0xFFFFFFFF  }
0xb7: {  	_ =	strace $0x9000004B  }
0xb8: {  	_ =	sfence  }
0xb9: {  	s30 =	sld [smem:$0x0];
	_ =	sdelay $0x2  }
0xba: {  	s31 =	sshll.u32 s1, $0xD;
	s1 =	sshrl.u32 s1, $0x2  }
0xbb: {  	s3 =	sand.u32 $0x4000, s31;
	s1 =	sadd.s32 s1, s30  }
0xbc: {  	s0 =	sor.u32 s3, s0;
	s1 =	sshll.u32 s1, $0x11  }
0xbd: {  	s0 =	sor.u32 s1, s0  }
0xbe: {  	s0 =	sadd.s32 $0x8F2B, s0  }
0xbf: {  	[sflag:s0] =	ssyncadd.remote.s32 $0x1  }
0xc0: {  	_ =	sfence.sel $0xFFFF  }
0xc1: {  	[dreg:$0x0] =	wrdreg $0xFFFFFFFF;
	(pc) =	sbr.abs _section_cstart, $3  }
0xc2: {  	[dreg:$0x1] =	wrdreg $0xFFFFFFFF  }
0xc3: {  	_ =	task.clear_ibuf [dreg:s6], $0x2FFFF;
	_ =	strace $0x9FFFFFFF  }
0xc4: {  	(tm) =	ssettm $0x7FFFFFFF  }
0xc5: {  	_ =	shalt  }
tec
execute0_lowered:
.L_overlay_start_1:
0x0: {  	(tag) =	ssettag $0x1  }
0x1: {  	s0 =	rddreg [dreg:$0x0]  }
0x2: {  	s2 =	rddreg [dreg:$0x1]  }
0x3: {  	s3 =	rddreg [dreg:$0x2]  }
0x4: {  	s4 =	rddreg [dreg:$0x3];
	s15 =	stileid.u32  }
0x5: {  	s5 =	simm.s32 $0x0;
	s6 =	srdreg.scid;
	s28 =	simm.s32 $0x7530  }
0x6: {  	s29 =	simm.s32 $0x1388;
	s30 =	simm.s32 $0x1;
	s31 =	simm.s32 $0x4E20  }
0x7: {  	s1 =	smul.u32 $0x1880, s15;
	[smem:$0x7FF] =	sst s5;
	s10 =	sadd.s32 $0xC00, s0  }
0x8: {  	s8 =	sand.u32 $0x1, s6;
	s6 =	sadd.s32 $0x18AC00, s0;
	s11 =	sadd.s32 $0x18A800, s0  }
0x9: {  	s25 =	sshll.u32 s15, $0x6;
	s18 =	smul.u32 $0x30D40, s15;
	_ =	strace $0x8000004A  }
0xa: {  	s9 =	smul.u32 $0x18800, s8;
	[dreg:$0x5] =	wrdreg s11;
	s24 =	sshll.u32 s8, $0x4  }
0xb: {  	s12 =	ssub.s32 $0x2, s8;
	s16 =	smul.u32 $0x30D400, s8;
	s7 =	sshrl.u32 s1, $0x3  }
0xc: {  	s11 =	sor.u32 s15, s24;
	s13 =	sshrl.u32 s12, $0x1;
	s26 =	sadd.s32 s1, s3  }
0xd: {  	s7 =	sadd.s32 s7, s0;
	s9 =	sadd.s32 s1, s9;
	s14 =	smul.u32 $0x30D40, s11  }
0xe: {  	s12 =	ssub.s32 s12, s13;
	s13 =	sadd.s32 s1, s2;
	[dreg:$0x7] =	wrdreg s26  }
0xf: {  	s1 =	sadd.s32 s1, s4;
	s9 =	sshrl.u32 s9, $0x3;
	s7 =	sadd.s32 $0x187600, s7  }
0x10: {  	[dreg:$0x8] =	wrdreg s1;
	s19 =	smax.u32 s12, $0x1;
	s12 =	simm.s32 $0x4  }
0x11: {  	s0 =	sadd.s32 s9, s0;
	[dreg:$0x6] =	wrdreg s7;
	s11 =	sshrl.u32 s14, $0x3  }
0x12: {  	s9 =	sor.u32 $0x1C06, s25;
	[dreg:$0xc] =	wrdreg s19;
	s20 =	sadd.s32 $0x1388, s14  }
0x13: {  	s21 =	sadd.s32 $0x61BB88, s14;
	s14 =	simm.s32 $0x0;
	s17 =	sadd.s32 $0x18B000, s0  }
0x14: {  	s11 =	sadd.s32 s10, s11;
	s0 =	sadd.s32 $0x191200, s0;
	[dreg:$0xa] =	wrdreg s17  }
0x15: {  	s8 =	sshrl.u32 s21, $0x3;
	s7 =	sadd.s32 $0xC3500, s11;
	[dreg:$0xb] =	wrdreg s0  }
0x16: {  	s0 =	sadd.s32 s18, s16;
	s23 =	sadd.s32 s10, s8;
	s19 =	sadd.s32 $0x4E2, s11  }
0x17: {  	s8 =	simm.s32 $0x2;
	[dreg:$0x9] =	wrdreg s7;
	s7 =	sshrl.u32 s20, $0x3  }
0x18: {  	[dreg:$0xe] =	wrdreg s23;
	s24 =	sadd.s32 $0x4E20, s0;
	s25 =	sadd.s32 $0x61F620, s0  }
0x19: {  	s26 =	sadd.s32 $0x3A98, s0;
	s0 =	sadd.s32 $0x61E298, s0;
	s22 =	sadd.s32 s10, s7  }
0x1a: {  	s1 =	sshrl.u32 s24, $0x3;
	s7 =	sshrl.u32 s25, $0x3;
	s0 =	sshrl.u32 s0, $0x3  }
.Ltmp0:
0x1b: {  	s24 =	sadd.s32 $0xC39E2, s11;
	s25 =	sshrl.u32 s13, $0x3;
	(pc) =	sbr.rel .LBB2_1-.Ltmp0, $4  }
0x1c: {  	s13 =	simm.s32 $0x5;
	[dreg:$0xd] =	wrdreg s22;
	s20 =	sadd.s32 s1, s10  }
0x1d: {  	s1 =	sshrl.u32 s26, $0x3;
	s21 =	sadd.s32 s7, s10;
	s23 =	sadd.s32 s0, s10  }
0x1e: {  	s26 =	simm.s32 $0x6;
	s0 =	simm.s32 $0x2710;
	s7 =	simm.s32 $0x3  }
0x1f: {  	s22 =	sadd.s32 s1, s10;
	s1 =	simm.s32 $0x3A98;
	s10 =	simm.s32 $0x61A8  }
.LBB2_4:
0x20: {  	[spmem:s3] =	stream.indirect.scatter.add.f32 [tilespmem:s10], [sflag:$0x5], $0x1, s0, s29, $0xb8;
	[tilespmem:$0xD238] =	vst v63  }
0x21: {  	_ = 	snop  }
0x22: {  	[spmem:s4] =	stream.indirect.scatter.add.f32 [tilespmem:s28], [sflag:$0x5], $0x1, s1, s29, $0xb8;
	[tilespmem:$0xD238] =	vst v63  }
0x23: {  	_ =	swait.ge [sflag:s13], $0x1388  }
0x24: {  	[sflag:s13] =	ssyncset.done $0x0  }
0x25: {  	[sflag:s13] =	ssyncadd.s32 $0xFFFFEC78  }
0x26: {  	_ =	swait.ge [sflag:s13], $0x1388  }
0x27: {  	[sflag:s13] =	ssyncset.done $0x0  }
0x28: {  	[sflag:s13] =	ssyncadd.s32 $0xFFFFEC78  }
0x29: {  	[bflag:$0x0] =	sbarrier.arrive $0xFFFF  }
0x2a: {  	s17 =	rddreg [dreg:$0xa]  }
0x2b: {  	[hbm:s17], [sflag:s9] =	dma.local [spmem:s15], $0x310  }
0x2c: {  	_ =	swait.ge [sflag:s26], $0x310  }
0x2d: {  	[sflag:s26] =	ssyncset.done $0x0  }
0x2e: {  	s17 =	rddreg [dreg:$0xb];
	[sflag:s26] =	ssyncadd.s32 $0xFFFFFCF0  }
0x2f: {  	[hbm:s17], [sflag:s9] =	dma.local [spmem:s16], $0x310  }
0x30: {  	_ =	swait.ge [sflag:s26], $0x310  }
0x31: {  	s14 =	sadd.s32 $0x1, s14;
	s18 =	rddreg [dreg:$0xc]  }
0x32: {  	p0 =	sne.s32 s14, s18  }
.Ltmp1:
0x33: {  	_ = 	snop;
	(pc) =	sbr.rel @!p0 .LBB2_5-.Ltmp1, $3  }
0x34: {  	_ =	sdelay $0x1  }
0x35: {  	[sflag:s26] =	ssyncset.done $0x0  }
0x36: {  	[sflag:s26] =	ssyncadd.s32 $0xFFFFFCF0  }
.LBB2_1:
0x37: {  	s15 =	rddreg [dreg:$0x6]  }
0x38: {  	[spmem:s25], [sflag:s9] =	dma.local [hbm:s15], $0x310  }
0x39: {  	_ =	swait.ge [sflag:s26], $0x310  }
0x3a: {  	[sflag:s26] =	ssyncset.done $0x0;
	s17 =	rddreg [dreg:$0x7]  }
0x3b: {  	[sflag:s26] =	ssyncadd.s32 $0xFFFFFCF0;
	s15 =	sshrl.u32 s17, $0x3  }
0x3c: {  	[spmem:s15], [sflag:s9] =	dma.local [hbm:s6], $0x310  }
0x3d: {  	_ =	swait.ge [sflag:s26], $0x310  }
0x3e: {  	[sflag:s26] =	ssyncset.done $0x0;
	s16 =	rddreg [dreg:$0x8]  }
0x3f: {  	[sflag:s26] =	ssyncadd.s32 $0xFFFFFCF0;
	s16 =	sshrl.u32 s16, $0x3  }
0x40: {  	[spmem:s16], [sflag:s9] =	dma.local [hbm:s6], $0x310  }
0x41: {  	_ =	swait.ge [sflag:s26], $0x310  }
0x42: {  	[sflag:s26] =	ssyncset.done $0x0  }
0x43: {  	s17 =	rddreg [dreg:$0x5];
	[sflag:s26] =	ssyncadd.s32 $0xFFFFFCF0  }
0x44: {  	[tilespmem:s28], [sflag:$0x6] =	stream.linear.gather [hbm4b:s17+s5], $0x1388, $0x38;
	[tilespmem:$0xD238] =	vst v63  }
0x45: {  	_ =	swait.ge [sflag:s26], $0x1388  }
0x46: {  	[sflag:s26] =	ssyncset.done $0x0  }
0x47: {  	[sflag:s26] =	ssyncadd.s32 $0xFFFFEC78  }
0x48: {  	[bflag:$0x0] =	sbarrier.arrive $0xFFFF  }
0x49: {  	[tilespmem:s5], [sflag:$0x1] =	stream.linear.gather [hbm4b:s11+s5], $0x1388, $0x38;
	[tilespmem:$0xD238] =	vst v63  }
0x4a: {  	s18 =	rddreg [dreg:$0x9]  }
0x4b: {  	[tilespmem:s29], [sflag:$0x1] =	stream.linear.gather [hbm4b:s18+s5], $0x1388, $0x38;
	[tilespmem:$0xD238] =	vst v63  }
0x4c: {  	_ =	swait.ge [sflag:s30], $0x1388  }
0x4d: {  	[sflag:s30] =	ssyncset.done $0x0  }
0x4e: {  	[sflag:s30] =	ssyncadd.s32 $0xFFFFEC78  }
0x4f: {  	_ =	swait.ge [sflag:s30], $0x1388  }
0x50: {  	[sflag:s30] =	ssyncset.done $0x0  }
0x51: {  	[sflag:s30] =	ssyncadd.s32 $0xFFFFEC78  }
0x52: {  	[tilespmem:s31], [sflag:$0x3] =	stream.indirect.gather [spmem:s2], $0x1, s29, s29, $0xb8;
	[tilespmem:$0xD238] =	vst v63  }
0x53: {  	s18 =	rddreg [dreg:$0xd]  }
0x54: {  	[tilespmem:s0], [sflag:$0x2] =	stream.linear.gather [hbm4b:s18+s5], $0x1388, $0x38;
	[tilespmem:$0xD238] =	vst v63  }
0x55: {  	s18 =	rddreg [dreg:$0xe]  }
0x56: {  	[tilespmem:s1], [sflag:$0x2] =	stream.linear.gather [hbm4b:s18+s5], $0x1388, $0x38;
	[tilespmem:$0xD238] =	vst v63  }
0x57: {  	_ =	swait.ge [sflag:s7], $0x1388  }
0x58: {  	[sflag:s7] =	ssyncset.done $0x0  }
0x59: {  	[sflag:s7] =	ssyncadd.s32 $0xFFFFEC78  }
0x5a: {  	[spmem:s3] =	stream.indirect.scatter.add.f32 [tilespmem:s31], [sflag:$0x4], $0x1, s5, s29, $0xb8;
	[tilespmem:$0xD238] =	vst v63  }
0x5b: {  	_ = 	snop  }
0x5c: {  	[spmem:s4] =	stream.indirect.scatter.add.f32 [tilespmem:s28], [sflag:$0x4], $0x1, s29, s29, $0xb8;
	[tilespmem:$0xD238] =	vst v63  }
0x5d: {  	_ =	swait.ge [sflag:s8], $0x1388  }
0x5e: {  	[sflag:s8] =	ssyncset.done $0x0  }
0x5f: {  	[sflag:s8] =	ssyncadd.s32 $0xFFFFEC78  }
0x60: {  	_ =	swait.ge [sflag:s8], $0x1388  }
0x61: {  	[sflag:s8] =	ssyncset.done $0x0  }
0x62: {  	[sflag:s8] =	ssyncadd.s32 $0xFFFFEC78  }
0x63: {  	[tilespmem:s10], [sflag:$0x3] =	stream.indirect.gather [spmem:s2], $0x1, s1, s29, $0xb8;
	[tilespmem:$0xD238] =	vst v63  }
0x64: {  	_ =	swait.ge [sflag:s7], $0x1388  }
0x65: {  	[sflag:s7] =	ssyncset.done $0x0  }
0x66: {  	[sflag:s7] =	ssyncadd.s32 $0xFFFFEC78  }
0x67: {  	_ =	swait.ge [sflag:s12], $0x1388  }
0x68: {  	[sflag:s12] =	ssyncset.done $0x0  }
0x69: {  	[sflag:s12] =	ssyncadd.s32 $0xFFFFEC78  }
0x6a: {  	_ =	swait.ge [sflag:s12], $0x1388  }
0x6b: {  	[sflag:s12] =	ssyncset.done $0x0  }
0x6c: {  	[sflag:s12] =	ssyncadd.s32 $0xFFFFEC78  }
0x6d: {  	[tilespmem:s5], [sflag:$0x1] =	stream.linear.gather [hbm4b:s19+s5], $0x1388, $0x38;
	[tilespmem:$0xD238] =	vst v63  }
0x6e: {  	_ = 	snop  }
0x6f: {  	[tilespmem:s29], [sflag:$0x1] =	stream.linear.gather [hbm4b:s24+s5], $0x1388, $0x38;
	[tilespmem:$0xD238] =	vst v63  }
0x70: {  	_ = 	snop  }
0x71: {  	[spmem:s3] =	stream.indirect.scatter.add.f32 [tilespmem:s10], [sflag:$0x5], $0x1, s0, s29, $0xb8;
	[tilespmem:$0xD238] =	vst v63  }
0x72: {  	s17 =	simm.s32 $0x0  }
0x73: {  	[spmem:s4] =	stream.indirect.scatter.add.f32 [tilespmem:s28], [sflag:$0x5], $0x1, s1, s29, $0xb8;
	[tilespmem:$0xD238] =	vst v63  }
.LBB2_2:
0x74: {  	_ =	swait.ge [sflag:s13], $0x1388  }
0x75: {  	[sflag:s13] =	ssyncset.done $0x0  }
0x76: {  	[sflag:s13] =	ssyncadd.s32 $0xFFFFEC78  }
0x77: {  	_ =	swait.ge [sflag:s13], $0x1388  }
0x78: {  	[sflag:s13] =	ssyncset.done $0x0  }
0x79: {  	[sflag:s13] =	ssyncadd.s32 $0xFFFFEC78  }
0x7a: {  	_ =	swait.ge [sflag:s30], $0x1388  }
0x7b: {  	[sflag:s30] =	ssyncset.done $0x0  }
0x7c: {  	[sflag:s30] =	ssyncadd.s32 $0xFFFFEC78  }
0x7d: {  	_ =	swait.ge [sflag:s30], $0x1388  }
0x7e: {  	[sflag:s30] =	ssyncset.done $0x0  }
0x7f: {  	[sflag:s30] =	ssyncadd.s32 $0xFFFFEC78  }
0x80: {  	[tilespmem:s31], [sflag:$0x3] =	stream.indirect.gather [spmem:s2], $0x1, s29, s29, $0xb8;
	[tilespmem:$0xD238] =	vst v63  }
0x81: {  	s18 =	sadd.s32 s17, s22  }
0x82: {  	[tilespmem:s0], [sflag:$0x2] =	stream.linear.gather [hbm4b:s18+s5], $0x1388, $0x38;
	[tilespmem:$0xD238] =	vst v63  }
0x83: {  	s18 =	sadd.s32 s17, s23  }
0x84: {  	[tilespmem:s1], [sflag:$0x2] =	stream.linear.gather [hbm4b:s18+s5], $0x1388, $0x38;
	[tilespmem:$0xD238] =	vst v63  }
0x85: {  	_ =	swait.ge [sflag:s7], $0x1388  }
0x86: {  	[sflag:s7] =	ssyncset.done $0x0  }
0x87: {  	[sflag:s7] =	ssyncadd.s32 $0xFFFFEC78  }
0x88: {  	[spmem:s3] =	stream.indirect.scatter.add.f32 [tilespmem:s31], [sflag:$0x4], $0x1, s5, s29, $0xb8;
	[tilespmem:$0xD238] =	vst v63  }
0x89: {  	_ = 	snop  }
0x8a: {  	[spmem:s4] =	stream.indirect.scatter.add.f32 [tilespmem:s28], [sflag:$0x4], $0x1, s29, s29, $0xb8;
	[tilespmem:$0xD238] =	vst v63  }
0x8b: {  	_ =	swait.ge [sflag:s8], $0x1388  }
0x8c: {  	[sflag:s8] =	ssyncset.done $0x0  }
0x8d: {  	[sflag:s8] =	ssyncadd.s32 $0xFFFFEC78  }
0x8e: {  	_ =	swait.ge [sflag:s8], $0x1388  }
0x8f: {  	[sflag:s8] =	ssyncset.done $0x0  }
0x90: {  	[sflag:s8] =	ssyncadd.s32 $0xFFFFEC78  }
0x91: {  	[tilespmem:s10], [sflag:$0x3] =	stream.indirect.gather [spmem:s2], $0x1, s1, s29, $0xb8;
	[tilespmem:$0xD238] =	vst v63  }
0x92: {  	_ =	swait.ge [sflag:s7], $0x1388  }
0x93: {  	[sflag:s7] =	ssyncset.done $0x0  }
0x94: {  	[sflag:s7] =	ssyncadd.s32 $0xFFFFEC78  }
0x95: {  	p0 =	seq.s32 s17, $0x57E4;
	_ =	swait.ge [sflag:s12], $0x1388  }
.Ltmp2:
0x96: {  	[sflag:s12] =	ssyncset.done $0x0;
	(pc) =	sbr.rel @p0 .LBB2_4-.Ltmp2, $4  }
0x97: {  	[sflag:s12] =	ssyncadd.s32 $0xFFFFEC78  }
0x98: {  	_ =	swait.ge [sflag:s12], $0x1388  }
0x99: {  	[sflag:s12] =	ssyncset.done $0x0  }
0x9a: {  	[sflag:s12] =	ssyncadd.s32 $0xFFFFEC78  }
0x9b: {  	s18 =	sadd.s32 s17, s20  }
0x9c: {  	[tilespmem:s5], [sflag:$0x1] =	stream.linear.gather [hbm4b:s18+s5], $0x1388, $0x38;
	[tilespmem:$0xD238] =	vst v63  }
0x9d: {  	s18 =	sadd.s32 s17, s21  }
0x9e: {  	[tilespmem:s29], [sflag:$0x1] =	stream.linear.gather [hbm4b:s18+s5], $0x1388, $0x38;
	[tilespmem:$0xD238] =	vst v63  }
.Ltmp3:
0x9f: {  	_ = 	snop;
	(pc) =	sbr.rel .LBB2_2-.Ltmp3, $4  }
0xa0: {  	_ = 	snop  }
0xa1: {  	[spmem:s3] =	stream.indirect.scatter.add.f32 [tilespmem:s10], [sflag:$0x5], $0x1, s0, s29, $0xb8;
	[tilespmem:$0xD238] =	vst v63  }
0xa2: {  	s17 =	sadd.s32 $0x4E2, s17  }
0xa3: {  	[spmem:s4] =	stream.indirect.scatter.add.f32 [tilespmem:s28], [sflag:$0x5], $0x1, s1, s29, $0xb8;
	[tilespmem:$0xD238] =	vst v63  }
.LBB2_5:
0xa4: {  	_ =	sfence.sel $0x180000  }
0xa5: {  	[bflag:$0x0] =	sbarrier.arrive $0xFFFF  }
0xa6: {  	_ =	strace $0x9000004A  }
0xa7: {  	s0 =	stileid.u32;
	[bflag:$0x2] =	sbarrier.arrive $0xFFFF  }
0xa8: {  	p0 =	sne.s32 s0, $0x0;
	s0 =	rddreg [dreg:$0x4]  }
0xa9: {  	s0 =	sadd.s32 @!p0 $0x100000, s0  }
0xaa: {  	[sflag:s0] =	ssyncadd.tile.s32 @!p0 $0x1;
	_ =	shalt  }
.Lfunc_end2:
_tile_overlayer_lowered:
.L_overlay_start_2:
0xab: {  	(tag) =	ssettag $0x2  }
0xac: {  	s0 =	rddreg [dreg:$0x0];
	s2 =	stileid.u32  }
0xad: {  	s1 =	rddreg [dreg:$0x1];
	p0 =	sne.s32 s2, $0x0  }
0xae: {  	s3 =	rddreg [dreg:$0x2];
	[bflag:$0x3] =	sbarrier.arrive $0xFFFF;
	s2 =	simm.s32 @!p0 $0x1C06  }
0xaf: {  	[timem:s3], [sflag:s2] =	dma.local @!p0 [hbm:s0], s1  }
0xb0: {  	s0 =	simm.s32 @!p0 $0x6  }
0xb1: {  	_ =	swait.ge @!p0 [sflag:s0], s1  }
0xb2: {  	s1 =	ssub.s32 @!p0 $0x0, s1;
	[sflag:s0] =	ssyncset.done @!p0 $0x0  }
0xb3: {  	[sflag:s0] =	ssyncadd.s32 @!p0 s1  }
0xb4: {  	[bflag:$0x3] =	sbarrier.arrive $0xFFFF  }
0xb5: {  	_ =	shalt  }

// kernel: hg_edge_sums_sc.3.cloned.1.call-start
scs
__scs_entry_jumppad:
0x0: {  	(pc) =	sbr.rel $0x88, $3  }
0x1: {  	(tag) =	ssettag $0x0;
	lr =	simm.s32 $0x1  }
0x2: {  	[smem:$0x3F9E] =	sst lr;
	_ =	strace $0xD0000000  }
0x3: {  	_ = 	snop  }
0x4: {  	_ = 	snop  }
0x5: {  	_ = 	snop  }
0x6: {  	_ = 	snop  }
0x7: {  	_ = 	snop  }
__scs_overlays_trampoline_lowered:
0x8: {  	[smem:$0x3FAD] =	sst s0  }
0x9: {  	[smem:$0x3FAE] =	sst s1  }
0xa: {  	[smem:$0x3FAF] =	sst s2  }
0xb: {  	[smem:$0x3FB0] =	sst s3  }
0xc: {  	[smem:$0x3FB1] =	sst s4  }
0xd: {  	[smem:$0x3FB2] =	sst s5  }
0xe: {  	[smem:$0x3FB3] =	sst s6  }
0xf: {  	[smem:$0x3FB4] =	sst s7  }
0x10: {  	[smem:$0x3FB5] =	sst s8  }
0x11: {  	[smem:$0x3FB6] =	sst s9;
	s0 =	simm.s32 @!p0 $0x0  }
0x12: {  	s1 =	sld [smem:$0x3F9C];
	s0 =	simm.s32 @p0 $0x1  }
0x13: {  	[smem:$0x3FB7] =	sst s0;
	s0 =	simm.s32 @!p1 $0x0  }
0x14: {  	s2 =	sld [smem:$0x3F9B];
	s0 =	simm.s32 @p1 $0x1  }
0x15: {  	[smem:$0x3FB8] =	sst s0;
	s0 =	simm.s32 @!p2 $0x0  }
0x16: {  	s3 =	sld [smem:$0x3FDB];
	s0 =	simm.s32 @p2 $0x1  }
0x17: {  	s4 =	simm.s32 $0x1BF5;
	[smem:$0x3FBA] =	sst s0  }
0x18: {  	s0 =	sld [smem:$0x3F9D];
	_ =	swait.ge [sflag:s4], $0x0  }
0x19: {  	s7 =	sld [smem:$0x3F9E]  }
0x1a: {  	s8 =	sadd.s32 $0xFFFFE003, lr  }
0x1b: {  	s9 =	sadd.s32 $0xFFFFFEF7, lr;
	s5 =	simm.s32 $0xFFFFFFFF;
	p2 =	slt.u32 s8, $0xFFFFF086  }
0x1c: {  	p1 =	slt.u32 s9, $0xF7A;
	s5 =	simm.s32 @!p2 $0x0  }
0x1d: {  	s5 =	simm.s32 @p1 $0x1;
	p0 =	seq.s32 s7, s2  }
0x1e: {  	s7 =	smul.u32 @!p0 $0xF7A, s2;
	p2 =	seq.s32 @!p0 s5, $0x0  }
0x1f: {  	s9 =	smul.u32 $0xF7A, s1;
	s8 =	simm.s32 @!p0 $0x1BF5;
	p2 =	por !p2, p0  }
0x20: {  	[sflag:s8] =	ssyncset.s32 @!p0 $0xFFFFF086;
	s6 =	sadd.s32 @!p0 s3, s7;
	s7 =	simm.s32 @!p0 $0x108  }
0x21: {  	s3 =	sadd.s32 s3, s9;
	s6 =	sadd.s32 @!p0 $0x88, s6;
	s7 =	simm.s32 @p2 $0x1082  }
0x22: {  	[simem:s7], [sflag:s8] =	dma.local @!p0 [hbm:s6], $0xF7A  }
0x23: {  	s9 =	sor.u32 $0xD0000000, s2;
	s6 =	simm.s32 $0x108;
	_ =	swait.ge @!p0 [sflag:s8], $0x0  }
0x24: {  	s3 =	sadd.s32 $0x88, s3;
	s6 =	simm.s32 @!p1 $0x1082;
	[sflag:s4] =	ssyncset.s32 $0xFFFFF086  }
0x25: {  	[simem:s6], [sflag:s4] =	dma.local [hbm:s3], $0xF7A  }
0x26: {  	[smem:$0x3F9E] =	sst s1;
	(tag) =	ssettag s2;
	_ =	strace s9  }
0x27: {  	s1 =	sld [smem:$0x3FAE]  }
0x28: {  	s2 =	sld [smem:$0x3FAF]  }
0x29: {  	s4 =	sld [smem:$0x3FB1]  }
0x2a: {  	p0 =	seq.s32 s5, $0x0;
	s5 =	sld [smem:$0x3FB2]  }
0x2b: {  	s6 =	sld [smem:$0x3FB3]  }
0x2c: {  	s7 =	sld [smem:$0x3FB4]  }
0x2d: {  	s3 =	simm.s32 $0x108;
	s8 =	sld [smem:$0x3FB5]  }
0x2e: {  	s3 =	simm.s32 @!p0 $0x1082;
	s9 =	sld [smem:$0x3FB6]  }
0x2f: {  	lr =	sadd.s32 s0, s3;
	s0 =	sld [smem:$0x3FAD]  }
0x30: {  	s3 =	sld [smem:$0x3FB0]  }
0x31: {  	[smem:$0x3FB9] =	sst s10  }
0x32: {  	s10 =	sld [smem:$0x3FB7];
	_ =	sdelay $0x3  }
0x33: {  	p0 =	seq.s32 s10, $0x1;
	s10 =	sld [smem:$0x3FB9];
	_ =	sdelay $0x3  }
0x34: {  	[smem:$0x3FB9] =	sst s10  }
0x35: {  	s10 =	sld [smem:$0x3FB8];
	_ =	sdelay $0x3  }
0x36: {  	p1 =	seq.s32 s10, $0x1;
	s10 =	sld [smem:$0x3FB9];
	_ =	sdelay $0x3  }
0x37: {  	[smem:$0x3FB9] =	sst s10  }
0x38: {  	s10 =	sld [smem:$0x3FBA]  }
0x39: {  	_ = 	snop;
	(pc) =	sbr.ind lr, $3  }
0x3a: {  	_ = 	snop  }
0x3b: {  	_ = 	snop  }
0x3c: {  	p2 =	seq.s32 s10, $0x1;
	s10 =	sld [smem:$0x3FB9]  }
0x3d: {  	_ =	shalt  }
0x3e: {  	_ =	shalt  }
0x3f: {  	_ =	shalt  }
0x40: {  	_ =	shalt  }
0x41: {  	_ =	shalt  }
0x42: {  	_ =	shalt  }
0x43: {  	_ =	shalt  }
0x44: {  	_ =	shalt  }
0x45: {  	_ =	shalt  }
0x46: {  	_ =	shalt  }
0x47: {  	_ =	shalt  }
0x48: {  	_ =	shalt  }
0x49: {  	_ =	shalt  }
0x4a: {  	_ =	shalt  }
0x4b: {  	_ =	shalt  }
0x4c: {  	_ =	shalt  }
0x4d: {  	_ =	shalt  }
0x4e: {  	_ =	shalt  }
0x4f: {  	_ =	shalt  }
0x50: {  	_ =	shalt  }
0x51: {  	_ =	shalt  }
0x52: {  	_ =	shalt  }
0x53: {  	_ =	shalt  }
0x54: {  	_ =	shalt  }
0x55: {  	_ =	shalt  }
0x56: {  	_ =	shalt  }
0x57: {  	_ =	shalt  }
0x58: {  	_ =	shalt  }
0x59: {  	_ =	shalt  }
0x5a: {  	_ =	shalt  }
0x5b: {  	_ =	shalt  }
0x5c: {  	_ =	shalt  }
0x5d: {  	_ =	shalt  }
0x5e: {  	_ =	shalt  }
0x5f: {  	_ =	shalt  }
0x60: {  	_ =	shalt  }
0x61: {  	_ =	shalt  }
0x62: {  	_ =	shalt  }
0x63: {  	_ =	shalt  }
0x64: {  	_ =	shalt  }
0x65: {  	_ =	shalt  }
0x66: {  	_ =	shalt  }
0x67: {  	_ =	shalt  }
0x68: {  	_ =	shalt  }
0x69: {  	_ =	shalt  }
0x6a: {  	_ =	shalt  }
0x6b: {  	_ =	shalt  }
0x6c: {  	_ =	shalt  }
0x6d: {  	_ =	shalt  }
0x6e: {  	_ =	shalt  }
0x6f: {  	_ =	shalt  }
0x70: {  	_ =	shalt  }
0x71: {  	_ =	shalt  }
0x72: {  	_ =	shalt  }
0x73: {  	_ =	shalt  }
0x74: {  	_ =	shalt  }
0x75: {  	_ =	shalt  }
0x76: {  	_ =	shalt  }
0x77: {  	_ =	shalt  }
0x78: {  	_ =	shalt  }
0x79: {  	_ =	shalt  }
0x7a: {  	_ =	shalt  }
0x7b: {  	_ =	shalt  }
0x7c: {  	_ =	shalt  }
0x7d: {  	_ =	shalt  }
0x7e: {  	_ =	shalt  }
0x7f: {  	_ =	shalt  }
0x80: {  	_ =	shalt  }
0x81: {  	_ =	shalt  }
0x82: {  	_ =	shalt  }
0x83: {  	_ =	shalt  }
0x84: {  	_ =	shalt  }
0x85: {  	_ =	shalt  }
0x86: {  	_ =	shalt  }
0x87: {  	_ =	shalt  }
.Lfunc_end0:
.L_simem_size_0:
called_computation.2_lowered:
.L_overlay_start_0:
0x88: {  	s2 =	sld [smem:$0x3FD9]  }
0x89: {  	s3 =	sld [smem:$0x3FFE];
	_ =	sdelay $0x1  }
0x8a: {  	s1 =	srdreg.scid  }
0x8b: {  	s0 =	sand.u32 $0x1, s1  }
0x8c: {  	s16 =	sshll.u32 s0, $0xA;
	s2 =	sadd.s32 s3, s2  }
0x8d: {  	s2 =	sadd.s32 s2, s16  }
0x8e: {  	[smem:$0x3FC5] =	sst s2  }
0x8f: {  	_ = 	snop  }
0x90: {  	(tm) =	ssettm $0x1  }
0x91: {  	s17 =	sld [smem:$0x3FFB];
	_ =	sdelay $0x3  }
0x92: {  	_ =	strace s17  }
0x93: {  	s2 =	sld [smem:$0x3FFC];
	_ =	sdelay $0x3  }
0x94: {  	_ =	strace s2  }
0x95: {  	s2 =	sld [smem:$0x3FFD];
	_ =	sdelay $0x3  }
0x96: {  	_ =	strace s2  }
0x97: {  	_ =	strace $0x8FFFFFFF  }
0x98: {  	s18 =	sld [smem:$0x3FDB];
	_ =	sdelay $0x1  }
0x99: {  	s19 =	simm.s32 $_scs_section_size  }
0x9a: {  	s4 =	simm.s32 $_size__tile_overlayer_lowered;
	s5 =	simm.s32 $_tile_overlayer_lowered  }
0x9b: {  	s22 =	simm.s32 $0x1BFF;
	s21 =	sshll.u32 s5, $0x1;
	s2 =	sadd.s32 s19, s18  }
0x9c: {  	s6 =	simm.s32 $0x0;
	s20 =	sshll.u32 s4, $0x1;
	s4 =	sadd.s32 s21, s2  }
0x9d: {  	[timem:s6], [sflag:s22] =	dma.local [hbm:s4], s20  }
0x9e: {  	_ =	swait.ge [sflag:s22], s20  }
0x9f: {  	s3 =	ssub.s32 $0x0, s20;
	[sflag:s22] =	ssyncset.done $0x0  }
0xa0: {  	[sflag:s22] =	ssyncadd.s32 s3;
	_ =	sdelay $0x1  }
0xa1: {  	s23 =	simm.s32 $0x1B8B  }
0xa2: {  	_ =	swait.ge [sflag:s23], $0x1  }
0xa3: {  	[sflag:s23] =	ssyncset.done $0x0  }
0xa4: {  	s25 =	simm.s32 $0x1B8E;
	s24 =	sld [smem:$0x3FFE];
	[sflag:s23] =	ssyncadd.s32 $0xFFFFFFFF  }
0xa5: {  	s26 =	simm.s32 $execute0_lowered;
	[smem:$0x3FD2] =	sst s25  }
0xa6: {  	s4 =	sshll.u32 s26, $0x1;
	_ =	strace $0x8000004C;
	[dreg:$0x1] =	wrdreg $0xFFFFFFFF  }
0xa7: {  	s28 =	simm.s32 $_size_execute0_lowered;
	s2 =	sadd.s32 s2, s4;
	[dreg:$0x0] =	wrdreg $0x0  }
0xa8: {  	s4 =	sshll.u32 s28, $0x1;
	[dreg:$0x2] =	wrdreg s2  }
0xa9: {  	[dreg:$0x3] =	wrdreg s4  }
0xaa: {  	[dreg:$0x4] =	wrdreg $0xC0  }
0xab: {  	_ =	task [dreg:s6], $0x5FFFF  }
0xac: {  	[dreg:$0x1] =	wrdreg $0xFFFFFFFF  }
0xad: {  	[dreg:$0x0] =	wrdreg $0x60  }
0xae: {  	[dreg:$0x2] =	wrdreg s24  }
0xaf: {  	[dreg:$0x3] =	wrdreg $0x125600  }
0xb0: {  	[dreg:$0x4] =	wrdreg $0x61600  }
0xb1: {  	[dreg:$0x5] =	wrdreg $0x9  }
0xb2: {  	_ =	task.clear_ibuf [dreg:s6], $0x6FFFF;
	_ =	strace $0x9000004C  }
0xb3: {  	s29 =	simm.s32 $0x9;
	_ =	strace $0x8000004E  }
0xb4: {  	_ =	swait.ge [sflag:s29], $0x1  }
0xb5: {  	[sflag:s29] =	ssyncadd.s32 $0xFFFFFFFF  }
0xb6: {  	_ =	strace $0x9000004E  }
0xb7: {  	_ =	sfence  }
0xb8: {  	s30 =	sld [smem:$0x0];
	_ =	sdelay $0x2  }
0xb9: {  	s31 =	sshll.u32 s1, $0xD;
	s1 =	sshrl.u32 s1, $0x2  }
0xba: {  	s3 =	sand.u32 $0x4000, s31;
	s1 =	sadd.s32 s1, s30  }
0xbb: {  	s0 =	sor.u32 s3, s0;
	s1 =	sshll.u32 s1, $0x11  }
0xbc: {  	s0 =	sor.u32 s1, s0  }
0xbd: {  	s0 =	sadd.s32 $0x8F2B, s0  }
0xbe: {  	[sflag:s0] =	ssyncadd.remote.s32 $0x1  }
0xbf: {  	_ =	sfence.sel $0xFFFF  }
0xc0: {  	[dreg:$0x0] =	wrdreg $0xFFFFFFFF;
	(pc) =	sbr.abs _section_cstart, $3  }
0xc1: {  	[dreg:$0x1] =	wrdreg $0xFFFFFFFF  }
0xc2: {  	_ =	task.clear_ibuf [dreg:s6], $0x2FFFF;
	_ =	strace $0x9FFFFFFF  }
0xc3: {  	(tm) =	ssettm $0x7FFFFFFF  }
tec
execute0_lowered:
.L_overlay_start_1:
0x0: {  	(tag) =	ssettag $0x1  }
0x1: {  	s0 =	rddreg [dreg:$0x0]  }
0x2: {  	s11 =	rddreg [dreg:$0x1]  }
0x3: {  	s2 =	rddreg [dreg:$0x2]  }
0x4: {  	s4 =	simm.s32 $0x0;
	s1 =	srdreg.scid;
	s12 =	stileid.u32  }
0x5: {  	s28 =	simm.s32 $0x540;
	s29 =	simm.s32 $0x1;
	s30 =	simm.s32 $0x380  }
0x6: {  	s31 =	simm.s32 $0x2;
	[smem:$0x7FF] =	sst s4;
	s1 =	sand.u32 $0x1, s1  }
0x7: {  	s3 =	smul.u32 $0xC400, s12;
	s6 =	sadd.s32 $0xC00, s0;
	s20 =	sadd.s32 $0x197400, s0  }
0x8: {  	s8 =	sadd.s32 $0x18B000, s0;
	s21 =	sadd.s32 $0x1AFC00, s0;
	s25 =	smul.u32 $0x1880, s12  }
0x9: {  	s14 =	smul.u32 $0x30D40, s12;
	_ =	strace $0x8000004D;
	[dreg:$0x4] =	wrdreg s8  }
0xa: {  	s5 =	sshll.u32 s1, $0x4;
	s7 =	smul.u32 $0xC4000, s1;
	[dreg:$0x5] =	wrdreg s20  }
0xb: {  	[dreg:$0x6] =	wrdreg s21;
	s22 =	ssub.s32 $0x2, s1;
	s1 =	smul.u32 $0x30D400, s1  }
0xc: {  	s5 =	sor.u32 s12, s5;
	s9 =	sshrl.u32 s22, $0x1;
	[dreg:$0x8] =	wrdreg s25  }
0xd: {  	s5 =	smul.u32 $0x30D40, s5;
	s7 =	sadd.s32 s3, s7;
	s23 =	ssub.s32 s22, s9  }
0xe: {  	s3 =	sadd.s32 s3, s11;
	s1 =	sadd.s32 s14, s1;
	s11 =	simm.s32 $0x4  }
0xf: {  	s14 =	simm.s32 $0x4220;
	s7 =	sshrl.u32 s7, $0x3;
	[dreg:$0xa] =	wrdreg s3  }
0x10: {  	s17 =	sadd.s32 $0xFA0, s1;
	s19 =	sadd.s32 $0x61B7A0, s1;
	s25 =	sadd.s32 $0xBB8, s1  }
0x11: {  	s1 =	sadd.s32 $0x61B3B8, s1;
	s10 =	sshrl.u32 s5, $0x3;
	s0 =	sadd.s32 s7, s0  }
0x12: {  	s13 =	sadd.s32 $0x3E8, s5;
	s7 =	smax.u32 s23, $0x1;
	s5 =	sadd.s32 $0x61ABE8, s5  }
0x13: {  	s3 =	sshrl.u32 s19, $0x3;
	s1 =	sshrl.u32 s1, $0x3;
	s23 =	simm.s32 $0x1340  }
0x14: {  	s24 =	sadd.s32 s6, s10;
	s10 =	sshll.u32 s12, $0x6;
	s0 =	sadd.s32 $0x1B1600, s0  }
0x15: {  	[dreg:$0xd] =	wrdreg s7;
	s15 =	sshrl.u32 s5, $0x3;
	s22 =	sadd.s32 s1, s6  }
0x16: {  	s7 =	simm.s32 $0x1B10;
	s5 =	simm.s32 $0x0;
	[dreg:$0xc] =	wrdreg s0  }
0x17: {  	s26 =	sadd.s32 $0xC3500, s24;
	s8 =	sor.u32 $0x1C07, s10;
	[dreg:$0x7] =	wrdreg s24  }
0x18: {  	s0 =	sshrl.u32 s13, $0x3;
	s16 =	sadd.s32 $0xFA, s24;
	[dreg:$0x9] =	wrdreg s26  }
0x19: {  	s18 =	sadd.s32 $0xC35FA, s24;
	s24 =	simm.s32 $0x1728;
	[dreg:$0x10] =	wrdreg s16  }
0x1a: {  	s10 =	simm.s32 $0x1EF8;
	s13 =	simm.s32 $0x3;
	[dreg:$0x11] =	wrdreg s18  }
0x1b: {  	s0 =	sadd.s32 s6, s0;
	s26 =	sadd.s32 s3, s6;
	[dreg:$0xb] =	wrdreg s8  }
.Ltmp0:
0x1c: {  	s3 =	simm.s32 $0x22E0;
	[dreg:$0xe] =	wrdreg s0;
	(pc) =	sbr.rel .LBB2_1-.Ltmp0, $4  }
0x1d: {  	s16 =	simm.s32 $0x6;
	s0 =	sadd.s32 s6, s15;
	[dreg:$0x13] =	wrdreg s26  }
0x1e: {  	s15 =	simm.s32 $0x5;
	[dreg:$0xf] =	wrdreg s0;
	s0 =	sshrl.u32 s17, $0x3  }
0x1f: {  	v1 =	vlaneseq.u32;
	s20 =	sadd.s32 s0, s6;
	s0 =	sshrl.u32 s25, $0x3;
	s25 =	simm.s32 $0x7  }
0x20: {  	v0 =	vshrl.u32 v1, $0x3;
	v1 =	vand.u32 $0x7, v1;
	s21 =	sadd.s32 s0, s6;
	s0 =	simm.s32 $0x3E8;
	[dreg:$0x12] =	wrdreg s20  }
.LBB2_10:
0x21: {  	[spmem:s6] =	stream.indirect.scatter.add.f32 [tilespmem:s14], [sflag:$0x6], $0x8, s10, s0, $0xb8;
	[tilespmem:$0x1E960] =	vst v63  }
0x22: {  	_ =	swait.ge [sflag:s16], $0x1F40  }
0x23: {  	[sflag:s16] =	ssyncset.done $0x0  }
0x24: {  	[sflag:s16] =	ssyncadd.s32 $0xFFFFE0C0  }
0x25: {  	[bflag:$0x0] =	sbarrier.arrive $0xFFFF  }
0x26: {  	s1 =	rddreg [dreg:$0xc]  }
0x27: {  	s5 =	rddreg [dreg:$0x15]  }
0x28: {  	[hbm:s1], [sflag:s8] =	dma.local [spmem:s5], $0x1880  }
0x29: {  	_ =	swait.ge [sflag:s25], $0x1880  }
0x2a: {  	s20 =	rddreg [dreg:$0x14]  }
0x2b: {  	s26 =	rddreg [dreg:$0xd];
	s5 =	sadd.s32 $0x1, s20  }
0x2c: {  	p0 =	sne.s32 s5, s26  }
.Ltmp1:
0x2d: {  	_ = 	snop;
	(pc) =	sbr.rel @!p0 .LBB2_11-.Ltmp1, $3  }
0x2e: {  	_ =	sdelay $0x1  }
0x2f: {  	[sflag:s25] =	ssyncset.done $0x0  }
0x30: {  	[sflag:s25] =	ssyncadd.s32 $0xFFFFE780  }
.LBB2_1:
0x31: {  	[dreg:$0x14] =	wrdreg s5  }
0x32: {  	s1 =	rddreg [dreg:$0x7]  }
0x33: {  	s18 =	rddreg [dreg:$0x9]  }
0x34: {  	s19 =	rddreg [dreg:$0xa]  }
0x35: {  	[tilespmem:s23], [sflag:$0x2] =	stream.linear.gather [hbm4b:s1+s4], $0x3E8, $0x38;
	[tilespmem:$0x1E960] =	vst v63  }
0x36: {  	s26 =	rddreg [dreg:$0x6];
	s20 =	sshrl.u32 s19, $0x3  }
0x37: {  	[dreg:$0x15] =	wrdreg s20  }
0x38: {  	[tilespmem:s24], [sflag:$0x2] =	stream.linear.gather [hbm4b:s18+s4], $0x3E8, $0x38;
	[tilespmem:$0x1E960] =	vst v63  }
0x39: {  	[spmem:s20], [sflag:s8] =	dma.local [hbm:s26], $0x1880  }
0x3a: {  	_ =	swait.ge [sflag:s25], $0x1880  }
0x3b: {  	[sflag:s25] =	ssyncset.done $0x0  }
0x3c: {  	s8 =	simm.s32 $0x0;
	[sflag:s25] =	ssyncadd.s32 $0xFFFFE780  }
.LBB2_2:
0x3d: {  	s1 =	smul.u32 $0x1C0, s8  }
0x3e: {  	s5 =	rddreg [dreg:$0x8]  }
0x3f: {  	s12 =	sadd.s32 s5, s1  }
0x40: {  	s19 =	rddreg [dreg:$0x4];
	s1 =	sshrl.u32 s12, $0x3  }
0x41: {  	s20 =	simm.s32 $0x0;
	s1 =	sadd.s32 s19, s1  }
0x42: {  	[tilespmem:s20], [sflag:$0x1] =	stream.linear.gather [hbm4b:s1+s20], $0x1C0, $0x38;
	[tilespmem:$0x1E960] =	vst v63  }
0x43: {  	s6 =	simm.s32 $0x1C0;
	s26 =	rddreg [dreg:$0x5];
	s1 =	sadd.s32 $0x3100, s1  }
0x44: {  	[tilespmem:s6], [sflag:$0x1] =	stream.linear.gather [hbm4b:s1+s20], $0x1C0, $0x38;
	[tilespmem:$0x1E960] =	vst v63  }
0x45: {  	s1 =	sadd.s32 s26, s12  }
0x46: {  	[tilespmem:s28], [sflag:$0x1] =	stream.linear.gather [hbm4b:s1+s20], $0xE00, $0x38;
	[tilespmem:$0x1E960] =	vst v63  }
0x47: {  	_ =	swait.ge [sflag:s29], $0x1C0  }
0x48: {  	[sflag:s29] =	ssyncset.done $0x0  }
0x49: {  	[sflag:s29] =	ssyncadd.s32 $0xFFFFFE40  }
0x4a: {  	_ =	swait.ge [sflag:s29], $0x1C0  }
0x4b: {  	[sflag:s29] =	ssyncset.done $0x0  }
0x4c: {  	[sflag:s29] =	ssyncadd.s32 $0xFFFFFE40  }
0x4d: {  	_ =	swait.ge [sflag:s29], $0xE00  }
0x4e: {  	[sflag:s29] =	ssyncset.done $0x0  }
0x4f: {  	s26 =	simm.s32 $0x0;
	[sflag:s29] =	ssyncadd.s32 $0xFFFFF200  }
0x50: {  	v2 =	vld [tilespmem:s26+$0x1C0]  }
0x51: {  	v3 =	vld [tilespmem:s26+$0x0];
	_ =	sdelay $0x2  }
0x52: {  	s18 =	simm.s32 $0x10  }
0x53: {  	v4 =	vld [tilespmem:s18+$0x1C0]  }
0x54: {  	v2 =	vadd.f32 v2, v3;
	v3 =	vld [tilespmem:s18+$0x0];
	_ =	sdelay $0x1  }
0x55: {  	vm0 =	veq.f32 v2, $0.0e+00  }
0x56: {  	v2 =	vsel vm0, $0x3F800000, v2  }
0x57: {  	s17 =	simm.s32 $0x20;
	v5 =	vshra.s32 v2, $0x1;
	v6 =	vmul.f32 $5.000000000e-01, v2  }
0x58: {  	v7 =	vld [tilespmem:s17+$0x0];
	v2 =	vsub.s32 $0x5F3759DF, v5;
	v3 =	vadd.f32 v4, v3  }
0x59: {  	v5 =	vld [tilespmem:s17+$0x1C0];
	v4 =	vmul.f32 v2, v6  }
0x5a: {  	vm12 =	veq.f32 v3, $0.0e+00  }
0x5b: {  	v4 =	vmul.f32 v2, v4;
	v3 =	vsel vm12, $0x3F800000, v3  }
0x5c: {  	s5 =	simm.s32 $0x30;
	v8 =	vshra.s32 v3, $0x1;
	v10 =	vmul.f32 $5.000000000e-01, v3  }
0x5d: {  	v9 =	vld [tilespmem:s5+$0x0];
	v3 =	vsub.f32 $1.500000000e+00, v4;
	v4 =	vsub.s32 $0x5F3759DF, v8  }
0x5e: {  	v8 =	vld [tilespmem:s5+$0x1C0];
	v5 =	vadd.f32 v5, v7;
	v7 =	vmul.f32 v4, v10  }
0x5f: {  	v3 =	vmul.f32 v2, v3  }
0x60: {  	vm13 =	veq.f32 v5, $0.0e+00;
	v7 =	vmul.f32 v4, v7  }
0x61: {  	s6 =	simm.s32 $0x40;
	v2 =	vsel vm13, $0x3F800000, v5;
	v11 =	vmul.f32 v3, v6  }
0x62: {  	v13 =	vld [tilespmem:s6+$0x0];
	v5 =	vshra.s32 v2, $0x1;
	v2 =	vmul.f32 $5.000000000e-01, v2;
	v7 =	vsub.f32 $1.500000000e+00, v7  }
0x63: {  	v12 =	vsub.s32 $0x5F3759DF, v5;
	v8 =	vadd.f32 v8, v9;
	v5 =	vmul.f32 v11, v3;
	v11 =	vld [tilespmem:s6+$0x1C0]  }
0x64: {  	v9 =	vmul.f32 v12, v2;
	v4 =	vmul.f32 v4, v7  }
0x65: {  	vm14 =	veq.f32 v8, $0.0e+00;
	v5 =	vsub.f32 $1.500000000e+00, v5  }
0x66: {  	v7 =	vmul.f32 v12, v9;
	v8 =	vsel vm14, $0x3F800000, v8;
	v9 =	vmul.f32 v4, v10  }
0x67: {  	v14 =	vshra.s32 v8, $0x1;
	v5 =	vmul.f32 v5, v3;
	v3 =	vmul.f32 $5.000000000e-01, v8  }
0x68: {  	v8 =	vsub.f32 $1.500000000e+00, v7;
	v7 =	vsub.s32 $0x5F3759DF, v14;
	v11 =	vadd.f32 v11, v13  }
0x69: {  	s1 =	simm.s32 $0x50;
	v9 =	vmul.f32 v9, v4;
	v13 =	vmul.f32 v7, v3  }
0x6a: {  	v15 =	vld [tilespmem:s1+$0x0];
	v14 =	vmul.f32 v5, v6;
	v6 =	vmul.f32 v12, v8;
	vm15 =	veq.f32 v11, $0.0e+00  }
0x6b: {  	v8 =	vsub.f32 $1.500000000e+00, v9;
	v12 =	vmul.f32 v7, v13;
	v13 =	vsel vm15, $0x3F800000, v11;
	v11 =	vld [tilespmem:s1+$0x1C0]  }
0x6c: {  	v9 =	vmul.f32 v14, v5  }
0x6d: {  	v16 =	vmul.f32 v6, v2;
	v4 =	vmul.f32 v8, v4;
	v17 =	vshra.s32 v13, $0x1  }
0x6e: {  	v8 =	vmul.f32 $5.000000000e-01, v13;
	v9 =	vsub.f32 $1.500000000e+00, v9;
	v14 =	vsub.f32 $1.500000000e+00, v12  }
0x6f: {  	s9 =	simm.s32 $0x60;
	s19 =	simm.s32 $0x1C0;
	v13 =	vsub.s32 $0x5F3759DF, v17;
	v12 =	vmul.f32 v16, v6;
	v10 =	vmul.f32 v4, v10  }
.LBB2_3:
0x70: {  	s20 =	sshra.s32 s19, $0x2;
	p0 =	sne.s32 s19, $0x6C0;
	s19 =	sadd.s32 $0x40, s19;
	v16 =	vadd.f32 v11, v15;
	v11 =	vld [tilespmem:s9+$0x1C0];
	v17 =	vmul.f32 v13, v8;
	v14 =	vmul.f32 v7, v14;
	v18 =	vmovc v8  }
.Ltmp2:
0x71: {  	v7 =	vmovc v13;
	v15 =	vld [tilespmem:s9+$0x0];
	v8 =	vsub.f32 $1.500000000e+00, v12;
	v10 =	vmul.f32 v10, v4;
	v12 =	vmul.f32 v9, v5;
	v5 =	vmovc v4;
	(pc) =	sbr.rel @p0 .LBB2_3-.Ltmp2, $4  }
0x72: {  	vm0 =	veq.f32 v16, $0.0e+00;
	v13 =	vmul.f32 v7, v17;
	v17 =	vmul.f32 v14, v3  }
0x73: {  	v16 =	vsel vm0, $0x3F800000, v16;
	v4 =	vmul.f32 v8, v6;
	v9 =	vsub.f32 $1.500000000e+00, v10;
	[tilespmem:s26+$0x380] =	vst v12;
	v6 =	vmovc v14;
	s26 =	smov.u32 s18;
	s18 =	smov.u32 s17;
	s17 =	smov.u32 s5  }
0x74: {  	s5 =	smov.u32 s6;
	s6 =	smov.u32 s1;
	s1 =	smov.u32 s9;
	v10 =	vshra.s32 v16, $0x1;
	v8 =	vmul.f32 $5.000000000e-01, v16;
	v14 =	vsub.f32 $1.500000000e+00, v13  }
0x75: {  	s9 =	smov.u32 s20;
	v12 =	vmul.f32 v17, v6;
	v13 =	vsub.s32 $0x5F3759DF, v10;
	v10 =	vmul.f32 v4, v2;
	v2 =	vmovc v3;
	v3 =	vmovc v18  }
0x76: {  	v16 =	vld [tilespmem:s9+$0x1C0]  }
0x77: {  	v17 =	vld [tilespmem:s9+$0x0];
	_ =	sdelay $0x3  }
0x78: {  	v11 =	vadd.f32 v11, v15  }
0x79: {  	v51 =	vadd.f32 v16, v17  }
0x7a: {  	vm0 =	veq.f32 v11, $0.0e+00  }
0x7b: {  	v52 =	vmul.f32 v13, v8;
	v11 =	vsel vm0, $0x3F800000, v11;
	vm15 =	veq.f32 v51, $0.0e+00  }
0x7c: {  	v53 =	vshra.s32 v11, $0x1;
	v11 =	vmul.f32 $5.000000000e-01, v11;
	v15 =	vsel vm15, $0x3F800000, v51  }
0x7d: {  	v17 =	vsub.s32 $0x5F3759DF, v53;
	v18 =	vshra.s32 v15, $0x1;
	v15 =	vmul.f32 $5.000000000e-01, v15  }
0x7e: {  	v19 =	vmul.f32 v17, v11;
	v18 =	vsub.s32 $0x5F3759DF, v18  }
0x7f: {  	v16 =	vmul.f32 v13, v52;
	v20 =	vmul.f32 v18, v15  }
0x80: {  	v19 =	vmul.f32 v17, v19  }
0x81: {  	v7 =	vmul.f32 v7, v14;
	v16 =	vsub.f32 $1.500000000e+00, v16;
	v54 =	vmul.f32 v18, v20  }
0x82: {  	v5 =	vmul.f32 v9, v5;
	v12 =	vsub.f32 $1.500000000e+00, v12;
	v56 =	vsub.f32 $1.500000000e+00, v19  }
0x83: {  	v57 =	vmul.f32 v7, v3;
	v55 =	vmul.f32 v13, v16;
	v14 =	vsub.f32 $1.500000000e+00, v54  }
0x84: {  	v6 =	vmul.f32 v12, v6;
	v16 =	vmul.f32 v17, v56  }
0x85: {  	v58 =	vmul.f32 v55, v8;
	v14 =	vmul.f32 v18, v14  }
0x86: {  	v9 =	vmul.f32 v57, v7;
	v59 =	vmul.f32 v16, v11  }
0x87: {  	v17 =	vmul.f32 v58, v55;
	v60 =	vmul.f32 v14, v15  }
0x88: {  	v9 =	vsub.f32 $1.500000000e+00, v9;
	v18 =	vmul.f32 v59, v16  }
0x89: {  	v2 =	vmul.f32 v6, v2;
	v17 =	vsub.f32 $1.500000000e+00, v17;
	v12 =	vmul.f32 v60, v14  }
0x8a: {  	v10 =	vmul.f32 v10, v4;
	v7 =	vmul.f32 v9, v7;
	v62 =	vsub.f32 $1.500000000e+00, v18  }
0x8b: {  	v2 =	vmul.f32 v2, v6;
	v61 =	vmul.f32 v17, v55;
	v12 =	vsub.f32 $1.500000000e+00, v12  }
0x8c: {  	v3 =	vmul.f32 v7, v3;
	v13 =	vmul.f32 v62, v16  }
0x8d: {  	v8 =	vmul.f32 v61, v8;
	v12 =	vmul.f32 v12, v14  }
0x8e: {  	v10 =	vsub.f32 $1.500000000e+00, v10;
	v3 =	vmul.f32 v3, v7;
	v11 =	vmul.f32 v13, v11  }
0x8f: {  	v2 =	vsub.f32 $1.500000000e+00, v2;
	v8 =	vmul.f32 v8, v61;
	v14 =	vmul.f32 v12, v15  }
0x90: {  	v4 =	vmul.f32 v10, v4;
	v3 =	vsub.f32 $1.500000000e+00, v3;
	v63 =	vmul.f32 v11, v13  }
0x91: {  	s19 =	simm.s32 $0x0;
	[tilespmem:s26+$0x380] =	vst v5;
	v2 =	vmul.f32 v2, v6;
	v5 =	vsub.f32 $1.500000000e+00, v8;
	v6 =	vmul.f32 v14, v12  }
0x92: {  	[tilespmem:s18+$0x380] =	vst v4;
	v3 =	vmul.f32 v3, v7;
	v7 =	vor.u32 s19, v0;
	v4 =	vsub.f32 $1.500000000e+00, v63  }
0x93: {  	[tilespmem:s17+$0x380] =	vst v2;
	v2 =	vmul.f32 v5, v61;
	v5 =	vsub.f32 $1.500000000e+00, v6;
	v6 =	vshll.u32 v7, $0x3  }
0x94: {  	[tilespmem:s5+$0x380] =	vst v3;
	v3 =	vmul.f32 v4, v13;
	v4 =	vor.u32 v1, v6  }
0x95: {  	[tilespmem:s6+$0x380] =	vst v2;
	v2 =	vmul.f32 v5, v12  }
0x96: {  	[tilespmem:s1+$0x380] =	vst v3  }
0x97: {  	[tilespmem:s9+$0x380] =	vst v2  }
0x98: {  	v2 =	vld.idx.msk [tilespmem:v7+s30+$0x0], $0xffff  }
0x99: {  	v3 =	vld.idx.msk [tilespmem:v4+s28+$0x0], $0xffff  }
0x9a: {  	s18 =	simm.s32 $0x2  }
0x9b: {  	v5 =	vor.u32 s18, v0  }
0x9c: {  	v6 =	vshll.u32 v5, $0x3  }
0x9d: {  	v6 =	vor.u32 v1, v6  }
0x9e: {  	v2 =	vmul.f32 v3, v2;
	_ =	sdelay $0x1  }
0x9f: {  	[tilespmem:v4+s28+$0x0] =	vst.idx.msk $0xffff, v2  }
0xa0: {  	v2 =	vld.idx.msk [tilespmem:v5+s30+$0x0], $0xffff  }
0xa1: {  	v3 =	vld.idx.msk [tilespmem:v6+s28+$0x0], $0xffff  }
0xa2: {  	s19 =	simm.s32 $0x4  }
0xa3: {  	v4 =	vor.u32 s19, v0  }
0xa4: {  	v5 =	vshll.u32 v4, $0x3  }
0xa5: {  	v5 =	vor.u32 v1, v5  }
0xa6: {  	v2 =	vmul.f32 v3, v2;
	_ =	sdelay $0x1  }
0xa7: {  	[tilespmem:v6+s28+$0x0] =	vst.idx.msk $0xffff, v2  }
0xa8: {  	v3 =	vld.idx.msk [tilespmem:v4+s30+$0x0], $0xffff  }
0xa9: {  	v4 =	vld.idx.msk [tilespmem:v5+s28+$0x0], $0xffff  }
0xaa: {  	s20 =	simm.s32 $0x6  }
0xab: {  	v6 =	vor.u32 s20, v0  }
0xac: {  	v2 =	vshll.u32 v6, $0x3  }
0xad: {  	v2 =	vor.u32 v1, v2  }
0xae: {  	v3 =	vmul.f32 v4, v3;
	_ =	sdelay $0x1  }
0xaf: {  	[tilespmem:v5+s28+$0x0] =	vst.idx.msk $0xffff, v3  }
0xb0: {  	v3 =	vld.idx.msk [tilespmem:v6+s30+$0x0], $0xffff  }
0xb1: {  	v5 =	vld.idx.msk [tilespmem:v2+s28+$0x0], $0xffff  }
0xb2: {  	s26 =	simm.s32 $0x8  }
0xb3: {  	v4 =	vor.u32 s26, v0  }
0xb4: {  	s5 =	simm.s32 $0x16;
	s1 =	simm.s32 $0xE;
	v6 =	vshll.u32 v4, $0x3  }
.LBB2_5:
0xb5: {  	p0 =	sne.s32 s5, $0x1BE;
	v6 =	vor.u32 v1, v6;
	s6 =	smov.u32 s5;
	s5 =	sadd.s32 $0x8, s5  }
0xb6: {  	v3 =	vmul.f32 v5, v3;
	_ =	sdelay $0x1  }
0xb7: {  	[tilespmem:v2+s28+$0x0] =	vst.idx.msk $0xffff, v3  }
0xb8: {  	v2 =	vld.idx.msk [tilespmem:v4+s30+$0x0], $0xffff  }
0xb9: {  	v3 =	vld.idx.msk [tilespmem:v6+s28+$0x0], $0xffff  }
0xba: {  	s9 =	sadd.s32 $0xFFFFFFFC, s1  }
0xbb: {  	v4 =	vor.u32 s9, v0  }
0xbc: {  	v5 =	vshll.u32 v4, $0x3  }
0xbd: {  	v5 =	vor.u32 v1, v5;
	_ =	sdelay $0x1  }
0xbe: {  	v2 =	vmul.f32 v3, v2;
	_ =	sdelay $0x1  }
0xbf: {  	[tilespmem:v6+s28+$0x0] =	vst.idx.msk $0xffff, v2  }
0xc0: {  	v2 =	vld.idx.msk [tilespmem:v4+s30+$0x0], $0xffff  }
0xc1: {  	v3 =	vld.idx.msk [tilespmem:v5+s28+$0x0], $0xffff  }
0xc2: {  	s9 =	sadd.s32 $0xFFFFFFFE, s1  }
0xc3: {  	v4 =	vor.u32 s9, v0  }
0xc4: {  	v6 =	vshll.u32 v4, $0x3  }
0xc5: {  	v6 =	vor.u32 v1, v6;
	_ =	sdelay $0x1  }
0xc6: {  	v2 =	vmul.f32 v3, v2;
	_ =	sdelay $0x1  }
0xc7: {  	[tilespmem:v5+s28+$0x0] =	vst.idx.msk $0xffff, v2  }
0xc8: {  	v3 =	vld.idx.msk [tilespmem:v4+s30+$0x0], $0xffff  }
0xc9: {  	v4 =	vld.idx.msk [tilespmem:v6+s28+$0x0], $0xffff;
	_ =	sdelay $0x1  }
0xca: {  	v5 =	vor.u32 s1, v0;
	s1 =	smov.u32 s6  }
0xcb: {  	v2 =	vshll.u32 v5, $0x3  }
0xcc: {  	v2 =	vor.u32 v1, v2;
	_ =	sdelay $0x1  }
0xcd: {  	v3 =	vmul.f32 v4, v3;
	_ =	sdelay $0x1  }
0xce: {  	[tilespmem:v6+s28+$0x0] =	vst.idx.msk $0xffff, v3  }
0xcf: {  	v3 =	vld.idx.msk [tilespmem:v5+s30+$0x0], $0xffff  }
.Ltmp3:
0xd0: {  	v5 =	vld.idx.msk [tilespmem:v2+s28+$0x0], $0xffff;
	(pc) =	sbr.rel @p0 .LBB2_5-.Ltmp3, $4  }
0xd1: {  	_ = 	snop  }
0xd2: {  	s6 =	sadd.s32 $0xFFFFFFFA, s1  }
0xd3: {  	v4 =	vor.u32 s6, v0  }
0xd4: {  	v6 =	vshll.u32 v4, $0x3  }
0xd5: {  	_ = 	snop  }
0xd6: {  	v6 =	vor.u32 v1, v6  }
0xd7: {  	v3 =	vmul.f32 v5, v3;
	_ =	sdelay $0x1  }
0xd8: {  	[tilespmem:v2+s28+$0x0] =	vst.idx.msk $0xffff, v3  }
0xd9: {  	v2 =	vld.idx.msk [tilespmem:v4+s30+$0x0], $0xffff  }
0xda: {  	v3 =	vld.idx.msk [tilespmem:v6+s28+$0x0], $0xffff  }
0xdb: {  	s5 =	sadd.s32 $0xFFFFFFFC, s1  }
0xdc: {  	v58 =	vor.u32 s5, v0  }
0xdd: {  	v59 =	vshll.u32 v58, $0x3  }
0xde: {  	v5 =	vor.u32 v1, v59  }
0xdf: {  	v2 =	vmul.f32 v3, v2;
	_ =	sdelay $0x1  }
0xe0: {  	[tilespmem:v6+s28+$0x0] =	vst.idx.msk $0xffff, v2  }
0xe1: {  	v2 =	vld.idx.msk [tilespmem:v58+s30+$0x0], $0xffff  }
0xe2: {  	v3 =	vld.idx.msk [tilespmem:v5+s28+$0x0], $0xffff  }
0xe3: {  	s20 =	sadd.s32 $0xFFFFFFFE, s1  }
0xe4: {  	v60 =	vor.u32 s20, v0  }
0xe5: {  	v61 =	vshll.u32 v60, $0x3  }
0xe6: {  	v6 =	vor.u32 v1, v61  }
0xe7: {  	v2 =	vmul.f32 v3, v2;
	_ =	sdelay $0x1  }
0xe8: {  	[tilespmem:v5+s28+$0x0] =	vst.idx.msk $0xffff, v2  }
0xe9: {  	v2 =	vld.idx.msk [tilespmem:v60+s30+$0x0], $0xffff  }
0xea: {  	v3 =	vld.idx.msk [tilespmem:v6+s28+$0x0], $0xffff;
	_ =	sdelay $0x1  }
0xeb: {  	v62 =	vor.u32 s1, v0  }
0xec: {  	v63 =	vshll.u32 v62, $0x3  }
0xed: {  	v5 =	vor.u32 v1, v63  }
0xee: {  	v2 =	vmul.f32 v3, v2;
	_ =	sdelay $0x1  }
0xef: {  	[tilespmem:v6+s28+$0x0] =	vst.idx.msk $0xffff, v2  }
0xf0: {  	v2 =	vld.idx.msk [tilespmem:v62+s30+$0x0], $0xffff  }
0xf1: {  	v3 =	vld.idx.msk [tilespmem:v5+s28+$0x0], $0xffff;
	_ =	sdelay $0x4  }
0xf2: {  	s26 =	sshll.u32 s12, $0x3;
	s8 =	sadd.s32 $0x1, s8;
	v2 =	vmul.f32 v3, v2  }
0xf3: {  	s1 =	sand.u32 $0x3FFFFFF8, s26;
	p0 =	sne.s32 s8, $0xE  }
.Ltmp4:
0xf4: {  	s1 =	sadd.s32 s1, s2;
	[tilespmem:v5+s28+$0x0] =	vst.idx.msk $0xffff, v2;
	(pc) =	sbr.rel @p0 .LBB2_2-.Ltmp4, $4  }
0xf5: {  	[spmem:s1] =	stream.linear.scatter [tilespmem:s28], [sflag:$0x7], $0xE00, $0x38;
	[tilespmem:$0x1E960] =	vst v63  }
0xf6: {  	_ =	swait.ge [sflag:s25], $0xE00  }
0xf7: {  	[sflag:s25] =	ssyncset.done $0x0  }
0xf8: {  	[sflag:s25] =	ssyncadd.s32 $0xFFFFF200  }
0xf9: {  	[bflag:$0x0] =	sbarrier.arrive $0xFFFF  }
0xfa: {  	_ =	swait.ge [sflag:s31], $0x3E8  }
0xfb: {  	[sflag:s31] =	ssyncset.done $0x0  }
0xfc: {  	[sflag:s31] =	ssyncadd.s32 $0xFFFFFC18  }
0xfd: {  	_ =	swait.ge [sflag:s31], $0x3E8  }
0xfe: {  	[sflag:s31] =	ssyncset.done $0x0  }
0xff: {  	[sflag:s31] =	ssyncadd.s32 $0xFFFFFC18  }
0x100: {  	[tilespmem:s3], [sflag:$0x4] =	stream.indirect.gather [spmem:s2], $0x8, s23, s0, $0xb8;
	[tilespmem:$0x1E960] =	vst v63  }
0x101: {  	s1 =	simm.s32 $0x0;
	s5 =	rddreg [dreg:$0xe]  }
0x102: {  	[tilespmem:s7], [sflag:$0x3] =	stream.linear.gather [hbm4b:s5+s1], $0x3E8, $0x38;
	[tilespmem:$0x1E960] =	vst v63  }
0x103: {  	s19 =	rddreg [dreg:$0xf]  }
0x104: {  	[tilespmem:s10], [sflag:$0x3] =	stream.linear.gather [hbm4b:s19+s1], $0x3E8, $0x38;
	[tilespmem:$0x1E960] =	vst v63  }
0x105: {  	_ =	swait.ge [sflag:s11], $0x1F40  }
0x106: {  	[sflag:s11] =	ssyncset.done $0x0  }
0x107: {  	[sflag:s11] =	ssyncadd.s32 $0xFFFFE0C0  }
0x108: {  	s6 =	rddreg [dreg:$0x1]  }
0x109: {  	[spmem:s6] =	stream.indirect.scatter.add.f32 [tilespmem:s3], [sflag:$0x5], $0x8, s24, s0, $0xb8;
	[tilespmem:$0x1E960] =	vst v63  }
0x10a: {  	_ =	swait.ge [sflag:s13], $0x3E8  }
0x10b: {  	[sflag:s13] =	ssyncset.done $0x0  }
0x10c: {  	[sflag:s13] =	ssyncadd.s32 $0xFFFFFC18  }
0x10d: {  	_ =	swait.ge [sflag:s13], $0x3E8  }
0x10e: {  	[sflag:s13] =	ssyncset.done $0x0  }
0x10f: {  	[sflag:s13] =	ssyncadd.s32 $0xFFFFFC18  }
0x110: {  	[tilespmem:s14], [sflag:$0x4] =	stream.indirect.gather [spmem:s2], $0x8, s7, s0, $0xb8;
	[tilespmem:$0x1E960] =	vst v63  }
0x111: {  	_ =	swait.ge [sflag:s11], $0x1F40  }
0x112: {  	[sflag:s11] =	ssyncset.done $0x0  }
0x113: {  	[sflag:s11] =	ssyncadd.s32 $0xFFFFE0C0  }
0x114: {  	_ =	swait.ge [sflag:s15], $0x1F40  }
0x115: {  	s20 =	rddreg [dreg:$0x10]  }
0x116: {  	[sflag:s15] =	ssyncset.done $0x0;
	s26 =	rddreg [dreg:$0x11]  }
0x117: {  	s8 =	rddreg [dreg:$0xb];
	[sflag:s15] =	ssyncadd.s32 $0xFFFFE0C0  }
0x118: {  	[tilespmem:s23], [sflag:$0x2] =	stream.linear.gather [hbm4b:s20+s1], $0x3E8, $0x38;
	[tilespmem:$0x1E960] =	vst v63  }
0x119: {  	s9 =	rddreg [dreg:$0x12]  }
0x11a: {  	[tilespmem:s24], [sflag:$0x2] =	stream.linear.gather [hbm4b:s26+s1], $0x3E8, $0x38;
	[tilespmem:$0x1E960] =	vst v63  }
0x11b: {  	s12 =	rddreg [dreg:$0x13]  }
0x11c: {  	[spmem:s6] =	stream.indirect.scatter.add.f32 [tilespmem:s14], [sflag:$0x6], $0x8, s10, s0, $0xb8;
	[tilespmem:$0x1E960] =	vst v63  }
.LBB2_8:
0x11d: {  	_ =	swait.ge [sflag:s16], $0x1F40  }
0x11e: {  	[sflag:s16] =	ssyncset.done $0x0  }
0x11f: {  	[sflag:s16] =	ssyncadd.s32 $0xFFFFE0C0  }
0x120: {  	_ =	swait.ge [sflag:s31], $0x3E8  }
0x121: {  	[sflag:s31] =	ssyncset.done $0x0  }
0x122: {  	[sflag:s31] =	ssyncadd.s32 $0xFFFFFC18  }
0x123: {  	_ =	swait.ge [sflag:s31], $0x3E8  }
0x124: {  	[sflag:s31] =	ssyncset.done $0x0  }
0x125: {  	[sflag:s31] =	ssyncadd.s32 $0xFFFFFC18  }
0x126: {  	[tilespmem:s3], [sflag:$0x4] =	stream.indirect.gather [spmem:s2], $0x8, s23, s0, $0xb8;
	[tilespmem:$0x1E960] =	vst v63  }
0x127: {  	s5 =	sadd.s32 s1, s21  }
0x128: {  	[tilespmem:s7], [sflag:$0x3] =	stream.linear.gather [hbm4b:s5+s4], $0x3E8, $0x38;
	[tilespmem:$0x1E960] =	vst v63  }
0x129: {  	s26 =	sadd.s32 s1, s22  }
0x12a: {  	[tilespmem:s10], [sflag:$0x3] =	stream.linear.gather [hbm4b:s26+s4], $0x3E8, $0x38;
	[tilespmem:$0x1E960] =	vst v63  }
0x12b: {  	_ =	swait.ge [sflag:s11], $0x1F40  }
0x12c: {  	[sflag:s11] =	ssyncset.done $0x0  }
0x12d: {  	[sflag:s11] =	ssyncadd.s32 $0xFFFFE0C0  }
0x12e: {  	[spmem:s6] =	stream.indirect.scatter.add.f32 [tilespmem:s3], [sflag:$0x5], $0x8, s24, s0, $0xb8;
	[tilespmem:$0x1E960] =	vst v63  }
0x12f: {  	_ =	swait.ge [sflag:s13], $0x3E8  }
0x130: {  	[sflag:s13] =	ssyncset.done $0x0  }
0x131: {  	[sflag:s13] =	ssyncadd.s32 $0xFFFFFC18  }
0x132: {  	_ =	swait.ge [sflag:s13], $0x3E8  }
0x133: {  	[sflag:s13] =	ssyncset.done $0x0  }
0x134: {  	[sflag:s13] =	ssyncadd.s32 $0xFFFFFC18  }
0x135: {  	[tilespmem:s14], [sflag:$0x4] =	stream.indirect.gather [spmem:s2], $0x8, s7, s0, $0xb8;
	[tilespmem:$0x1E960] =	vst v63  }
0x136: {  	p0 =	seq.s32 s1, $0x5FB4;
	_ =	swait.ge [sflag:s11], $0x1F40  }
.Ltmp5:
0x137: {  	[sflag:s11] =	ssyncset.done $0x0;
	(pc) =	sbr.rel @p0 .LBB2_10-.Ltmp5, $4  }
0x138: {  	[sflag:s11] =	ssyncadd.s32 $0xFFFFE0C0  }
0x139: {  	_ =	swait.ge [sflag:s15], $0x1F40  }
0x13a: {  	[sflag:s15] =	ssyncset.done $0x0  }
0x13b: {  	[sflag:s15] =	ssyncadd.s32 $0xFFFFE0C0  }
0x13c: {  	s5 =	sadd.s32 s1, s9  }
0x13d: {  	[tilespmem:s23], [sflag:$0x2] =	stream.linear.gather [hbm4b:s5+s4], $0x3E8, $0x38;
	[tilespmem:$0x1E960] =	vst v63  }
.Ltmp6:
0x13e: {  	_ = 	snop;
	(pc) =	sbr.rel .LBB2_8-.Ltmp6, $4  }
0x13f: {  	s26 =	sadd.s32 s1, s12  }
0x140: {  	[tilespmem:s24], [sflag:$0x2] =	stream.linear.gather [hbm4b:s26+s4], $0x3E8, $0x38;
	[tilespmem:$0x1E960] =	vst v63  }
0x141: {  	s1 =	sadd.s32 $0xFA, s1  }
0x142: {  	[spmem:s6] =	stream.indirect.scatter.add.f32 [tilespmem:s14], [sflag:$0x6], $0x8, s10, s0, $0xb8;
	[tilespmem:$0x1E960] =	vst v63  }
.LBB2_11:
0x143: {  	_ =	sfence.sel $0x180000  }
0x144: {  	[bflag:$0x0] =	sbarrier.arrive $0xFFFF  }
0x145: {  	_ =	strace $0x9000004D  }
0x146: {  	s0 =	stileid.u32;
	[bflag:$0x2] =	sbarrier.arrive $0xFFFF  }
0x147: {  	p0 =	sne.s32 s0, $0x0;
	s0 =	rddreg [dreg:$0x3]  }
0x148: {  	s0 =	sadd.s32 @!p0 $0x100000, s0  }
0x149: {  	[sflag:s0] =	ssyncadd.tile.s32 @!p0 $0x1;
	_ =	shalt  }
.Lfunc_end2:
_tile_overlayer_lowered:
.L_overlay_start_2:
0x14a: {  	(tag) =	ssettag $0x2  }
0x14b: {  	s0 =	rddreg [dreg:$0x0];
	s2 =	stileid.u32  }
0x14c: {  	s1 =	rddreg [dreg:$0x1];
	p0 =	sne.s32 s2, $0x0  }
0x14d: {  	s3 =	rddreg [dreg:$0x2];
	[bflag:$0x3] =	sbarrier.arrive $0xFFFF;
	s2 =	simm.s32 @!p0 $0x1C07  }
0x14e: {  	[timem:s3], [sflag:s2] =	dma.local @!p0 [hbm:s0], s1  }
0x14f: {  	s0 =	simm.s32 @!p0 $0x7  }
0x150: {  	_ =	swait.ge @!p0 [sflag:s0], s1  }
0x151: {  	s1 =	ssub.s32 @!p0 $0x0, s1;
	[sflag:s0] =	ssyncset.done @!p0 $0x0  }
0x152: {  	[sflag:s0] =	ssyncadd.s32 @!p0 s1  }
0x153: {  	[bflag:$0x3] =	sbarrier.arrive $0xFFFF  }
0x154: {  	_ =	shalt  }

// kernel: hg_reduce_sc.3.cloned.1.call-start
scs
__scs_entry_jumppad:
0x0: {  	(pc) =	sbr.rel $0x88, $3  }
0x1: {  	(tag) =	ssettag $0x0;
	lr =	simm.s32 $0x1  }
0x2: {  	[smem:$0x3F9E] =	sst lr;
	_ =	strace $0xD0000000  }
0x3: {  	_ = 	snop  }
0x4: {  	_ = 	snop  }
0x5: {  	_ = 	snop  }
0x6: {  	_ = 	snop  }
0x7: {  	_ = 	snop  }
__scs_overlays_trampoline_lowered:
0x8: {  	[smem:$0x3FAD] =	sst s0  }
0x9: {  	[smem:$0x3FAE] =	sst s1  }
0xa: {  	[smem:$0x3FAF] =	sst s2  }
0xb: {  	[smem:$0x3FB0] =	sst s3  }
0xc: {  	[smem:$0x3FB1] =	sst s4  }
0xd: {  	[smem:$0x3FB2] =	sst s5  }
0xe: {  	[smem:$0x3FB3] =	sst s6  }
0xf: {  	[smem:$0x3FB4] =	sst s7  }
0x10: {  	[smem:$0x3FB5] =	sst s8  }
0x11: {  	[smem:$0x3FB6] =	sst s9;
	s0 =	simm.s32 @!p0 $0x0  }
0x12: {  	s1 =	sld [smem:$0x3F9C];
	s0 =	simm.s32 @p0 $0x1  }
0x13: {  	[smem:$0x3FB7] =	sst s0;
	s0 =	simm.s32 @!p1 $0x0  }
0x14: {  	s2 =	sld [smem:$0x3F9B];
	s0 =	simm.s32 @p1 $0x1  }
0x15: {  	[smem:$0x3FB8] =	sst s0;
	s0 =	simm.s32 @!p2 $0x0  }
0x16: {  	s3 =	sld [smem:$0x3FDB];
	s0 =	simm.s32 @p2 $0x1  }
0x17: {  	s4 =	simm.s32 $0x1BF5;
	[smem:$0x3FBA] =	sst s0  }
0x18: {  	s0 =	sld [smem:$0x3F9D];
	_ =	swait.ge [sflag:s4], $0x0  }
0x19: {  	s7 =	sld [smem:$0x3F9E]  }
0x1a: {  	s8 =	sadd.s32 $0xFFFFE003, lr  }
0x1b: {  	s9 =	sadd.s32 $0xFFFFFEF7, lr;
	s5 =	simm.s32 $0xFFFFFFFF;
	p2 =	slt.u32 s8, $0xFFFFF086  }
0x1c: {  	p1 =	slt.u32 s9, $0xF7A;
	s5 =	simm.s32 @!p2 $0x0  }
0x1d: {  	s5 =	simm.s32 @p1 $0x1;
	p0 =	seq.s32 s7, s2  }
0x1e: {  	s7 =	smul.u32 @!p0 $0xF7A, s2;
	p2 =	seq.s32 @!p0 s5, $0x0  }
0x1f: {  	s9 =	smul.u32 $0xF7A, s1;
	s8 =	simm.s32 @!p0 $0x1BF5;
	p2 =	por !p2, p0  }
0x20: {  	[sflag:s8] =	ssyncset.s32 @!p0 $0xFFFFF086;
	s6 =	sadd.s32 @!p0 s3, s7;
	s7 =	simm.s32 @!p0 $0x108  }
0x21: {  	s3 =	sadd.s32 s3, s9;
	s6 =	sadd.s32 @!p0 $0x88, s6;
	s7 =	simm.s32 @p2 $0x1082  }
0x22: {  	[simem:s7], [sflag:s8] =	dma.local @!p0 [hbm:s6], $0xF7A  }
0x23: {  	s9 =	sor.u32 $0xD0000000, s2;
	s6 =	simm.s32 $0x108;
	_ =	swait.ge @!p0 [sflag:s8], $0x0  }
0x24: {  	s3 =	sadd.s32 $0x88, s3;
	s6 =	simm.s32 @!p1 $0x1082;
	[sflag:s4] =	ssyncset.s32 $0xFFFFF086  }
0x25: {  	[simem:s6], [sflag:s4] =	dma.local [hbm:s3], $0xF7A  }
0x26: {  	[smem:$0x3F9E] =	sst s1;
	(tag) =	ssettag s2;
	_ =	strace s9  }
0x27: {  	s1 =	sld [smem:$0x3FAE]  }
0x28: {  	s2 =	sld [smem:$0x3FAF]  }
0x29: {  	s4 =	sld [smem:$0x3FB1]  }
0x2a: {  	p0 =	seq.s32 s5, $0x0;
	s5 =	sld [smem:$0x3FB2]  }
0x2b: {  	s6 =	sld [smem:$0x3FB3]  }
0x2c: {  	s7 =	sld [smem:$0x3FB4]  }
0x2d: {  	s3 =	simm.s32 $0x108;
	s8 =	sld [smem:$0x3FB5]  }
0x2e: {  	s3 =	simm.s32 @!p0 $0x1082;
	s9 =	sld [smem:$0x3FB6]  }
0x2f: {  	lr =	sadd.s32 s0, s3;
	s0 =	sld [smem:$0x3FAD]  }
0x30: {  	s3 =	sld [smem:$0x3FB0]  }
0x31: {  	[smem:$0x3FB9] =	sst s10  }
0x32: {  	s10 =	sld [smem:$0x3FB7];
	_ =	sdelay $0x3  }
0x33: {  	p0 =	seq.s32 s10, $0x1;
	s10 =	sld [smem:$0x3FB9];
	_ =	sdelay $0x3  }
0x34: {  	[smem:$0x3FB9] =	sst s10  }
0x35: {  	s10 =	sld [smem:$0x3FB8];
	_ =	sdelay $0x3  }
0x36: {  	p1 =	seq.s32 s10, $0x1;
	s10 =	sld [smem:$0x3FB9];
	_ =	sdelay $0x3  }
0x37: {  	[smem:$0x3FB9] =	sst s10  }
0x38: {  	s10 =	sld [smem:$0x3FBA]  }
0x39: {  	_ = 	snop;
	(pc) =	sbr.ind lr, $3  }
0x3a: {  	_ = 	snop  }
0x3b: {  	_ = 	snop  }
0x3c: {  	p2 =	seq.s32 s10, $0x1;
	s10 =	sld [smem:$0x3FB9]  }
0x3d: {  	_ =	shalt  }
0x3e: {  	_ =	shalt  }
0x3f: {  	_ =	shalt  }
0x40: {  	_ =	shalt  }
0x41: {  	_ =	shalt  }
0x42: {  	_ =	shalt  }
0x43: {  	_ =	shalt  }
0x44: {  	_ =	shalt  }
0x45: {  	_ =	shalt  }
0x46: {  	_ =	shalt  }
0x47: {  	_ =	shalt  }
0x48: {  	_ =	shalt  }
0x49: {  	_ =	shalt  }
0x4a: {  	_ =	shalt  }
0x4b: {  	_ =	shalt  }
0x4c: {  	_ =	shalt  }
0x4d: {  	_ =	shalt  }
0x4e: {  	_ =	shalt  }
0x4f: {  	_ =	shalt  }
0x50: {  	_ =	shalt  }
0x51: {  	_ =	shalt  }
0x52: {  	_ =	shalt  }
0x53: {  	_ =	shalt  }
0x54: {  	_ =	shalt  }
0x55: {  	_ =	shalt  }
0x56: {  	_ =	shalt  }
0x57: {  	_ =	shalt  }
0x58: {  	_ =	shalt  }
0x59: {  	_ =	shalt  }
0x5a: {  	_ =	shalt  }
0x5b: {  	_ =	shalt  }
0x5c: {  	_ =	shalt  }
0x5d: {  	_ =	shalt  }
0x5e: {  	_ =	shalt  }
0x5f: {  	_ =	shalt  }
0x60: {  	_ =	shalt  }
0x61: {  	_ =	shalt  }
0x62: {  	_ =	shalt  }
0x63: {  	_ =	shalt  }
0x64: {  	_ =	shalt  }
0x65: {  	_ =	shalt  }
0x66: {  	_ =	shalt  }
0x67: {  	_ =	shalt  }
0x68: {  	_ =	shalt  }
0x69: {  	_ =	shalt  }
0x6a: {  	_ =	shalt  }
0x6b: {  	_ =	shalt  }
0x6c: {  	_ =	shalt  }
0x6d: {  	_ =	shalt  }
0x6e: {  	_ =	shalt  }
0x6f: {  	_ =	shalt  }
0x70: {  	_ =	shalt  }
0x71: {  	_ =	shalt  }
0x72: {  	_ =	shalt  }
0x73: {  	_ =	shalt  }
0x74: {  	_ =	shalt  }
0x75: {  	_ =	shalt  }
0x76: {  	_ =	shalt  }
0x77: {  	_ =	shalt  }
0x78: {  	_ =	shalt  }
0x79: {  	_ =	shalt  }
0x7a: {  	_ =	shalt  }
0x7b: {  	_ =	shalt  }
0x7c: {  	_ =	shalt  }
0x7d: {  	_ =	shalt  }
0x7e: {  	_ =	shalt  }
0x7f: {  	_ =	shalt  }
0x80: {  	_ =	shalt  }
0x81: {  	_ =	shalt  }
0x82: {  	_ =	shalt  }
0x83: {  	_ =	shalt  }
0x84: {  	_ =	shalt  }
0x85: {  	_ =	shalt  }
0x86: {  	_ =	shalt  }
0x87: {  	_ =	shalt  }
.Lfunc_end0:
.L_simem_size_0:
called_computation.3_lowered:
.L_overlay_start_0:
0x88: {  	s2 =	sld [smem:$0x3FD9]  }
0x89: {  	s3 =	sld [smem:$0x3FFE];
	_ =	sdelay $0x1  }
0x8a: {  	s1 =	srdreg.scid  }
0x8b: {  	s0 =	sand.u32 $0x1, s1  }
0x8c: {  	s16 =	sshll.u32 s0, $0xA;
	s2 =	sadd.s32 s3, s2  }
0x8d: {  	s2 =	sadd.s32 s2, s16  }
0x8e: {  	[smem:$0x3FC5] =	sst s2  }
0x8f: {  	_ = 	snop  }
0x90: {  	(tm) =	ssettm $0x1  }
0x91: {  	s17 =	sld [smem:$0x3FFB];
	_ =	sdelay $0x3  }
0x92: {  	_ =	strace s17  }
0x93: {  	s2 =	sld [smem:$0x3FFC];
	_ =	sdelay $0x3  }
0x94: {  	_ =	strace s2  }
0x95: {  	s2 =	sld [smem:$0x3FFD];
	_ =	sdelay $0x3  }
0x96: {  	_ =	strace s2  }
0x97: {  	_ =	strace $0x8FFFFFFF  }
0x98: {  	s18 =	sld [smem:$0x3FDB];
	_ =	sdelay $0x1  }
0x99: {  	s19 =	simm.s32 $_scs_section_size  }
0x9a: {  	s4 =	simm.s32 $_size__tile_overlayer_lowered;
	s5 =	simm.s32 $_tile_overlayer_lowered  }
0x9b: {  	s22 =	simm.s32 $0x1BFF;
	s21 =	sshll.u32 s5, $0x1;
	s2 =	sadd.s32 s19, s18  }
0x9c: {  	s6 =	simm.s32 $0x0;
	s20 =	sshll.u32 s4, $0x1;
	s4 =	sadd.s32 s21, s2  }
0x9d: {  	[timem:s6], [sflag:s22] =	dma.local [hbm:s4], s20  }
0x9e: {  	_ =	swait.ge [sflag:s22], s20  }
0x9f: {  	s3 =	ssub.s32 $0x0, s20;
	[sflag:s22] =	ssyncset.done $0x0  }
0xa0: {  	[sflag:s22] =	ssyncadd.s32 s3;
	_ =	sdelay $0x1  }
0xa1: {  	s23 =	simm.s32 $0x1B8B  }
0xa2: {  	_ =	swait.ge [sflag:s23], $0x1  }
0xa3: {  	[sflag:s23] =	ssyncset.done $0x0  }
0xa4: {  	s25 =	simm.s32 $0x1B8E;
	s24 =	sld [smem:$0x3FFE];
	[sflag:s23] =	ssyncadd.s32 $0xFFFFFFFF  }
0xa5: {  	s26 =	simm.s32 $execute0_lowered;
	[smem:$0x3FD2] =	sst s25  }
0xa6: {  	s4 =	sshll.u32 s26, $0x1;
	_ =	strace $0x8000004F;
	[dreg:$0x1] =	wrdreg $0xFFFFFFFF  }
0xa7: {  	s28 =	simm.s32 $_size_execute0_lowered;
	s2 =	sadd.s32 s2, s4;
	[dreg:$0x0] =	wrdreg $0x0  }
0xa8: {  	s4 =	sshll.u32 s28, $0x1;
	[dreg:$0x2] =	wrdreg s2  }
0xa9: {  	[dreg:$0x3] =	wrdreg s4  }
0xaa: {  	[dreg:$0x4] =	wrdreg $0xC0  }
0xab: {  	_ =	task [dreg:s6], $0x5FFFF  }
0xac: {  	[dreg:$0x1] =	wrdreg $0xFFFFFFFF  }
0xad: {  	[dreg:$0x0] =	wrdreg $0x60  }
0xae: {  	[dreg:$0x2] =	wrdreg s24  }
0xaf: {  	[dreg:$0x3] =	wrdreg $0x9  }
0xb0: {  	_ =	task.clear_ibuf [dreg:s6], $0x4FFFF;
	_ =	strace $0x9000004F  }
0xb1: {  	s29 =	simm.s32 $0x9;
	_ =	strace $0x80000051  }
0xb2: {  	_ =	swait.ge [sflag:s29], $0x1  }
0xb3: {  	[sflag:s29] =	ssyncadd.s32 $0xFFFFFFFF  }
0xb4: {  	_ =	strace $0x90000051  }
0xb5: {  	_ =	sfence  }
0xb6: {  	s30 =	sld [smem:$0x0];
	_ =	sdelay $0x2  }
0xb7: {  	s31 =	sshll.u32 s1, $0xD;
	s1 =	sshrl.u32 s1, $0x2  }
0xb8: {  	s3 =	sand.u32 $0x4000, s31;
	s1 =	sadd.s32 s1, s30  }
0xb9: {  	s0 =	sor.u32 s3, s0;
	s1 =	sshll.u32 s1, $0x11  }
0xba: {  	s0 =	sor.u32 s1, s0  }
0xbb: {  	s0 =	sadd.s32 $0x8F2B, s0  }
0xbc: {  	[sflag:s0] =	ssyncadd.remote.s32 $0x1  }
0xbd: {  	_ =	sfence.sel $0xFFFF  }
0xbe: {  	[dreg:$0x0] =	wrdreg $0xFFFFFFFF;
	(pc) =	sbr.abs _section_cstart, $3  }
0xbf: {  	[dreg:$0x1] =	wrdreg $0xFFFFFFFF  }
0xc0: {  	_ =	task.clear_ibuf [dreg:s6], $0x2FFFF;
	_ =	strace $0x9FFFFFFF  }
0xc1: {  	(tm) =	ssettm $0x7FFFFFFF  }
tec
execute0_lowered:
.L_overlay_start_1:
0x0: {  	(tag) =	ssettag $0x1  }
0x1: {  	s8 =	rddreg [dreg:$0x0];
	s1 =	simm.s32 $0x0;
	s9 =	srdreg.scid  }
0x2: {  	s4 =	stileid.u32;
	s13 =	simm.s32 $0x1C00;
	s14 =	simm.s32 $0x2A00  }
0x3: {  	s15 =	simm.s32 $0x2BC0;
	s16 =	simm.s32 $0x2D80;
	s17 =	simm.s32 $0x2F40  }
0x4: {  	s18 =	simm.s32 $0x3100;
	s19 =	simm.s32 $0x1;
	s20 =	simm.s32 $0x32C0  }
0x5: {  	s21 =	simm.s32 $0x3480;
	s22 =	simm.s32 $0x3640;
	s23 =	simm.s32 $0x2  }
0x6: {  	s24 =	simm.s32 $0x3650;
	s25 =	simm.s32 $0x0;
	s2 =	sadd.s32 $0x1B1600, s8  }
0x7: {  	[smem:$0x7FF] =	sst s1;
	s3 =	sadd.s32 $0x18B000, s8;
	s5 =	sadd.s32 $0x191200, s8  }
0x8: {  	s6 =	sadd.s32 $0x187600, s8;
	s7 =	sadd.s32 $0x197400, s8;
	s9 =	sand.u32 $0x1, s9  }
0x9: {  	s11 =	sshll.u32 s4, $0x1;
	_ =	strace $0x80000050;
	s10 =	sshll.u32 s9, $0x5  }
0xa: {  	s12 =	sshll.u32 s9, $0x4;
	s9 =	ssub.s32 $0x2, s9;
	s10 =	sor.u32 s11, s10  }
0xb: {  	s29 =	sor.u32 s4, s12;
	s30 =	sshrl.u32 s9, $0x1;
	s12 =	simm.s32 $0xE00  }
0xc: {  	v2 =	vlaneseq.u32;
	s10 =	sadd.s32 s10, s8;
	s8 =	smul.u32 $0xC40, s29;
	s31 =	ssub.s32 s9, s30  }
0xd: {  	v0 =	vimm.f32 $0.0e+00;
	v1 =	vshrl.u32 v2, $0x3;
	v2 =	vand.u32 $0x7, v2;
	s9 =	sadd.s32 $0x18AA00, s10;
	s10 =	sadd.s32 $0x18A800, s10;
	s11 =	smax.u32 s31, $0x1  }
.LBB2_1:
0xe: {  	[tilespmem:$0x3640] =	vst v0  }
0xf: {  	[tilespmem:$0x3650] =	vst v0;
	s26 =	simm.s32 $0x0  }
.LBB2_2:
0x10: {  	s28 =	smul.u32 $0x1C0, s26;
	_ =	sdelay $0x1  }
0x11: {  	s28 =	sadd.s32 s8, s28  }
0x12: {  	s30 =	simm.s32 $0x0;
	s29 =	sadd.s32 s2, s28  }
0x13: {  	[tilespmem:s30], [sflag:$0x1] =	stream.linear.gather [hbm4b:s29+s30], $0xE00, $0x38;
	[tilespmem:$0x3660] =	vst v63  }
0x14: {  	s29 =	sadd.s32 $0x18800, s28  }
0x15: {  	s31 =	sadd.s32 s2, s29  }
0x16: {  	[tilespmem:s12], [sflag:$0x1] =	stream.linear.gather [hbm4b:s31+s30], $0xE00, $0x38;
	[tilespmem:$0x3660] =	vst v63  }
0x17: {  	s31 =	sadd.s32 s7, s28;
	s28 =	sshrl.u32 s28, $0x3  }
0x18: {  	[tilespmem:s13], [sflag:$0x1] =	stream.linear.gather [hbm4b:s31+s30], $0xE00, $0x38;
	[tilespmem:$0x3660] =	vst v63  }
0x19: {  	s29 =	sshrl.u32 s29, $0x3;
	s31 =	sadd.s32 s3, s28  }
0x1a: {  	[tilespmem:s14], [sflag:$0x1] =	stream.linear.gather [hbm4b:s31+s30], $0x1C0, $0x38;
	[tilespmem:$0x3660] =	vst v63  }
0x1b: {  	s31 =	sadd.s32 s3, s29  }
0x1c: {  	[tilespmem:s15], [sflag:$0x1] =	stream.linear.gather [hbm4b:s31+s30], $0x1C0, $0x38;
	[tilespmem:$0x3660] =	vst v63  }
0x1d: {  	s31 =	sadd.s32 s5, s28  }
0x1e: {  	[tilespmem:s16], [sflag:$0x1] =	stream.linear.gather [hbm4b:s31+s30], $0x1C0, $0x38;
	[tilespmem:$0x3660] =	vst v63  }
0x1f: {  	s29 =	sadd.s32 s5, s29  }
0x20: {  	[tilespmem:s17], [sflag:$0x1] =	stream.linear.gather [hbm4b:s29+s30], $0x1C0, $0x38;
	[tilespmem:$0x3660] =	vst v63  }
0x21: {  	s28 =	sadd.s32 s6, s28  }
0x22: {  	[tilespmem:s18], [sflag:$0x1] =	stream.linear.gather [hbm4b:s28+s30], $0x1C0, $0x38;
	[tilespmem:$0x3660] =	vst v63  }
0x23: {  	_ =	swait.ge [sflag:s19], $0xE00  }
0x24: {  	[sflag:s19] =	ssyncset.done $0x0  }
0x25: {  	[sflag:s19] =	ssyncadd.s32 $0xFFFFF200  }
0x26: {  	_ =	swait.ge [sflag:s19], $0xE00  }
0x27: {  	[sflag:s19] =	ssyncset.done $0x0  }
0x28: {  	[sflag:s19] =	ssyncadd.s32 $0xFFFFF200  }
0x29: {  	_ =	swait.ge [sflag:s19], $0xE00  }
0x2a: {  	[sflag:s19] =	ssyncset.done $0x0  }
0x2b: {  	[sflag:s19] =	ssyncadd.s32 $0xFFFFF200  }
0x2c: {  	_ =	swait.ge [sflag:s19], $0x1C0  }
0x2d: {  	[sflag:s19] =	ssyncset.done $0x0  }
0x2e: {  	[sflag:s19] =	ssyncadd.s32 $0xFFFFFE40  }
0x2f: {  	_ =	swait.ge [sflag:s19], $0x1C0  }
0x30: {  	[sflag:s19] =	ssyncset.done $0x0  }
0x31: {  	[sflag:s19] =	ssyncadd.s32 $0xFFFFFE40  }
0x32: {  	_ =	swait.ge [sflag:s19], $0x1C0  }
0x33: {  	[sflag:s19] =	ssyncset.done $0x0  }
0x34: {  	[sflag:s19] =	ssyncadd.s32 $0xFFFFFE40  }
0x35: {  	_ =	swait.ge [sflag:s19], $0x1C0  }
0x36: {  	[sflag:s19] =	ssyncset.done $0x0  }
0x37: {  	[sflag:s19] =	ssyncadd.s32 $0xFFFFFE40  }
0x38: {  	_ =	swait.ge [sflag:s19], $0x1C0  }
0x39: {  	[sflag:s19] =	ssyncset.done $0x0  }
0x3a: {  	s30 =	simm.s32 $0x0;
	[sflag:s19] =	ssyncadd.s32 $0xFFFFFE40  }
0x3b: {  	v3 =	vld [tilespmem:s30+$0x2D80]  }
0x3c: {  	v4 =	vld [tilespmem:s30+$0x2A00]  }
0x3d: {  	v5 =	vld [tilespmem:s30+$0x2BC0]  }
0x3e: {  	v6 =	vld [tilespmem:s30+$0x2F40]  }
0x3f: {  	s28 =	simm.s32 $0x10  }
0x40: {  	v7 =	vld [tilespmem:s28+$0x2D80]  }
0x41: {  	v8 =	vld [tilespmem:s28+$0x2F40];
	_ =	sdelay $0x1  }
0x42: {  	v4 =	vadd.f32 v5, v4;
	v5 =	vadd.f32 v6, v3;
	_ =	sdelay $0x1  }
0x43: {  	vm14 =	veq.f32 v5, $0.0e+00  }
0x44: {  	v9 =	vld [tilespmem:s28+$0x2A00];
	v7 =	vadd.f32 v8, v7;
	v5 =	vsel vm14, $0x3F800000, v5  }
0x45: {  	v10 =	vld [tilespmem:s28+$0x2BC0];
	(erf) = vrcp.f32 v5  }
0x46: {  	s29 =	simm.s32 $0x20;
	vm0 =	veq.f32 v4, $0.0e+00;
	vm15 =	veq.f32 v7, $0.0e+00  }
0x47: {  	v3 =	vld [tilespmem:s29+$0x2D80];
	v4 =	vsel vm0, $0x3F800000, v4;
	v11 =	vsel vm15, $0x3F800000, v7  }
0x48: {  	v6 =	vld [tilespmem:s29+$0x2F40];
	[tilespmem:s30+$0x3480] =	vst v4;
	(erf) = vrcp.f32 v11  }
0x49: {  	v4 =	vld [tilespmem:s29+$0x2A00]  }
0x4a: {  	v8 =	vadd.f32 v10, v9;
	v5 =	vld [tilespmem:s30+$0x3100]  }
0x4b: {  	s31 =	simm.s32 $0xC0;
	v7 =	vld [tilespmem:s29+$0x2BC0]  }
.LBB2_3:
0x4c: {  	s0 =	sshra.s32 s31, $0x2;
	vm0 =	veq.f32 v8, $0.0e+00;
	p0 =	sne.s32 s31, $0x6C0  }
.Ltmp0:
0x4d: {  	s31 =	sadd.s32 $0x40, s31;
	v9 =	vadd.f32 v6, v3;
	v3 =	vld [tilespmem:s0+$0x2D80];
	v11 =	vsel vm0, $0x3F800000, v8;
	(pc) =	sbr.rel @p0 .LBB2_3-.Ltmp0, $4  }
0x4e: {  	v6 =	vld [tilespmem:s0+$0x2F40];
	[tilespmem:s28+$0x3480] =	vst v11;
	v8 =	vpop (erf);
	v10 =	vmov v4  }
0x4f: {  	v4 =	vld [tilespmem:s0+$0x2A00];
	vm0 =	veq.f32 v9, $0.0e+00;
	v11 =	vmul.f32 v8, v5  }
0x50: {  	v9 =	vsel vm0, $0x3F800000, v9;
	v8 =	vadd.f32 v7, v10;
	v5 =	vld [tilespmem:s28+$0x3100]  }
0x51: {  	v7 =	vld [tilespmem:s0+$0x2BC0];
	(erf) = vrcp.f32 v9;
	[tilespmem:s30+$0x32C0] =	vst v11;
	s30 =	smov.u32 s28;
	s28 =	smov.u32 s29;
	s29 =	smov.u32 s0  }
0x52: {  	_ = 	snop  }
0x53: {  	v3 =	vadd.f32 v6, v3;
	_ =	sdelay $0x1  }
0x54: {  	vm0 =	veq.f32 v3, $0.0e+00  }
0x55: {  	vm14 =	veq.f32 v8, $0.0e+00;
	v3 =	vsel vm0, $0x3F800000, v3  }
0x56: {  	v6 =	vsel vm14, $0x3F800000, v8;
	v8 =	vpop (erf);
	(erf) = vrcp.f32 v3  }
0x57: {  	v4 =	vadd.f32 v7, v4  }
0x58: {  	v3 =	vmul.f32 v8, v5  }
0x59: {  	[tilespmem:s28+$0x3480] =	vst v6;
	v5 =	vld [tilespmem:s28+$0x3100];
	vm15 =	veq.f32 v4, $0.0e+00  }
0x5a: {  	[tilespmem:s30+$0x32C0] =	vst v3;
	v3 =	vsel vm15, $0x3F800000, v4  }
0x5b: {  	[tilespmem:s29+$0x3480] =	vst v3;
	v3 =	vld [tilespmem:s29+$0x3100];
	_ =	sdelay $0x1  }
0x5c: {  	v4 =	vpop (erf)  }
0x5d: {  	v4 =	vmul.f32 v4, v5  }
0x5e: {  	s31 =	simm.s32 $0x2;
	v5 =	vpop (erf)  }
0x5f: {  	s0 =	simm.s32 $0x0;
	[tilespmem:s28+$0x32C0] =	vst v4;
	v4 =	vor.u32 s31, v1;
	v3 =	vmul.f32 v5, v3  }
0x60: {  	v5 =	vor.u32 s0, v1  }
0x61: {  	[tilespmem:s29+$0x32C0] =	vst v3  }
0x62: {  	v10 =	vshll.u32 v4, $0x3;
	v3 =	vshll.u32 v5, $0x3;
	v6 =	vld [tilespmem:$0x3650]  }
0x63: {  	v10 =	vor.u32 v2, v10;
	v7 =	vor.u32 v2, v3;
	v3 =	vld [tilespmem:$0x3640]  }
0x64: {  	v12 =	vld.idx.msk [tilespmem:v4+s20+$0x0], $0xffff  }
0x65: {  	s30 =	simm.s32 $0x4;
	v8 =	vld.idx.msk [tilespmem:v5+s21+$0x0], $0xffff  }
0x66: {  	v9 =	vld.idx.msk [tilespmem:v5+s20+$0x0], $0xffff;
	v5 =	vor.u32 s30, v1  }
0x67: {  	v11 =	vld.idx.msk [tilespmem:v4+s21+$0x0], $0xffff  }
0x68: {  	v19 =	vld.idx.msk [tilespmem:v10+s12+$0x0], $0xffff  }
0x69: {  	v13 =	vld.idx.msk [tilespmem:v7+s13+$0x0], $0xffff  }
0x6a: {  	v4 =	vshll.u32 v5, $0x3;
	v14 =	vld.idx.msk [tilespmem:v7+s1+$0x0], $0xffff  }
0x6b: {  	s31 =	simm.s32 $0x6;
	v15 =	vor.u32 v2, v4;
	v16 =	vld.idx.msk [tilespmem:v5+s21+$0x0], $0xffff  }
0x6c: {  	v17 =	vor.u32 s31, v1;
	v4 =	vld.idx.msk [tilespmem:v5+s20+$0x0], $0xffff  }
0x6d: {  	v18 =	vshll.u32 v17, $0x3;
	v5 =	vld.idx.msk [tilespmem:v10+s13+$0x0], $0xffff  }
0x6e: {  	v18 =	vor.u32 v2, v18;
	v7 =	vld.idx.msk [tilespmem:v7+s12+$0x0], $0xffff  }
0x6f: {  	v10 =	vld.idx.msk [tilespmem:v10+s1+$0x0], $0xffff  }
0x70: {  	v20 =	vld.idx.msk [tilespmem:v15+s13+$0x0], $0xffff;
	v13 =	vmul.f32 v13, v13  }
0x71: {  	v21 =	vld.idx.msk [tilespmem:v15+s12+$0x0], $0xffff  }
0x72: {  	v22 =	vld.idx.msk [tilespmem:v15+s1+$0x0], $0xffff;
	v8 =	vmul.f32 v8, v13;
	v13 =	vmul.f32 v5, v5  }
0x73: {  	v14 =	vadd.f32 v7, v14;
	v5 =	vld.idx.msk [tilespmem:v18+s13+$0x0], $0xffff  }
0x74: {  	v7 =	vadd.f32 v8, v6;
	v8 =	vmul.f32 v11, v13;
	v6 =	vld.idx.msk [tilespmem:v18+s12+$0x0], $0xffff  }
0x75: {  	v13 =	vmul.f32 v9, v14;
	v9 =	vld.idx.msk [tilespmem:v18+s1+$0x0], $0xffff;
	v11 =	vadd.f32 v19, v10  }
0x76: {  	v63 =	vmul.f32 v20, v20;
	v7 =	vadd.f32 v8, v7;
	v8 =	vld.idx.msk [tilespmem:v17+s21+$0x0], $0xffff  }
0x77: {  	v10 =	vld.idx.msk [tilespmem:v17+s20+$0x0], $0xffff;
	v14 =	vmul.f32 v13, v14;
	v15 =	vmul.f32 v12, v11  }
0x78: {  	s28 =	simm.s32 $0xE;
	v12 =	vmul.f32 v16, v63;
	v13 =	vadd.f32 v21, v22  }
.LBB2_5:
0x79: {  	p0 =	sne.s32 s28, $0x1BE;
	v3 =	vadd.f32 v14, v3;
	v11 =	vmul.f32 v15, v11;
	v5 =	vmul.f32 v5, v5;
	s0 =	smov.u32 s28;
	s28 =	sadd.s32 $0x8, s28  }
0x7a: {  	v6 =	vadd.f32 v6, v9;
	v4 =	vmul.f32 v4, v13  }
0x7b: {  	v7 =	vadd.f32 v12, v7;
	v3 =	vadd.f32 v11, v3;
	v5 =	vmul.f32 v8, v5  }
0x7c: {  	v8 =	vmul.f32 v10, v6;
	v4 =	vmul.f32 v4, v13  }
0x7d: {  	v5 =	vadd.f32 v5, v7  }
0x7e: {  	s29 =	sadd.s32 $0xFFFFFFFA, s0;
	v3 =	vadd.f32 v4, v3;
	v4 =	vmul.f32 v8, v6  }
0x7f: {  	v6 =	vor.u32 s29, v1;
	[tilespmem:$0x3650] =	vst v5  }
0x80: {  	s29 =	sadd.s32 $0xFFFFFFFC, s0;
	v5 =	vshll.u32 v6, $0x3;
	v3 =	vadd.f32 v4, v3  }
0x81: {  	v5 =	vor.u32 v2, v5;
	v4 =	vor.u32 s29, v1  }
0x82: {  	v8 =	vshll.u32 v4, $0x3;
	v7 =	vld [tilespmem:$0x3650];
	[tilespmem:$0x3640] =	vst v3  }
0x83: {  	v8 =	vor.u32 v2, v8;
	v3 =	vld [tilespmem:$0x3640]  }
0x84: {  	s29 =	sadd.s32 $0xFFFFFFFE, s0;
	v9 =	vld.idx.msk [tilespmem:v6+s21+$0x0], $0xffff  }
0x85: {  	v10 =	vld.idx.msk [tilespmem:v6+s20+$0x0], $0xffff;
	v6 =	vor.u32 s29, v1  }
0x86: {  	v12 =	vld.idx.msk [tilespmem:v4+s20+$0x0], $0xffff;
	v11 =	vshll.u32 v6, $0x3  }
0x87: {  	v13 =	vld.idx.msk [tilespmem:v4+s21+$0x0], $0xffff;
	v11 =	vor.u32 v2, v11  }
0x88: {  	v14 =	vld.idx.msk [tilespmem:v5+s13+$0x0], $0xffff  }
0x89: {  	v15 =	vld.idx.msk [tilespmem:v5+s1+$0x0], $0xffff  }
0x8a: {  	v17 =	vor.u32 s0, v1;
	v16 =	vld.idx.msk [tilespmem:v6+s21+$0x0], $0xffff  }
0x8b: {  	v4 =	vld.idx.msk [tilespmem:v6+s20+$0x0], $0xffff;
	v6 =	vshll.u32 v17, $0x3  }
0x8c: {  	v18 =	vld.idx.msk [tilespmem:v8+s13+$0x0], $0xffff;
	v19 =	vor.u32 v2, v6  }
0x8d: {  	v6 =	vld.idx.msk [tilespmem:v5+s12+$0x0], $0xffff  }
0x8e: {  	v5 =	vmul.f32 v14, v14;
	v14 =	vld.idx.msk [tilespmem:v8+s12+$0x0], $0xffff  }
0x8f: {  	v20 =	vld.idx.msk [tilespmem:v11+s13+$0x0], $0xffff  }
0x90: {  	v9 =	vmul.f32 v9, v5;
	v8 =	vld.idx.msk [tilespmem:v8+s1+$0x0], $0xffff  }
0x91: {  	v5 =	vld.idx.msk [tilespmem:v19+s13+$0x0], $0xffff  }
0x92: {  	v7 =	vadd.f32 v9, v7;
	v9 =	vmul.f32 v18, v18;
	v18 =	vld.idx.msk [tilespmem:v11+s12+$0x0], $0xffff  }
0x93: {  	v15 =	vadd.f32 v6, v15;
	v21 =	vld.idx.msk [tilespmem:v11+s1+$0x0], $0xffff  }
0x94: {  	v13 =	vmul.f32 v13, v9;
	v6 =	vld.idx.msk [tilespmem:v19+s12+$0x0], $0xffff  }
.Ltmp1:
0x95: {  	v10 =	vmul.f32 v10, v15;
	v9 =	vld.idx.msk [tilespmem:v19+s1+$0x0], $0xffff;
	(pc) =	sbr.rel @p0 .LBB2_5-.Ltmp1, $4  }
0x96: {  	v11 =	vadd.f32 v14, v8;
	v7 =	vadd.f32 v13, v7;
	v13 =	vmul.f32 v20, v20;
	v8 =	vld.idx.msk [tilespmem:v17+s21+$0x0], $0xffff  }
0x97: {  	v14 =	vmul.f32 v10, v15;
	v10 =	vld.idx.msk [tilespmem:v17+s20+$0x0], $0xffff  }
0x98: {  	v15 =	vmul.f32 v12, v11;
	v12 =	vmul.f32 v16, v13  }
0x99: {  	v13 =	vadd.f32 v18, v21  }
0x9a: {  	v3 =	vadd.f32 v14, v3  }
0x9b: {  	v11 =	vmul.f32 v15, v11;
	v6 =	vadd.f32 v6, v9;
	v4 =	vmul.f32 v4, v13  }
0x9c: {  	v5 =	vmul.f32 v5, v5  }
0x9d: {  	s26 =	sadd.s32 $0x1, s26;
	v3 =	vadd.f32 v11, v3;
	v9 =	vmul.f32 v10, v6;
	v4 =	vmul.f32 v4, v13  }
0x9e: {  	v7 =	vadd.f32 v12, v7;
	p0 =	sne.s32 s26, $0x7;
	v5 =	vmul.f32 v8, v5  }
.Ltmp2:
0x9f: {  	v63 =	vmul.f32 v9, v6;
	v3 =	vadd.f32 v4, v3;
	(pc) =	sbr.rel @p0 .LBB2_2-.Ltmp2, $4  }
0xa0: {  	v5 =	vadd.f32 v5, v7  }
0xa1: {  	v3 =	vadd.f32 v63, v3  }
0xa2: {  	[tilespmem:$0x3650] =	vst v5  }
0xa3: {  	[tilespmem:$0x3640] =	vst v3  }
0xa4: {  	[hbm4b:s9+s1] =	stream.linear.scatter [tilespmem:s22], [sflag:$0x2], $0x10, $0x38;
	[tilespmem:$0x3660] =	vst v63  }
0xa5: {  	s25 =	sadd.s32 $0x1, s25;
	_ =	swait.ge [sflag:s23], $0x10  }
0xa6: {  	p0 =	sne.s32 s25, s11;
	[sflag:s23] =	ssyncset.done $0x0  }
.Ltmp3:
0xa7: {  	[sflag:s23] =	ssyncadd.s32 $0xFFFFFFF0;
	(pc) =	sbr.rel @p0 .LBB2_1-.Ltmp3, $4  }
0xa8: {  	[hbm4b:s10+s1] =	stream.linear.scatter [tilespmem:s24], [sflag:$0x2], $0x10, $0x38;
	[tilespmem:$0x3660] =	vst v63  }
0xa9: {  	_ =	swait.ge [sflag:s23], $0x10  }
0xaa: {  	[sflag:s23] =	ssyncset.done $0x0  }
0xab: {  	[sflag:s23] =	ssyncadd.s32 $0xFFFFFFF0  }
0xac: {  	_ =	sfence.sel $0x180000  }
0xad: {  	[bflag:$0x0] =	sbarrier.arrive $0xFFFF  }
0xae: {  	_ =	strace $0x90000050  }
0xaf: {  	[bflag:$0x2] =	sbarrier.arrive $0xFFFF  }
0xb0: {  	p0 =	sne.s32 s4, $0x0;
	s0 =	rddreg [dreg:$0x1]  }
0xb1: {  	s0 =	sadd.s32 @!p0 $0x100000, s0  }
0xb2: {  	[sflag:s0] =	ssyncadd.tile.s32 @!p0 $0x1;
	_ =	shalt  }
.Lfunc_end2:
_tile_overlayer_lowered:
.L_overlay_start_2:
0xb3: {  	(tag) =	ssettag $0x2  }
0xb4: {  	s0 =	rddreg [dreg:$0x0];
	s2 =	stileid.u32  }
0xb5: {  	s1 =	rddreg [dreg:$0x1];
	p0 =	sne.s32 s2, $0x0  }
0xb6: {  	s3 =	rddreg [dreg:$0x2];
	[bflag:$0x3] =	sbarrier.arrive $0xFFFF;
	s2 =	simm.s32 @!p0 $0x1C02  }
0xb7: {  	[timem:s3], [sflag:s2] =	dma.local @!p0 [hbm:s0], s1  }
0xb8: {  	s0 =	simm.s32 @!p0 $0x2  }
0xb9: {  	_ =	swait.ge @!p0 [sflag:s0], s1  }
0xba: {  	s1 =	ssub.s32 @!p0 $0x0, s1;
	[sflag:s0] =	ssyncset.done @!p0 $0x0  }
0xbb: {  	[sflag:s0] =	ssyncadd.s32 @!p0 s1  }
0xbc: {  	[bflag:$0x3] =	sbarrier.arrive $0xFFFF  }
0xbd: {  	_ =	shalt  }

// kernel: sparse-core-data-format-call.cloned.1.call-start
scs
called_computation_lowered:
.L_overlay_start_0:
0x0: {  	s2 =	sld [smem:$0x3FD9]  }
0x1: {  	s3 =	sld [smem:$0x3FFE];
	_ =	sdelay $0x1  }
0x2: {  	s1 =	srdreg.scid  }
0x3: {  	s0 =	sand.u32 $0x1, s1  }
0x4: {  	s18 =	sshll.u32 s0, $0xA;
	s2 =	sadd.s32 s3, s2  }
0x5: {  	s2 =	sadd.s32 s2, s18  }
0x6: {  	[smem:$0x3FC5] =	sst s2  }
0x7: {  	_ = 	snop  }
0x8: {  	s2 =	sld [smem:$0x3FC8];
	(tm) =	ssettm $0x1  }
0x9: {  	s19 =	sld [smem:$0x3FFB];
	_ =	sdelay $0x3  }
0xa: {  	_ =	strace s19  }
0xb: {  	s3 =	sld [smem:$0x3FFC];
	_ =	sdelay $0x3  }
0xc: {  	_ =	strace s3  }
0xd: {  	s3 =	sld [smem:$0x3FFD];
	_ =	sdelay $0x3  }
0xe: {  	_ =	strace s3  }
0xf: {  	_ =	strace $0x8FFFFFFF  }
0x10: {  	s20 =	sld [smem:$0x3FDB];
	_ =	sdelay $0x1  }
0x11: {  	s4 =	simm.s32 $_scs_section_size  }
0x12: {  	s5 =	simm.s32 $_size__tile_overlayer_lowered;
	s6 =	simm.s32 $_tile_overlayer_lowered  }
0x13: {  	s23 =	simm.s32 $0x1BFF;
	s22 =	sshll.u32 s6, $0x1;
	s3 =	sadd.s32 s4, s20  }
0x14: {  	s7 =	simm.s32 $0x0;
	s21 =	sshll.u32 s5, $0x1;
	s5 =	sadd.s32 s22, s3  }
0x15: {  	[timem:s7], [sflag:s23] =	dma.local [hbm:s5], s21  }
0x16: {  	_ =	swait.ge [sflag:s23], s21  }
0x17: {  	s4 =	ssub.s32 $0x0, s21;
	[sflag:s23] =	ssyncset.done $0x0  }
0x18: {  	[sflag:s23] =	ssyncadd.s32 s4;
	_ =	sdelay $0x1  }
0x19: {  	s24 =	simm.s32 $0x1B8B  }
0x1a: {  	_ =	swait.ge [sflag:s24], $0x1  }
0x1b: {  	[sflag:s24] =	ssyncset.done $0x0  }
0x1c: {  	s26 =	simm.s32 $0x1B8E;
	s25 =	sld [smem:$0x3FFE];
	[sflag:s24] =	ssyncadd.s32 $0xFFFFFFFF  }
0x1d: {  	s27 =	simm.s32 $execute0_lowered;
	[smem:$0x3FD2] =	sst s26  }
0x1e: {  	s5 =	sshll.u32 s27, $0x1;
	_ =	strace $0x80000046;
	[dreg:$0x1] =	wrdreg $0xFFFFFFFF  }
0x1f: {  	s28 =	simm.s32 $_size_execute0_lowered;
	s3 =	sadd.s32 s3, s5;
	[dreg:$0x0] =	wrdreg $0x0  }
0x20: {  	s5 =	sshll.u32 s28, $0x1;
	[dreg:$0x2] =	wrdreg s3  }
0x21: {  	[dreg:$0x3] =	wrdreg s5  }
0x22: {  	[dreg:$0x4] =	wrdreg $0xC0  }
0x23: {  	_ =	task [dreg:s7], $0x5FFFF  }
0x24: {  	[dreg:$0x1] =	wrdreg $0xFFFFFFFF  }
0x25: {  	[dreg:$0x0] =	wrdreg $0x60  }
0x26: {  	[dreg:$0x2] =	wrdreg s2  }
0x27: {  	[dreg:$0x3] =	wrdreg s25  }
0x28: {  	[dreg:$0x4] =	wrdreg $0x9  }
0x29: {  	_ =	task.clear_ibuf [dreg:s7], $0x5FFFF;
	_ =	strace $0x90000046  }
0x2a: {  	s29 =	simm.s32 $0x9;
	_ =	strace $0x80000048  }
0x2b: {  	_ =	swait.ge [sflag:s29], $0x1  }
0x2c: {  	[sflag:s29] =	ssyncadd.s32 $0xFFFFFFFF  }
0x2d: {  	_ =	strace $0x90000048  }
0x2e: {  	_ =	sfence  }
0x2f: {  	s30 =	sld [smem:$0x0];
	_ =	sdelay $0x2  }
0x30: {  	s31 =	sshll.u32 s1, $0xD;
	s1 =	sshrl.u32 s1, $0x2  }
0x31: {  	s3 =	sand.u32 $0x4000, s31;
	s1 =	sadd.s32 s1, s30  }
0x32: {  	s0 =	sor.u32 s3, s0;
	s1 =	sshll.u32 s1, $0x11  }
0x33: {  	s0 =	sor.u32 s1, s0  }
0x34: {  	s0 =	sadd.s32 $0x8F2B, s0  }
0x35: {  	[sflag:s0] =	ssyncadd.remote.s32 $0x1  }
0x36: {  	_ =	sfence.sel $0xFFFF  }
0x37: {  	[dreg:$0x0] =	wrdreg $0xFFFFFFFF;
	(pc) =	sbr.abs _section_cstart, $3  }
0x38: {  	[dreg:$0x1] =	wrdreg $0xFFFFFFFF  }
0x39: {  	_ =	task.clear_ibuf [dreg:s7], $0x2FFFF;
	_ =	strace $0x9FFFFFFF  }
0x3a: {  	(tm) =	ssettm $0x7FFFFFFF  }
0x3b: {  	_ =	shalt  }
tec
execute0_lowered:
.L_overlay_start_1:
0x0: {  	(tag) =	ssettag $0x1  }
0x1: {  	s0 =	stileid.u32;
	s7 =	rddreg [dreg:$0x0]  }
0x2: {  	s1 =	srdreg.scid;
	s4 =	rddreg [dreg:$0x1]  }
0x3: {  	s30 =	simm.s32 $0x2;
	s10 =	simm.s32 $0x0;
	s14 =	simm.s32 $0x0  }
0x4: {  	s15 =	simm.s32 $0x0;
	s11 =	simm.s32 $0x0;
	s13 =	simm.s32 $0x0  }
0x5: {  	s2 =	sand.u32 $0x1, s1;
	s3 =	sshll.u32 s0, $0x7;
	s1 =	rddreg [dreg:$0x2]  }
0x6: {  	_ =	strace $0x80000047;
	s5 =	ssub.s32 $0xC300, s3;
	s6 =	ssub.s32 $0x2, s2  }
.Ltmp0:
0x7: {  	s5 =	sshrl.u32 s5, $0xB;
	s8 =	sshrl.u32 s6, $0x1;
	(pc) =	sbr.rel .LBB1_1-.Ltmp0, $4  }
0x8: {  	s4 =	sadd.s32 $0xC00, s4;
	s9 =	sadd.s32 $0x1, s5;
	s6 =	ssub.s32 s6, s8  }
0x9: {  	s31 =	sshll.u32 s2, $0x4;
	s5 =	simm.s32 $0x1;
	s6 =	smul.u32 s9, s6  }
0xa: {  	s12 =	smov.u32 s3;
	s7 =	sadd.s32 s7, s31;
	[sflag:s5] =	ssyncpa.u1 $0x0  }
0xb: {  	s9 =	simm.s32 $0x0;
	[sflag:s30] =	ssyncpa.u1 $0x0;
	s8 =	sadd.s32 $0x1, s6  }
.LBB1_4:
0xc: {  	s21 =	simm.s32 $0x0  }
.LBB1_8:
0xd: {  	_ =	sdelay $0x3  }
0xe: {  	v6 =	vld [tilespmem:s18+$0xFFFFFFC0];
	[tilespmem:v0+s20+$0x30 ss:$0x1] =	vst.idx.msk @p0 $0xffff, v2  }
0xf: {  	v58 =	vld [tilespmem:s18+$0xFFFFFFD0];
	[tilespmem:v0+s20+$0x40 ss:$0x1] =	vst.idx.msk @p0 $0xffff, v3;
	s21 =	sadd.s32 @p0 $0x80, s21  }
0x10: {  	v59 =	vld [tilespmem:s18+$0xFFFFFFE0];
	[tilespmem:v0+s20+$0x50 ss:$0x1] =	vst.idx.msk @p0 $0xffff, v5;
	s19 =	smov.u32 @p0 s21  }
0x11: {  	v60 =	vld [tilespmem:s18+$0xFFFFFFF0];
	[tilespmem:v0+s20+$0x60 ss:$0x1] =	vst.idx.msk @p0 $0xffff, v4;
	s19 =	sand.u32 $0x3F80, s19  }
0x12: {  	v61 =	vld [tilespmem:s18+$0x0];
	[tilespmem:v0+s19+$0x70 ss:$0x1] =	vst.idx.msk $0xffff, v1  }
0x13: {  	v62 =	vld [tilespmem:s18+$0x10];
	[tilespmem:v0+s19+$0x0 ss:$0x1] =	vst.idx.msk $0xffff, v6  }
0x14: {  	v63 =	vld [tilespmem:s18+$0x20];
	[tilespmem:v0+s19+$0x10 ss:$0x1] =	vst.idx.msk $0xffff, v58  }
0x15: {  	[tilespmem:v0+s19+$0x20 ss:$0x1] =	vst.idx.msk $0xffff, v59  }
0x16: {  	[tilespmem:v0+s19+$0x30 ss:$0x1] =	vst.idx.msk $0xffff, v60  }
0x17: {  	[tilespmem:v0+s19+$0x40 ss:$0x1] =	vst.idx.msk $0xffff, v61  }
0x18: {  	[tilespmem:v0+s19+$0x50 ss:$0x1] =	vst.idx.msk $0xffff, v62  }
0x19: {  	[tilespmem:v0+s19+$0x60 ss:$0x1] =	vst.idx.msk $0xffff, v63  }
.LBB1_9:
0x1a: {  	s18 =	sand.u32 $0x1FFFFFF, s11  }
0x1b: {  	s19 =	smulhi.u32 $0x14F8B59, s18;
	_ =	sdelay $0x1  }
0x1c: {  	s19 =	sshrl.u32 s19, $0x8  }
0x1d: {  	s19 =	smul.u32 $0xC350, s19  }
0x1e: {  	s15 =	smul.u32 $0xC3500, s15  }
0x1f: {  	s18 =	ssub.s32 s18, s19  }
0x20: {  	s15 =	sadd.s32 s4, s15;
	s18 =	sshll.u32 s18, $0x4  }
0x21: {  	s15 =	sadd.s32 s18, s15  }
0x22: {  	[hbm4b:s15+s9] =	stream.linear.scatter [tilespmem:s17], [sflag:$0x2], s16, $0x38;
	[tilespmem:$0x10000] =	vst v63  }
.LBB1_10:
0x23: {  	p0 =	slt.u32 s13, $0x2  }
0x24: {  	p1 =	sgt.s32 @!p0 s14, $0xC2D0  }
0x25: {  	s15 =	smov.u32 s14;
	s16 =	sshra.s32 @!p0 s14, $0x1F;
	p1 =	por !p1, p0  }
0x26: {  	s14 =	sand.u32 @!p0 s16, s14;
	s15 =	simm.s32 @p1 $0xC2D0  }
0x27: {  	s14 =	ssub.s32 @!p0 s15, s14  }
0x28: {  	s14 =	sadd.s32 @!p0 $0xFFFF3D30, s14  }
0x29: {  	s15 =	sshll.u32 @!p0 s14, $0x7  }
0x2a: {  	p1 =	sgt.s32 @!p0 s14, $0x7F;
	s14 =	ssub.s32 @!p0 $0x4000, s15  }
0x2b: {  	s16 =	sadd.s32 $0x800, s12;
	p1 =	por !p1, p0;
	s14 =	sand.u32 @!p0 $0x3FFFFF80, s14  }
0x2c: {  	s14 =	simm.s32 @!p1 $0x0;
	p1 =	sgt.s32 s16, $0xC34F  }
0x2d: {  	s16 =	smov.u32 @p1 s3;
	p1 =	sne.s32 s13, s8  }
.Ltmp1:
0x2e: {  	_ = 	snop;
	(pc) =	sbr.rel @!p1 .LBB1_11-.Ltmp1, $4  }
0x2f: {  	s10 =	sadd.s32 $0x4000, s10;
	s15 =	simm.s32 @!p0 $0x2  }
0x30: {  	_ =	swait.ge @!p0 [sflag:s15], s14;
	s17 =	ssub.s32 @!p0 $0x0, s14;
	s14 =	smov.u32 s11  }
0x31: {  	s13 =	sadd.s32 $0x1, s13;
	s11 =	smov.u32 s12;
	[sflag:s15] =	ssyncset.done @!p0 $0x0  }
0x32: {  	s12 =	smov.u32 s16;
	[sflag:s15] =	ssyncadd.s32 @!p0 s17;
	s15 =	smov.u32 s2  }
.LBB1_1:
0x33: {  	p0 =	sge.u32 s13, s6  }
0x34: {  	p1 =	sgt.s32 @!p0 s12, $0xC2D0  }
0x35: {  	s16 =	smov.u32 s12;
	s17 =	sshra.s32 @!p0 s12, $0x1F;
	p1 =	por !p1, p0  }
0x36: {  	s17 =	sand.u32 @!p0 s17, s12;
	s16 =	simm.s32 @p1 $0xC2D0  }
0x37: {  	s16 =	ssub.s32 @!p0 s16, s17  }
0x38: {  	s31 =	sadd.s32 $0xFFFFFFFF, s13;
	s18 =	sxor.u32 @!p0 $0xFFFFFFFF, s13;
	s16 =	sadd.s32 @!p0 $0xFFFF3D30, s16  }
0x39: {  	s19 =	simm.s32 @!p0 $0x80;
	s20 =	simm.s32 @!p0 $0x100;
	s17 =	sshll.u32 @!p0 s16, $0x7  }
0x3a: {  	p1 =	sgt.s32 @!p0 s16, $0x7F;
	s16 =	ssub.s32 @!p0 $0x4000, s17;
	s17 =	sshll.u32 @!p0 s18, $0xE  }
0x3b: {  	p1 =	por !p1, p0;
	s18 =	sshll.u32 @!p0 s12, $0x5;
	s16 =	sand.u32 @!p0 $0x3FFFFF80, s16  }
0x3c: {  	s17 =	sand.u32 @!p0 $0x4000, s17;
	s18 =	sadd.s32 @!p0 s18, s7;
	s16 =	simm.s32 @!p1 $0x0  }
0x3d: {  	[tilespmem:s17], [sflag:$0x1] =	stream.strided.gather @!p0 [hbm4b:s18+s19], s16, s20, s19, $0x38;
	[tilespmem:$0x10000] =	vst v63  }
0x3e: {  	p0 =	sge.u32 s31, s6  }
.Ltmp2:
0x3f: {  	_ = 	snop;
	(pc) =	sbr.rel @p0 .LBB1_10-.Ltmp2, $1  }
0x40: {  	_ =	sdelay $0x3  }
0x41: {  	p0 =	sgt.s32 s11, $0xC2D0;
	s16 =	smov.u32 s11;
	s17 =	sshra.s32 s11, $0x1F  }
0x42: {  	s16 =	simm.s32 @!p0 $0xC2D0;
	s17 =	sand.u32 s17, s11  }
0x43: {  	s16 =	ssub.s32 s16, s17  }
0x44: {  	s16 =	sadd.s32 $0xFFFF3D30, s16  }
0x45: {  	s30 =	sshll.u32 s16, $0x7  }
0x46: {  	s17 =	ssub.s32 $0x4000, s30  }
0x47: {  	p0 =	sgt.s32 s16, $0x7F;
	s16 =	sand.u32 $0x3FFFFF80, s17;
	s17 =	sadd.s32 $0x80, s11  }
0x48: {  	s16 =	simm.s32 @p0 $0x0;
	p0 =	slt.s32 s17, $0xC350  }
0x49: {  	s17 =	simm.s32 @!p0 $0xC350  }
0x4a: {  	s20 =	ssub.s32 s17, s11  }
0x4b: {  	p0 =	slt.s32 s20, $0x1  }
.Ltmp3:
0x4c: {  	_ = 	snop;
	(pc) =	sbr.rel @p0 .LBB1_9-.Ltmp3, $4  }
0x4d: {  	_ = 	snop  }
0x4e: {  	s19 =	sshll.u32 s13, $0xE;
	_ =	swait.ge [sflag:s5], s16  }
0x4f: {  	s31 =	sand.u32 $0x4000, s19;
	s18 =	ssub.s32 $0x0, s16;
	[sflag:s5] =	ssyncset.done $0x0  }
0x50: {  	s17 =	sor.u32 $0x8000, s31;
	[sflag:s5] =	ssyncadd.s32 s18  }
0x51: {  	p1 =	sne.s32 s20, $0x1  }
.Ltmp4:
0x52: {  	v0 =	vmov s17;
	(pc) =	sbr.rel @!p1 .LBB1_4-.Ltmp4, $4  }
0x53: {  	_ = 	snop  }
0x54: {  	s18 =	sand.u32 $0x4000, s10  }
0x55: {  	s18 =	sor.u32 $0x40, s18  }
0x56: {  	s19 =	simm.s32 $0x0;
	s21 =	sadd.s32 $0xFFFFFFFF, s20;
	p0 =	por $0x0, $0x0;
	v1 =	vld [tilespmem:s18+$0x30]  }
0x57: {  	v4 =	vld [tilespmem:s18+$0xFFFFFFC0]  }
0x58: {  	v6 =	vld [tilespmem:s18+$0xFFFFFFD0]  }
0x59: {  	v7 =	vld [tilespmem:s18+$0xFFFFFFE0];
	p1 =	sne.s32 s21, $0x1  }
.Ltmp5:
0x5a: {  	v2 =	vld [tilespmem:s18+$0xFFFFFFF0];
	s20 =	sand.u32 $0x3F80, s19;
	(pc) =	sbr.rel @!p1 .LBB1_6-.Ltmp5, $4  }
0x5b: {  	v3 =	vld [tilespmem:s18+$0x0];
	[tilespmem:v0+s20+$0x70 ss:$0x1] =	vst.idx.msk $0xffff, v1  }
0x5c: {  	v5 =	vld [tilespmem:s18+$0x10];
	[tilespmem:v0+s20+$0x0 ss:$0x1] =	vst.idx.msk $0xffff, v4  }
0x5d: {  	v4 =	vld [tilespmem:s18+$0x20];
	[tilespmem:v0+s20+$0x10 ss:$0x1] =	vst.idx.msk $0xffff, v6;
	s18 =	sadd.s32 $0x80, s18  }
0x5e: {  	s22 =	sadd.s32 $0xFFFFFFFF, s21;
	p0 =	por $0x1, $0x1;
	s21 =	simm.s32 $0x0;
	[tilespmem:v0+s20+$0x20 ss:$0x1] =	vst.idx.msk $0xffff, v7;
	v1 =	vld [tilespmem:s18+$0x30]  }
.LBB1_7:
0x5f: {  	p1 =	sne.s32 s22, $0x1;
	v6 =	vld [tilespmem:s18+$0xFFFFFFC0];
	[tilespmem:v0+s20+$0x30 ss:$0x1] =	vst.idx.msk $0xffff, v2  }
0x60: {  	v7 =	vld [tilespmem:s18+$0xFFFFFFD0];
	[tilespmem:v0+s20+$0x40 ss:$0x1] =	vst.idx.msk $0xffff, v3  }
0x61: {  	s21 =	sadd.s32 $0x80, s21;
	v8 =	vld [tilespmem:s18+$0xFFFFFFE0];
	[tilespmem:v0+s20+$0x50 ss:$0x1] =	vst.idx.msk $0xffff, v5  }
.Ltmp6:
0x62: {  	v2 =	vld [tilespmem:s18+$0xFFFFFFF0];
	[tilespmem:v0+s20+$0x60 ss:$0x1] =	vst.idx.msk $0xffff, v4;
	s20 =	sand.u32 $0x3F80, s21;
	(pc) =	sbr.rel @p1 .LBB1_7-.Ltmp6, $4  }
0x63: {  	v3 =	vld [tilespmem:s18+$0x0];
	[tilespmem:v0+s20+$0x70 ss:$0x1] =	vst.idx.msk $0xffff, v1  }
0x64: {  	[tilespmem:v0+s20+$0x0 ss:$0x1] =	vst.idx.msk $0xffff, v6;
	v5 =	vld [tilespmem:s18+$0x10]  }
0x65: {  	[tilespmem:v0+s20+$0x10 ss:$0x1] =	vst.idx.msk $0xffff, v7;
	v4 =	vld [tilespmem:s18+$0x20];
	s18 =	sadd.s32 $0x80, s18  }
0x66: {  	s22 =	sadd.s32 $0xFFFFFFFF, s22;
	v1 =	vld [tilespmem:s18+$0x30];
	[tilespmem:v0+s20+$0x20 ss:$0x1] =	vst.idx.msk $0xffff, v8  }
.Ltmp7:
0x67: {  	_ = 	snop;
	(pc) =	sbr.rel .LBB1_8-.Ltmp7, $1  }
0x68: {  	_ =	sdelay $0x3  }
.LBB1_6:
.Ltmp8:
0x69: {  	(pc) =	sbr.rel .LBB1_8-.Ltmp8, $2  }
0x6a: {  	_ =	sdelay $0x2  }
0x6b: {  	s21 =	simm.s32 $0x0  }
.LBB1_11:
0x6c: {  	_ =	sfence.sel $0x180000  }
0x6d: {  	s2 =	simm.s32 $0x1;
	[bflag:$0x0] =	sbarrier.arrive $0xFFFF  }
0x6e: {  	s31 =	simm.s32 $0x2;
	[sflag:s2] =	ssyncpa.u1 $0x1  }
0x6f: {  	[sflag:s31] =	ssyncpa.u1 $0x1  }
0x70: {  	p0 =	sne.s32 s0, $0x0;
	_ =	strace $0x90000047  }
0x71: {  	s0 =	sadd.s32 @!p0 $0x100000, s1;
	[bflag:$0x2] =	sbarrier.arrive $0xFFFF  }
0x72: {  	[sflag:s0] =	ssyncadd.tile.s32 @!p0 $0x1;
	_ =	shalt  }
.Lfunc_end1:
_tile_overlayer_lowered:
.L_overlay_start_2:
0x73: {  	(tag) =	ssettag $0x2  }
0x74: {  	s0 =	rddreg [dreg:$0x0];
	s2 =	stileid.u32  }
0x75: {  	s1 =	rddreg [dreg:$0x1];
	p0 =	sne.s32 s2, $0x0  }
0x76: {  	s3 =	rddreg [dreg:$0x2];
	[bflag:$0x3] =	sbarrier.arrive $0xFFFF;
	s2 =	simm.s32 @!p0 $0x1C01  }
0x77: {  	[timem:s3], [sflag:s2] =	dma.local @!p0 [hbm:s0], s1  }
0x78: {  	s0 =	simm.s32 @!p0 $0x1  }
0x79: {  	_ =	swait.ge @!p0 [sflag:s0], s1  }
0x7a: {  	s1 =	ssub.s32 @!p0 $0x0, s1;
	[sflag:s0] =	ssyncset.done @!p0 $0x0  }
0x7b: {  	[sflag:s0] =	ssyncadd.s32 @!p0 s1  }
0x7c: {  	[bflag:$0x3] =	sbarrier.arrive $0xFFFF  }
0x7d: {  	_ =	shalt  }

</sc_bundles>
